<compile_context>
chip_gen: v7x
topology: tpu7x:2x2x1
jax: 0.10.2.dev20260603
libtpu: 0.0.44.dev20260713+nightly
codegen_flags: <defaults>
</compile_context>

<pallas_src>
import functools

import jax
import jax.numpy as jnp
from jax import lax
from jax.experimental import pallas as pl
from jax.experimental.pallas import tpu as pltpu
from jax.experimental.pallas import tpu_sc as plsc

VOCAB = 10000
D = 64
BATCH = 4096
SEQ = 200

NC = 2
NS = 16
NW = NC * NS

BB = BATCH // NW
SP = 2
NBLK = SEQ // SP
NB = 2
PAD = 8

_mesh = plsc.VectorSubcoreMesh(
    core_axis_name="c", subcore_axis_name="s", num_cores=NC, num_subcores=NS
)


@functools.partial(
    pl.kernel,
    out_type=jax.ShapeDtypeStruct((SEQ, D // 8, BATCH // BB, 8, BB), jnp.float32),
    mesh=_mesh,
    scratch_types=[
        pltpu.VMEM((BB, SEQ), jnp.int32),
        pltpu.VMEM((SEQ, BB), jnp.int32),
        [pltpu.VMEM((SP * BB, D), jnp.float32)] * NB,
        [pltpu.VMEM((SP, D // 8, 8, BB + PAD), jnp.float32)] * NB,
        pltpu.SemaphoreType.DMA,
        pltpu.SemaphoreType.DMA,
    ],
    compiler_params=pltpu.CompilerParams(
        use_tc_tiling_on_sc=False, needs_layout_passes=False
    ),
)
def _embed_lookup(idx_hbm, table_hbm, out_hbm, idx_v, idx_vt, gbufs, tbufs,
                  gsem, osem):
    wid = lax.axis_index("s") * NC + lax.axis_index("c")
    wbase = wid * BB

    pltpu.sync_copy(idx_hbm.at[pl.ds(wbase, BB)], idx_v)
    iota = lax.iota(jnp.int32, 16)
    rows = [iota + 16 * k for k in range(BB // 16)]
    dtv = [(iota + 16 * k) // 8 for k in range(D // 16)]
    drv = [(iota + 16 * k) % 8 for k in range(D // 16)]

    def transpose_idx(lo, hi):
        @plsc.parallel_loop(lo, hi, unroll=4)
        def _(s):
            col = jnp.full((16,), s, jnp.int32)
            for seg in range(BB // 16):
                v = plsc.load_gather(idx_v, [rows[seg], col])
                idx_vt[s, pl.ds(seg * 16, 16)] = v

    def gather(blk, slot):
        for e in range(SP):
            pltpu.async_copy(
                table_hbm.at[idx_vt.at[blk * SP + e]],
                gbufs[slot].at[pl.ds(e * BB, BB)],
                gsem,
            )

    transpose_idx(0, SP * NB)
    for b in range(NB):
        gather(b, b)
    transpose_idx(SP * NB, SEQ)

    @pl.loop(0, NBLK, step=NB)
    def _(g):
        for b in range(NB):
            blk = g + b

            @pl.when(blk >= NB)
            def _():
                pltpu.make_async_copy(
                    tbufs[b].at[:, :, :, pl.ds(0, BB)],
                    out_hbm.at[pl.ds(0, SP), slice(None), 0],
                    osem,
                ).wait()

            for e in range(SP):
                pltpu.make_async_copy(
                    table_hbm.at[idx_vt.at[0]],
                    gbufs[b].at[pl.ds(0, BB)],
                    gsem,
                ).wait()

                @plsc.parallel_loop(0, BB, unroll=8)
                def _(bc):
                    bcv = jnp.full((16,), bc, jnp.int32)
                    vs = [
                        gbufs[b][e * BB + bc, pl.ds(16 * k, 16)]
                        for k in range(D // 16)
                    ]
                    for k in range(D // 16):
                        plsc.store_scatter(
                            tbufs[b].at[e], [dtv[k], drv[k], bcv], vs[k]
                        )

            pltpu.async_copy(
                tbufs[b].at[:, :, :, pl.ds(0, BB)],
                out_hbm.at[pl.ds(blk * SP, SP), slice(None), wid],
                osem,
            )

            @pl.when(blk + NB < NBLK)
            def _():
                gather(blk + NB, b)

    for b in range(NB):
        pltpu.make_async_copy(
            tbufs[b].at[:, :, :, pl.ds(0, BB)],
            out_hbm.at[pl.ds(0, SP), slice(None), 0],
            osem,
        ).wait()


def kernel(token_ids, embedding_table):
    x = _embed_lookup(jnp.asarray(token_ids, jnp.int32), embedding_table)
    return x.transpose(2, 4, 0, 1, 3).reshape(BATCH, SEQ, D)

# --- scband reference (transcript-rebuilt; emitter-appended) ---
"""Pipeline reference for scband-code-embedding-store-14551349199454 (READ-ONLY COPY).

The authoritative reference and input builder live on the scoring server;
editing this copy changes nothing except your own understanding.
"""

import jax, jax.numpy as jnp
import numpy as np

VOCAB_SIZE = 10000  # MAX_VOCAB_SIZE cap in the original module
EMBED_DIM = 64      # code_embedding_size
PAD_IDX = 0         # padding_idx of nn.Embedding
BATCH = 4096
SEQ = 200


def setup_inputs(seed: int = 0) -> dict:
    key = jax.random.key(seed)
    k_idx, k_tab = jax.random.split(key)
    token_ids = jax.random.randint(k_idx, (BATCH, SEQ), 0, VOCAB_SIZE, dtype=jnp.int64 if jax.config.jax_enable_x64 else jnp.int32)
    # learned parameter: embedding table, padding row zeroed (padding_idx semantics)
    embedding_table = jax.random.normal(k_tab, (VOCAB_SIZE, EMBED_DIM), dtype=jnp.float32)
    embedding_table = embedding_table.at[PAD_IDX].set(0.0)
    return {"token_ids": token_ids, "embedding_table": embedding_table}


def reference(token_ids, embedding_table):
    # get_code_embeddings: dropout(embedding(token_ids)); dropout is identity in eval mode
    emb = jnp.take(embedding_table, token_ids, axis=0)
    return emb

if __name__ == "__main__":
    import jax
    _d = setup_inputs()
    print(jax.jit(kernel)(*tuple(_d.values())))

</pallas_src>

<mosaic_0001>
#map = affine_map<(d0, d1) -> (0, 0)>
#map1 = affine_map<(d0, d1) -> (0, 0, 0, 0, 0)>
module attributes {stable_mosaic.version = 14 : i64} {
  func.func @_embed_lookup(%arg0: i32, %arg1: i32, %arg2: memref<4096x200xi32, #tpu.memory_space<hbm>>, %arg3: memref<10000x64xf32, #tpu.memory_space<hbm>>, %arg4: memref<200x8x32x8x128xf32, #tpu.memory_space<hbm>>, %arg5: memref<128x200xi32, #tpu.memory_space<vmem>>, %arg6: memref<200x128xi32, #tpu.memory_space<vmem>>, %arg7: memref<256x64xf32, #tpu.memory_space<vmem>>, %arg8: memref<256x64xf32, #tpu.memory_space<vmem>>, %arg9: memref<2x8x8x136xf32, #tpu.memory_space<vmem>>, %arg10: memref<2x8x8x136xf32, #tpu.memory_space<vmem>>, %arg11: memref<!tpu.dma_semaphore, #tpu.memory_space<semaphore_mem>>, %arg12: memref<!tpu.dma_semaphore, #tpu.memory_space<semaphore_mem>>) attributes {dimension_semantics = [#tpu.dimension_semantics<core_parallel>, #tpu.dimension_semantics<subcore_parallel>], iteration_bounds = array<i64: 2, 16>, scalar_prefetch = 0 : i64, scratch_operands = 8 : i64, tpu.core_type = #tpu.core_type<sc_vector_subcore>, window_params = [{transform_indices = #map}, {transform_indices = #map}, {transform_indices = #map1}]} {
    %mul3A = arith.constant 2 : i32
    %mul3A_0 = arith.muli %arg1, %mul3A : i32
    %add3A = arith.addi %mul3A_0, %arg0 : i32
    %mul3A_1 = arith.constant 128 : i32
    %mul3A_2 = arith.muli %add3A, %mul3A_1 : i32
    "tpu.region"() ({
      %run_scoped3A = tpu.sem_alloc : memref<!tpu.dma_semaphore, #tpu.memory_space<semaphore_mem>>
      %dma_start3A_346 = arith.constant 0 : i32
      %dma_start3A_347 = tpu.memref_slice %arg2[%mul3A_2, %dma_start3A_346] : memref<4096x200xi32, #tpu.memory_space<hbm>> -> memref<128x200xi32, #tpu.memory_space<hbm>>
      %dma_start3A_348 = arith.constant 0 : i32
      %dma_start3A_349 = tpu.memref_slice %arg2[%mul3A_2, %dma_start3A_348] : memref<4096x200xi32, #tpu.memory_space<hbm>> -> memref<128x200xi32, #tpu.memory_space<hbm>>
      tpu.enqueue_dma source(%dma_start3A_349 : memref<128x200xi32, #tpu.memory_space<hbm>>) target(%arg5 : memref<128x200xi32, #tpu.memory_space<vmem>>) target_semaphore(%run_scoped3A : memref<!tpu.dma_semaphore, #tpu.memory_space<semaphore_mem>>)
      %dma_wait3A_350 = arith.constant 0 : i32
      %dma_wait3A_351 = tpu.memref_slice %arg2[%mul3A_2, %dma_wait3A_350] : memref<4096x200xi32, #tpu.memory_space<hbm>> -> memref<128x200xi32, #tpu.memory_space<hbm>>
      %dma_wait3A_352 = arith.constant 0 : i32
      %dma_wait3A_353 = tpu.memref_slice %arg2[%mul3A_2, %dma_wait3A_352] : memref<4096x200xi32, #tpu.memory_space<hbm>> -> memref<128x200xi32, #tpu.memory_space<hbm>>
      tpu.wait_dma2 semaphore(%run_scoped3A : memref<!tpu.dma_semaphore, #tpu.memory_space<semaphore_mem>>) src(%dma_wait3A_353 : memref<128x200xi32, #tpu.memory_space<hbm>>) dst(%arg5 : memref<128x200xi32, #tpu.memory_space<vmem>>)
      tpu.yield
    }) : () -> ()
    %iota3A = tpu.iota {dimensions = array<i32: 0>} : vector<16xi32>
    %add3A_3 = arith.constant 0 : i32
    %add3A_4 = vector.broadcast %add3A_3 : i32 to vector<16xi32>
    %add3A_5 = arith.addi %iota3A, %add3A_4 : vector<16xi32>
    %add3A_6 = arith.constant 16 : i32
    %add3A_7 = vector.broadcast %add3A_6 : i32 to vector<16xi32>
    %add3A_8 = arith.addi %iota3A, %add3A_7 : vector<16xi32>
    %add3A_9 = arith.constant 32 : i32
    %add3A_10 = vector.broadcast %add3A_9 : i32 to vector<16xi32>
    %add3A_11 = arith.addi %iota3A, %add3A_10 : vector<16xi32>
    %add3A_12 = arith.constant 48 : i32
    %add3A_13 = vector.broadcast %add3A_12 : i32 to vector<16xi32>
    %add3A_14 = arith.addi %iota3A, %add3A_13 : vector<16xi32>
    %add3A_15 = arith.constant 64 : i32
    %add3A_16 = vector.broadcast %add3A_15 : i32 to vector<16xi32>
    %add3A_17 = arith.addi %iota3A, %add3A_16 : vector<16xi32>
    %add3A_18 = arith.constant 80 : i32
    %add3A_19 = vector.broadcast %add3A_18 : i32 to vector<16xi32>
    %add3A_20 = arith.addi %iota3A, %add3A_19 : vector<16xi32>
    %add3A_21 = arith.constant 96 : i32
    %add3A_22 = vector.broadcast %add3A_21 : i32 to vector<16xi32>
    %add3A_23 = arith.addi %iota3A, %add3A_22 : vector<16xi32>
    %add3A_24 = arith.constant 112 : i32
    %add3A_25 = vector.broadcast %add3A_24 : i32 to vector<16xi32>
    %add3A_26 = arith.addi %iota3A, %add3A_25 : vector<16xi32>
    %add3A_27 = arith.constant 0 : i32
    %add3A_28 = vector.broadcast %add3A_27 : i32 to vector<16xi32>
    %add3A_29 = arith.addi %iota3A, %add3A_28 : vector<16xi32>
    %jit3A = arith.constant 8 : i32
    %div3A = vector.broadcast %jit3A : i32 to vector<16xi32>
    %div3A_30 = arith.divsi %add3A_29, %div3A : vector<16xi32>
    %sign3A = arith.constant 0 : i32
    %sign3A_31 = vector.broadcast %sign3A : i32 to vector<16xi32>
    %sign3A_32 = arith.cmpi sgt, %add3A_29, %sign3A_31 : vector<16xi32>
    %sign3A_33 = arith.extui %sign3A_32 : vector<16xi1> to vector<16xi32>
    %sign3A_34 = arith.constant 0 : i32
    %sign3A_35 = vector.broadcast %sign3A_34 : i32 to vector<16xi32>
    %sign3A_36 = arith.cmpi slt, %add3A_29, %sign3A_35 : vector<16xi32>
    %sign3A_37 = arith.extui %sign3A_36 : vector<16xi1> to vector<16xi32>
    %sign3A_38 = arith.subi %sign3A_33, %sign3A_37 : vector<16xi32>
    %sign3A_39 = arith.constant 0 : i32
    %sign3A_40 = arith.cmpi sgt, %jit3A, %sign3A_39 : i32
    %sign3A_41 = arith.extui %sign3A_40 : i1 to i32
    %sign3A_42 = arith.constant 0 : i32
    %sign3A_43 = arith.cmpi slt, %jit3A, %sign3A_42 : i32
    %sign3A_44 = arith.extui %sign3A_43 : i1 to i32
    %sign3A_45 = arith.subi %sign3A_41, %sign3A_44 : i32
    %ne3A = vector.broadcast %sign3A_45 : i32 to vector<16xi32>
    %ne3A_46 = arith.cmpi ne, %sign3A_38, %ne3A : vector<16xi32>
    %rem3A = vector.broadcast %jit3A : i32 to vector<16xi32>
    %rem3A_47 = arith.remsi %add3A_29, %rem3A : vector<16xi32>
    %ne3A_48 = arith.constant 0 : i32
    %ne3A_49 = vector.broadcast %ne3A_48 : i32 to vector<16xi32>
    %ne3A_50 = arith.cmpi ne, %rem3A_47, %ne3A_49 : vector<16xi32>
    %and3A = arith.andi %ne3A_46, %ne3A_50 : vector<16xi1>
    %sub3A = arith.constant 1 : i32
    %sub3A_51 = vector.broadcast %sub3A : i32 to vector<16xi32>
    %sub3A_52 = arith.subi %div3A_30, %sub3A_51 : vector<16xi32>
    %select_n3A = arith.select %and3A, %sub3A_52, %div3A_30 : vector<16xi1>, vector<16xi32>
    %add3A_53 = arith.constant 16 : i32
    %add3A_54 = vector.broadcast %add3A_53 : i32 to vector<16xi32>
    %add3A_55 = arith.addi %iota3A, %add3A_54 : vector<16xi32>
    %jit3A_56 = arith.constant 8 : i32
    %div3A_57 = vector.broadcast %jit3A_56 : i32 to vector<16xi32>
    %div3A_58 = arith.divsi %add3A_55, %div3A_57 : vector<16xi32>
    %sign3A_59 = arith.constant 0 : i32
    %sign3A_60 = vector.broadcast %sign3A_59 : i32 to vector<16xi32>
    %sign3A_61 = arith.cmpi sgt, %add3A_55, %sign3A_60 : vector<16xi32>
    %sign3A_62 = arith.extui %sign3A_61 : vector<16xi1> to vector<16xi32>
    %sign3A_63 = arith.constant 0 : i32
    %sign3A_64 = vector.broadcast %sign3A_63 : i32 to vector<16xi32>
    %sign3A_65 = arith.cmpi slt, %add3A_55, %sign3A_64 : vector<16xi32>
    %sign3A_66 = arith.extui %sign3A_65 : vector<16xi1> to vector<16xi32>
    %sign3A_67 = arith.subi %sign3A_62, %sign3A_66 : vector<16xi32>
    %sign3A_68 = arith.constant 0 : i32
    %sign3A_69 = arith.cmpi sgt, %jit3A_56, %sign3A_68 : i32
    %sign3A_70 = arith.extui %sign3A_69 : i1 to i32
    %sign3A_71 = arith.constant 0 : i32
    %sign3A_72 = arith.cmpi slt, %jit3A_56, %sign3A_71 : i32
    %sign3A_73 = arith.extui %sign3A_72 : i1 to i32
    %sign3A_74 = arith.subi %sign3A_70, %sign3A_73 : i32
    %ne3A_75 = vector.broadcast %sign3A_74 : i32 to vector<16xi32>
    %ne3A_76 = arith.cmpi ne, %sign3A_67, %ne3A_75 : vector<16xi32>
    %rem3A_77 = vector.broadcast %jit3A_56 : i32 to vector<16xi32>
    %rem3A_78 = arith.remsi %add3A_55, %rem3A_77 : vector<16xi32>
    %ne3A_79 = arith.constant 0 : i32
    %ne3A_80 = vector.broadcast %ne3A_79 : i32 to vector<16xi32>
    %ne3A_81 = arith.cmpi ne, %rem3A_78, %ne3A_80 : vector<16xi32>
    %and3A_82 = arith.andi %ne3A_76, %ne3A_81 : vector<16xi1>
    %sub3A_83 = arith.constant 1 : i32
    %sub3A_84 = vector.broadcast %sub3A_83 : i32 to vector<16xi32>
    %sub3A_85 = arith.subi %div3A_58, %sub3A_84 : vector<16xi32>
    %select_n3A_86 = arith.select %and3A_82, %sub3A_85, %div3A_58 : vector<16xi1>, vector<16xi32>
    %add3A_87 = arith.constant 32 : i32
    %add3A_88 = vector.broadcast %add3A_87 : i32 to vector<16xi32>
    %add3A_89 = arith.addi %iota3A, %add3A_88 : vector<16xi32>
    %jit3A_90 = arith.constant 8 : i32
    %div3A_91 = vector.broadcast %jit3A_90 : i32 to vector<16xi32>
    %div3A_92 = arith.divsi %add3A_89, %div3A_91 : vector<16xi32>
    %sign3A_93 = arith.constant 0 : i32
    %sign3A_94 = vector.broadcast %sign3A_93 : i32 to vector<16xi32>
    %sign3A_95 = arith.cmpi sgt, %add3A_89, %sign3A_94 : vector<16xi32>
    %sign3A_96 = arith.extui %sign3A_95 : vector<16xi1> to vector<16xi32>
    %sign3A_97 = arith.constant 0 : i32
    %sign3A_98 = vector.broadcast %sign3A_97 : i32 to vector<16xi32>
    %sign3A_99 = arith.cmpi slt, %add3A_89, %sign3A_98 : vector<16xi32>
    %sign3A_100 = arith.extui %sign3A_99 : vector<16xi1> to vector<16xi32>
    %sign3A_101 = arith.subi %sign3A_96, %sign3A_100 : vector<16xi32>
    %sign3A_102 = arith.constant 0 : i32
    %sign3A_103 = arith.cmpi sgt, %jit3A_90, %sign3A_102 : i32
    %sign3A_104 = arith.extui %sign3A_103 : i1 to i32
    %sign3A_105 = arith.constant 0 : i32
    %sign3A_106 = arith.cmpi slt, %jit3A_90, %sign3A_105 : i32
    %sign3A_107 = arith.extui %sign3A_106 : i1 to i32
    %sign3A_108 = arith.subi %sign3A_104, %sign3A_107 : i32
    %ne3A_109 = vector.broadcast %sign3A_108 : i32 to vector<16xi32>
    %ne3A_110 = arith.cmpi ne, %sign3A_101, %ne3A_109 : vector<16xi32>
    %rem3A_111 = vector.broadcast %jit3A_90 : i32 to vector<16xi32>
    %rem3A_112 = arith.remsi %add3A_89, %rem3A_111 : vector<16xi32>
    %ne3A_113 = arith.constant 0 : i32
    %ne3A_114 = vector.broadcast %ne3A_113 : i32 to vector<16xi32>
    %ne3A_115 = arith.cmpi ne, %rem3A_112, %ne3A_114 : vector<16xi32>
    %and3A_116 = arith.andi %ne3A_110, %ne3A_115 : vector<16xi1>
    %sub3A_117 = arith.constant 1 : i32
    %sub3A_118 = vector.broadcast %sub3A_117 : i32 to vector<16xi32>
    %sub3A_119 = arith.subi %div3A_92, %sub3A_118 : vector<16xi32>
    %select_n3A_120 = arith.select %and3A_116, %sub3A_119, %div3A_92 : vector<16xi1>, vector<16xi32>
    %add3A_121 = arith.constant 48 : i32
    %add3A_122 = vector.broadcast %add3A_121 : i32 to vector<16xi32>
    %add3A_123 = arith.addi %iota3A, %add3A_122 : vector<16xi32>
    %jit3A_124 = arith.constant 8 : i32
    %div3A_125 = vector.broadcast %jit3A_124 : i32 to vector<16xi32>
    %div3A_126 = arith.divsi %add3A_123, %div3A_125 : vector<16xi32>
    %sign3A_127 = arith.constant 0 : i32
    %sign3A_128 = vector.broadcast %sign3A_127 : i32 to vector<16xi32>
    %sign3A_129 = arith.cmpi sgt, %add3A_123, %sign3A_128 : vector<16xi32>
    %sign3A_130 = arith.extui %sign3A_129 : vector<16xi1> to vector<16xi32>
    %sign3A_131 = arith.constant 0 : i32
    %sign3A_132 = vector.broadcast %sign3A_131 : i32 to vector<16xi32>
    %sign3A_133 = arith.cmpi slt, %add3A_123, %sign3A_132 : vector<16xi32>
    %sign3A_134 = arith.extui %sign3A_133 : vector<16xi1> to vector<16xi32>
    %sign3A_135 = arith.subi %sign3A_130, %sign3A_134 : vector<16xi32>
    %sign3A_136 = arith.constant 0 : i32
    %sign3A_137 = arith.cmpi sgt, %jit3A_124, %sign3A_136 : i32
    %sign3A_138 = arith.extui %sign3A_137 : i1 to i32
    %sign3A_139 = arith.constant 0 : i32
    %sign3A_140 = arith.cmpi slt, %jit3A_124, %sign3A_139 : i32
    %sign3A_141 = arith.extui %sign3A_140 : i1 to i32
    %sign3A_142 = arith.subi %sign3A_138, %sign3A_141 : i32
    %ne3A_143 = vector.broadcast %sign3A_142 : i32 to vector<16xi32>
    %ne3A_144 = arith.cmpi ne, %sign3A_135, %ne3A_143 : vector<16xi32>
    %rem3A_145 = vector.broadcast %jit3A_124 : i32 to vector<16xi32>
    %rem3A_146 = arith.remsi %add3A_123, %rem3A_145 : vector<16xi32>
    %ne3A_147 = arith.constant 0 : i32
    %ne3A_148 = vector.broadcast %ne3A_147 : i32 to vector<16xi32>
    %ne3A_149 = arith.cmpi ne, %rem3A_146, %ne3A_148 : vector<16xi32>
    %and3A_150 = arith.andi %ne3A_144, %ne3A_149 : vector<16xi1>
    %sub3A_151 = arith.constant 1 : i32
    %sub3A_152 = vector.broadcast %sub3A_151 : i32 to vector<16xi32>
    %sub3A_153 = arith.subi %div3A_126, %sub3A_152 : vector<16xi32>
    %select_n3A_154 = arith.select %and3A_150, %sub3A_153, %div3A_126 : vector<16xi1>, vector<16xi32>
    %add3A_155 = arith.constant 0 : i32
    %add3A_156 = vector.broadcast %add3A_155 : i32 to vector<16xi32>
    %add3A_157 = arith.addi %iota3A, %add3A_156 : vector<16xi32>
    %jit3A_158 = arith.constant 8 : i32
    %eq3A = arith.constant 0 : i32
    %eq3A_159 = arith.cmpi eq, %jit3A_158, %eq3A : i32
    %jit3A_160 = arith.constant 1 : i32
    %select_n3A_161 = arith.select %eq3A_159, %jit3A_160, %jit3A_158 : i32
    %rem3A_162 = vector.broadcast %select_n3A_161 : i32 to vector<16xi32>
    %rem3A_163 = arith.remsi %add3A_157, %rem3A_162 : vector<16xi32>
    %ne3A_164 = arith.constant 0 : i32
    %ne3A_165 = vector.broadcast %ne3A_164 : i32 to vector<16xi32>
    %ne3A_166 = arith.cmpi ne, %rem3A_163, %ne3A_165 : vector<16xi32>
    %lt3A = arith.constant 0 : i32
    %lt3A_167 = vector.broadcast %lt3A : i32 to vector<16xi32>
    %lt3A_168 = arith.cmpi slt, %rem3A_163, %lt3A_167 : vector<16xi32>
    %lt3A_169 = arith.constant 0 : i32
    %lt3A_170 = arith.cmpi slt, %select_n3A_161, %lt3A_169 : i32
    %ne3A_171 = vector.broadcast %lt3A_170 : i1 to vector<16xi1>
    %ne3A_172 = vector.broadcast %ne3A_171 : vector<16xi1> to vector<16xi1>
    %ne3A_173 = arith.xori %lt3A_168, %ne3A_172 : vector<16xi1>
    %and3A_174 = arith.andi %ne3A_173, %ne3A_166 : vector<16xi1>
    %add3A_175 = vector.broadcast %select_n3A_161 : i32 to vector<16xi32>
    %add3A_176 = arith.addi %rem3A_163, %add3A_175 : vector<16xi32>
    %select_n3A_177 = arith.select %and3A_174, %add3A_176, %rem3A_163 : vector<16xi1>, vector<16xi32>
    %add3A_178 = arith.constant 16 : i32
    %add3A_179 = vector.broadcast %add3A_178 : i32 to vector<16xi32>
    %add3A_180 = arith.addi %iota3A, %add3A_179 : vector<16xi32>
    %jit3A_181 = arith.constant 8 : i32
    %eq3A_182 = arith.constant 0 : i32
    %eq3A_183 = arith.cmpi eq, %jit3A_181, %eq3A_182 : i32
    %jit3A_184 = arith.constant 1 : i32
    %select_n3A_185 = arith.select %eq3A_183, %jit3A_184, %jit3A_181 : i32
    %rem3A_186 = vector.broadcast %select_n3A_185 : i32 to vector<16xi32>
    %rem3A_187 = arith.remsi %add3A_180, %rem3A_186 : vector<16xi32>
    %ne3A_188 = arith.constant 0 : i32
    %ne3A_189 = vector.broadcast %ne3A_188 : i32 to vector<16xi32>
    %ne3A_190 = arith.cmpi ne, %rem3A_187, %ne3A_189 : vector<16xi32>
    %lt3A_191 = arith.constant 0 : i32
    %lt3A_192 = vector.broadcast %lt3A_191 : i32 to vector<16xi32>
    %lt3A_193 = arith.cmpi slt, %rem3A_187, %lt3A_192 : vector<16xi32>
    %lt3A_194 = arith.constant 0 : i32
    %lt3A_195 = arith.cmpi slt, %select_n3A_185, %lt3A_194 : i32
    %ne3A_196 = vector.broadcast %lt3A_195 : i1 to vector<16xi1>
    %ne3A_197 = vector.broadcast %ne3A_196 : vector<16xi1> to vector<16xi1>
    %ne3A_198 = arith.xori %lt3A_193, %ne3A_197 : vector<16xi1>
    %and3A_199 = arith.andi %ne3A_198, %ne3A_190 : vector<16xi1>
    %add3A_200 = vector.broadcast %select_n3A_185 : i32 to vector<16xi32>
    %add3A_201 = arith.addi %rem3A_187, %add3A_200 : vector<16xi32>
    %select_n3A_202 = arith.select %and3A_199, %add3A_201, %rem3A_187 : vector<16xi1>, vector<16xi32>
    %add3A_203 = arith.constant 32 : i32
    %add3A_204 = vector.broadcast %add3A_203 : i32 to vector<16xi32>
    %add3A_205 = arith.addi %iota3A, %add3A_204 : vector<16xi32>
    %jit3A_206 = arith.constant 8 : i32
    %eq3A_207 = arith.constant 0 : i32
    %eq3A_208 = arith.cmpi eq, %jit3A_206, %eq3A_207 : i32
    %jit3A_209 = arith.constant 1 : i32
    %select_n3A_210 = arith.select %eq3A_208, %jit3A_209, %jit3A_206 : i32
    %rem3A_211 = vector.broadcast %select_n3A_210 : i32 to vector<16xi32>
    %rem3A_212 = arith.remsi %add3A_205, %rem3A_211 : vector<16xi32>
    %ne3A_213 = arith.constant 0 : i32
    %ne3A_214 = vector.broadcast %ne3A_213 : i32 to vector<16xi32>
    %ne3A_215 = arith.cmpi ne, %rem3A_212, %ne3A_214 : vector<16xi32>
    %lt3A_216 = arith.constant 0 : i32
    %lt3A_217 = vector.broadcast %lt3A_216 : i32 to vector<16xi32>
    %lt3A_218 = arith.cmpi slt, %rem3A_212, %lt3A_217 : vector<16xi32>
    %lt3A_219 = arith.constant 0 : i32
    %lt3A_220 = arith.cmpi slt, %select_n3A_210, %lt3A_219 : i32
    %ne3A_221 = vector.broadcast %lt3A_220 : i1 to vector<16xi1>
    %ne3A_222 = vector.broadcast %ne3A_221 : vector<16xi1> to vector<16xi1>
    %ne3A_223 = arith.xori %lt3A_218, %ne3A_222 : vector<16xi1>
    %and3A_224 = arith.andi %ne3A_223, %ne3A_215 : vector<16xi1>
    %add3A_225 = vector.broadcast %select_n3A_210 : i32 to vector<16xi32>
    %add3A_226 = arith.addi %rem3A_212, %add3A_225 : vector<16xi32>
    %select_n3A_227 = arith.select %and3A_224, %add3A_226, %rem3A_212 : vector<16xi1>, vector<16xi32>
    %add3A_228 = arith.constant 48 : i32
    %add3A_229 = vector.broadcast %add3A_228 : i32 to vector<16xi32>
    %add3A_230 = arith.addi %iota3A, %add3A_229 : vector<16xi32>
    %jit3A_231 = arith.constant 8 : i32
    %eq3A_232 = arith.constant 0 : i32
    %eq3A_233 = arith.cmpi eq, %jit3A_231, %eq3A_232 : i32
    %jit3A_234 = arith.constant 1 : i32
    %select_n3A_235 = arith.select %eq3A_233, %jit3A_234, %jit3A_231 : i32
    %rem3A_236 = vector.broadcast %select_n3A_235 : i32 to vector<16xi32>
    %rem3A_237 = arith.remsi %add3A_230, %rem3A_236 : vector<16xi32>
    %ne3A_238 = arith.constant 0 : i32
    %ne3A_239 = vector.broadcast %ne3A_238 : i32 to vector<16xi32>
    %ne3A_240 = arith.cmpi ne, %rem3A_237, %ne3A_239 : vector<16xi32>
    %lt3A_241 = arith.constant 0 : i32
    %lt3A_242 = vector.broadcast %lt3A_241 : i32 to vector<16xi32>
    %lt3A_243 = arith.cmpi slt, %rem3A_237, %lt3A_242 : vector<16xi32>
    %lt3A_244 = arith.constant 0 : i32
    %lt3A_245 = arith.cmpi slt, %select_n3A_235, %lt3A_244 : i32
    %ne3A_246 = vector.broadcast %lt3A_245 : i1 to vector<16xi1>
    %ne3A_247 = vector.broadcast %ne3A_246 : vector<16xi1> to vector<16xi1>
    %ne3A_248 = arith.xori %lt3A_243, %ne3A_247 : vector<16xi1>
    %and3A_249 = arith.andi %ne3A_248, %ne3A_240 : vector<16xi1>
    %add3A_250 = vector.broadcast %select_n3A_235 : i32 to vector<16xi32>
    %add3A_251 = arith.addi %rem3A_237, %add3A_250 : vector<16xi32>
    %select_n3A_252 = arith.select %and3A_249, %add3A_251, %rem3A_237 : vector<16xi1>, vector<16xi32>
    %parallel_loop3A = arith.constant 0 : i32
    %parallel_loop3A_253 = arith.constant 4 : i32
    %parallel_loop3A_254 = arith.constant 1 : i32
    scf.for %parallel_loop3A_346 = %parallel_loop3A to %parallel_loop3A_253 step %parallel_loop3A_254  : i32 {
      %parallel_loop3A_347 = vector.broadcast %parallel_loop3A_346 : i32 to vector<16xi32>
      %parallel_loop3A_348 = tpu.vector_load_idx %arg5[%add3A_5, %parallel_loop3A_347] : memref<128x200xi32, #tpu.memory_space<vmem>>[vector<16xi32>, vector<16xi32>], vector<16xi32>,
      %parallel_loop3A_349 = arith.index_cast %parallel_loop3A_346 : i32 to index
      %parallel_loop3A_350 = arith.constant 0 : index
      %parallel_loop3A_351 = tpu.vector_load %arg6[%parallel_loop3A_349, %parallel_loop3A_350] {strides = array<i32>} : memref<200x128xi32, #tpu.memory_space<vmem>>, vector<16xi32>,
      tpu.vector_store %arg6[%parallel_loop3A_349, %parallel_loop3A_350], %parallel_loop3A_348 {strides = array<i32>} : memref<200x128xi32, #tpu.memory_space<vmem>>, vector<16xi32>,
      %parallel_loop3A_352 = tpu.vector_load_idx %arg5[%add3A_8, %parallel_loop3A_347] : memref<128x200xi32, #tpu.memory_space<vmem>>[vector<16xi32>, vector<16xi32>], vector<16xi32>,
      %parallel_loop3A_353 = arith.index_cast %parallel_loop3A_346 : i32 to index
      %parallel_loop3A_354 = arith.constant 16 : index
      %parallel_loop3A_355 = tpu.vector_load %arg6[%parallel_loop3A_353, %parallel_loop3A_354] {strides = array<i32>} : memref<200x128xi32, #tpu.memory_space<vmem>>, vector<16xi32>,
      tpu.vector_store %arg6[%parallel_loop3A_353, %parallel_loop3A_354], %parallel_loop3A_352 {strides = array<i32>} : memref<200x128xi32, #tpu.memory_space<vmem>>, vector<16xi32>,
      %parallel_loop3A_356 = tpu.vector_load_idx %arg5[%add3A_11, %parallel_loop3A_347] : memref<128x200xi32, #tpu.memory_space<vmem>>[vector<16xi32>, vector<16xi32>], vector<16xi32>,
      %parallel_loop3A_357 = arith.index_cast %parallel_loop3A_346 : i32 to index
      %parallel_loop3A_358 = arith.constant 32 : index
      %parallel_loop3A_359 = tpu.vector_load %arg6[%parallel_loop3A_357, %parallel_loop3A_358] {strides = array<i32>} : memref<200x128xi32, #tpu.memory_space<vmem>>, vector<16xi32>,
      tpu.vector_store %arg6[%parallel_loop3A_357, %parallel_loop3A_358], %parallel_loop3A_356 {strides = array<i32>} : memref<200x128xi32, #tpu.memory_space<vmem>>, vector<16xi32>,
      %parallel_loop3A_360 = tpu.vector_load_idx %arg5[%add3A_14, %parallel_loop3A_347] : memref<128x200xi32, #tpu.memory_space<vmem>>[vector<16xi32>, vector<16xi32>], vector<16xi32>,
      %parallel_loop3A_361 = arith.index_cast %parallel_loop3A_346 : i32 to index
      %parallel_loop3A_362 = arith.constant 48 : index
      %parallel_loop3A_363 = tpu.vector_load %arg6[%parallel_loop3A_361, %parallel_loop3A_362] {strides = array<i32>} : memref<200x128xi32, #tpu.memory_space<vmem>>, vector<16xi32>,
      tpu.vector_store %arg6[%parallel_loop3A_361, %parallel_loop3A_362], %parallel_loop3A_360 {strides = array<i32>} : memref<200x128xi32, #tpu.memory_space<vmem>>, vector<16xi32>,
      %parallel_loop3A_364 = tpu.vector_load_idx %arg5[%add3A_17, %parallel_loop3A_347] : memref<128x200xi32, #tpu.memory_space<vmem>>[vector<16xi32>, vector<16xi32>], vector<16xi32>,
      %parallel_loop3A_365 = arith.index_cast %parallel_loop3A_346 : i32 to index
      %parallel_loop3A_366 = arith.constant 64 : index
      %parallel_loop3A_367 = tpu.vector_load %arg6[%parallel_loop3A_365, %parallel_loop3A_366] {strides = array<i32>} : memref<200x128xi32, #tpu.memory_space<vmem>>, vector<16xi32>,
      tpu.vector_store %arg6[%parallel_loop3A_365, %parallel_loop3A_366], %parallel_loop3A_364 {strides = array<i32>} : memref<200x128xi32, #tpu.memory_space<vmem>>, vector<16xi32>,
      %parallel_loop3A_368 = tpu.vector_load_idx %arg5[%add3A_20, %parallel_loop3A_347] : memref<128x200xi32, #tpu.memory_space<vmem>>[vector<16xi32>, vector<16xi32>], vector<16xi32>,
      %parallel_loop3A_369 = arith.index_cast %parallel_loop3A_346 : i32 to index
      %parallel_loop3A_370 = arith.constant 80 : index
      %parallel_loop3A_371 = tpu.vector_load %arg6[%parallel_loop3A_369, %parallel_loop3A_370] {strides = array<i32>} : memref<200x128xi32, #tpu.memory_space<vmem>>, vector<16xi32>,
      tpu.vector_store %arg6[%parallel_loop3A_369, %parallel_loop3A_370], %parallel_loop3A_368 {strides = array<i32>} : memref<200x128xi32, #tpu.memory_space<vmem>>, vector<16xi32>,
      %parallel_loop3A_372 = tpu.vector_load_idx %arg5[%add3A_23, %parallel_loop3A_347] : memref<128x200xi32, #tpu.memory_space<vmem>>[vector<16xi32>, vector<16xi32>], vector<16xi32>,
      %parallel_loop3A_373 = arith.index_cast %parallel_loop3A_346 : i32 to index
      %parallel_loop3A_374 = arith.constant 96 : index
      %parallel_loop3A_375 = tpu.vector_load %arg6[%parallel_loop3A_373, %parallel_loop3A_374] {strides = array<i32>} : memref<200x128xi32, #tpu.memory_space<vmem>>, vector<16xi32>,
      tpu.vector_store %arg6[%parallel_loop3A_373, %parallel_loop3A_374], %parallel_loop3A_372 {strides = array<i32>} : memref<200x128xi32, #tpu.memory_space<vmem>>, vector<16xi32>,
      %parallel_loop3A_376 = tpu.vector_load_idx %arg5[%add3A_26, %parallel_loop3A_347] : memref<128x200xi32, #tpu.memory_space<vmem>>[vector<16xi32>, vector<16xi32>], vector<16xi32>,
      %parallel_loop3A_377 = arith.index_cast %parallel_loop3A_346 : i32 to index
      %parallel_loop3A_378 = arith.constant 112 : index
      %parallel_loop3A_379 = tpu.vector_load %arg6[%parallel_loop3A_377, %parallel_loop3A_378] {strides = array<i32>} : memref<200x128xi32, #tpu.memory_space<vmem>>, vector<16xi32>,
      tpu.vector_store %arg6[%parallel_loop3A_377, %parallel_loop3A_378], %parallel_loop3A_376 {strides = array<i32>} : memref<200x128xi32, #tpu.memory_space<vmem>>, vector<16xi32>,
    } {sc.loop_unroll_factor = 4 : i64, sc.parallel_access}
    %dma_start3A = arith.constant 0 : i32
    %dma_start3A_255 = arith.constant 0 : i32
    %dma_start3A_256 = arith.constant 0 : i32
    %dma_start3A_257 = tpu.memref_slice %arg7[%dma_start3A_255, %dma_start3A_256] : memref<256x64xf32, #tpu.memory_space<vmem>> -> memref<128x64xf32, #tpu.memory_space<vmem>>
    %dma_start3A_258 = arith.constant 0 : i32
    %dma_start3A_259 = tpu.memref_slice %arg6[%dma_start3A, %dma_start3A_258] : memref<200x128xi32, #tpu.memory_space<vmem>> -> memref<1x128xi32, #tpu.memory_space<vmem>>
    %dma_start3A_260 = tpu.memref_squeeze %dma_start3A_259 : memref<1x128xi32, #tpu.memory_space<vmem>> -> memref<128xi32, #tpu.memory_space<vmem>>
    %dma_start3A_261 = arith.constant 0 : i32
    %dma_start3A_262 = arith.constant 0 : i32
    %dma_start3A_263 = tpu.memref_slice %arg3[%dma_start3A_261, %dma_start3A_262] : memref<10000x64xf32, #tpu.memory_space<hbm>> -> memref<10000x64xf32, #tpu.memory_space<hbm>>
    tpu.enqueue_indirect_dma source(%dma_start3A_263 : memref<10000x64xf32, #tpu.memory_space<hbm>>) target(%dma_start3A_257 : memref<128x64xf32, #tpu.memory_space<vmem>>) offsets(%dma_start3A_260 : memref<128xi32, #tpu.memory_space<vmem>>) semaphore(%arg11 : memref<!tpu.dma_semaphore, #tpu.memory_space<semaphore_mem>>)
    %dma_start3A_264 = arith.constant 1 : i32
    %dma_start3A_265 = arith.constant 128 : i32
    %dma_start3A_266 = arith.constant 0 : i32
    %dma_start3A_267 = tpu.memref_slice %arg7[%dma_start3A_265, %dma_start3A_266] : memref<256x64xf32, #tpu.memory_space<vmem>> -> memref<128x64xf32, #tpu.memory_space<vmem>>
    %dma_start3A_268 = arith.constant 0 : i32
    %dma_start3A_269 = tpu.memref_slice %arg6[%dma_start3A_264, %dma_start3A_268] : memref<200x128xi32, #tpu.memory_space<vmem>> -> memref<1x128xi32, #tpu.memory_space<vmem>>
    %dma_start3A_270 = tpu.memref_squeeze %dma_start3A_269 : memref<1x128xi32, #tpu.memory_space<vmem>> -> memref<128xi32, #tpu.memory_space<vmem>>
    %dma_start3A_271 = arith.constant 0 : i32
    %dma_start3A_272 = arith.constant 0 : i32
    %dma_start3A_273 = tpu.memref_slice %arg3[%dma_start3A_271, %dma_start3A_272] : memref<10000x64xf32, #tpu.memory_space<hbm>> -> memref<10000x64xf32, #tpu.memory_space<hbm>>
    tpu.enqueue_indirect_dma source(%dma_start3A_273 : memref<10000x64xf32, #tpu.memory_space<hbm>>) target(%dma_start3A_267 : memref<128x64xf32, #tpu.memory_space<vmem>>) offsets(%dma_start3A_270 : memref<128xi32, #tpu.memory_space<vmem>>) semaphore(%arg11 : memref<!tpu.dma_semaphore, #tpu.memory_space<semaphore_mem>>)
    %dma_start3A_274 = arith.constant 2 : i32
    %dma_start3A_275 = arith.constant 0 : i32
    %dma_start3A_276 = arith.constant 0 : i32
    %dma_start3A_277 = tpu.memref_slice %arg8[%dma_start3A_275, %dma_start3A_276] : memref<256x64xf32, #tpu.memory_space<vmem>> -> memref<128x64xf32, #tpu.memory_space<vmem>>
    %dma_start3A_278 = arith.constant 0 : i32
    %dma_start3A_279 = tpu.memref_slice %arg6[%dma_start3A_274, %dma_start3A_278] : memref<200x128xi32, #tpu.memory_space<vmem>> -> memref<1x128xi32, #tpu.memory_space<vmem>>
    %dma_start3A_280 = tpu.memref_squeeze %dma_start3A_279 : memref<1x128xi32, #tpu.memory_space<vmem>> -> memref<128xi32, #tpu.memory_space<vmem>>
    %dma_start3A_281 = arith.constant 0 : i32
    %dma_start3A_282 = arith.constant 0 : i32
    %dma_start3A_283 = tpu.memref_slice %arg3[%dma_start3A_281, %dma_start3A_282] : memref<10000x64xf32, #tpu.memory_space<hbm>> -> memref<10000x64xf32, #tpu.memory_space<hbm>>
    tpu.enqueue_indirect_dma source(%dma_start3A_283 : memref<10000x64xf32, #tpu.memory_space<hbm>>) target(%dma_start3A_277 : memref<128x64xf32, #tpu.memory_space<vmem>>) offsets(%dma_start3A_280 : memref<128xi32, #tpu.memory_space<vmem>>) semaphore(%arg11 : memref<!tpu.dma_semaphore, #tpu.memory_space<semaphore_mem>>)
    %dma_start3A_284 = arith.constant 3 : i32
    %dma_start3A_285 = arith.constant 128 : i32
    %dma_start3A_286 = arith.constant 0 : i32
    %dma_start3A_287 = tpu.memref_slice %arg8[%dma_start3A_285, %dma_start3A_286] : memref<256x64xf32, #tpu.memory_space<vmem>> -> memref<128x64xf32, #tpu.memory_space<vmem>>
    %dma_start3A_288 = arith.constant 0 : i32
    %dma_start3A_289 = tpu.memref_slice %arg6[%dma_start3A_284, %dma_start3A_288] : memref<200x128xi32, #tpu.memory_space<vmem>> -> memref<1x128xi32, #tpu.memory_space<vmem>>
    %dma_start3A_290 = tpu.memref_squeeze %dma_start3A_289 : memref<1x128xi32, #tpu.memory_space<vmem>> -> memref<128xi32, #tpu.memory_space<vmem>>
    %dma_start3A_291 = arith.constant 0 : i32
    %dma_start3A_292 = arith.constant 0 : i32
    %dma_start3A_293 = tpu.memref_slice %arg3[%dma_start3A_291, %dma_start3A_292] : memref<10000x64xf32, #tpu.memory_space<hbm>> -> memref<10000x64xf32, #tpu.memory_space<hbm>>
    tpu.enqueue_indirect_dma source(%dma_start3A_293 : memref<10000x64xf32, #tpu.memory_space<hbm>>) target(%dma_start3A_287 : memref<128x64xf32, #tpu.memory_space<vmem>>) offsets(%dma_start3A_290 : memref<128xi32, #tpu.memory_space<vmem>>) semaphore(%arg11 : memref<!tpu.dma_semaphore, #tpu.memory_space<semaphore_mem>>)
    %parallel_loop3A_294 = arith.constant 4 : i32
    %parallel_loop3A_295 = arith.constant 200 : i32
    %parallel_loop3A_296 = arith.constant 1 : i32
    scf.for %parallel_loop3A_346 = %parallel_loop3A_294 to %parallel_loop3A_295 step %parallel_loop3A_296  : i32 {
      %parallel_loop3A_347 = vector.broadcast %parallel_loop3A_346 : i32 to vector<16xi32>
      %parallel_loop3A_348 = tpu.vector_load_idx %arg5[%add3A_5, %parallel_loop3A_347] : memref<128x200xi32, #tpu.memory_space<vmem>>[vector<16xi32>, vector<16xi32>], vector<16xi32>,
      %parallel_loop3A_349 = arith.index_cast %parallel_loop3A_346 : i32 to index
      %parallel_loop3A_350 = arith.constant 0 : index
      %parallel_loop3A_351 = tpu.vector_load %arg6[%parallel_loop3A_349, %parallel_loop3A_350] {strides = array<i32>} : memref<200x128xi32, #tpu.memory_space<vmem>>, vector<16xi32>,
      tpu.vector_store %arg6[%parallel_loop3A_349, %parallel_loop3A_350], %parallel_loop3A_348 {strides = array<i32>} : memref<200x128xi32, #tpu.memory_space<vmem>>, vector<16xi32>,
      %parallel_loop3A_352 = tpu.vector_load_idx %arg5[%add3A_8, %parallel_loop3A_347] : memref<128x200xi32, #tpu.memory_space<vmem>>[vector<16xi32>, vector<16xi32>], vector<16xi32>,
      %parallel_loop3A_353 = arith.index_cast %parallel_loop3A_346 : i32 to index
      %parallel_loop3A_354 = arith.constant 16 : index
      %parallel_loop3A_355 = tpu.vector_load %arg6[%parallel_loop3A_353, %parallel_loop3A_354] {strides = array<i32>} : memref<200x128xi32, #tpu.memory_space<vmem>>, vector<16xi32>,
      tpu.vector_store %arg6[%parallel_loop3A_353, %parallel_loop3A_354], %parallel_loop3A_352 {strides = array<i32>} : memref<200x128xi32, #tpu.memory_space<vmem>>, vector<16xi32>,
      %parallel_loop3A_356 = tpu.vector_load_idx %arg5[%add3A_11, %parallel_loop3A_347] : memref<128x200xi32, #tpu.memory_space<vmem>>[vector<16xi32>, vector<16xi32>], vector<16xi32>,
      %parallel_loop3A_357 = arith.index_cast %parallel_loop3A_346 : i32 to index
      %parallel_loop3A_358 = arith.constant 32 : index
      %parallel_loop3A_359 = tpu.vector_load %arg6[%parallel_loop3A_357, %parallel_loop3A_358] {strides = array<i32>} : memref<200x128xi32, #tpu.memory_space<vmem>>, vector<16xi32>,
      tpu.vector_store %arg6[%parallel_loop3A_357, %parallel_loop3A_358], %parallel_loop3A_356 {strides = array<i32>} : memref<200x128xi32, #tpu.memory_space<vmem>>, vector<16xi32>,
      %parallel_loop3A_360 = tpu.vector_load_idx %arg5[%add3A_14, %parallel_loop3A_347] : memref<128x200xi32, #tpu.memory_space<vmem>>[vector<16xi32>, vector<16xi32>], vector<16xi32>,
      %parallel_loop3A_361 = arith.index_cast %parallel_loop3A_346 : i32 to index
      %parallel_loop3A_362 = arith.constant 48 : index
      %parallel_loop3A_363 = tpu.vector_load %arg6[%parallel_loop3A_361, %parallel_loop3A_362] {strides = array<i32>} : memref<200x128xi32, #tpu.memory_space<vmem>>, vector<16xi32>,
      tpu.vector_store %arg6[%parallel_loop3A_361, %parallel_loop3A_362], %parallel_loop3A_360 {strides = array<i32>} : memref<200x128xi32, #tpu.memory_space<vmem>>, vector<16xi32>,
      %parallel_loop3A_364 = tpu.vector_load_idx %arg5[%add3A_17, %parallel_loop3A_347] : memref<128x200xi32, #tpu.memory_space<vmem>>[vector<16xi32>, vector<16xi32>], vector<16xi32>,
      %parallel_loop3A_365 = arith.index_cast %parallel_loop3A_346 : i32 to index
      %parallel_loop3A_366 = arith.constant 64 : index
      %parallel_loop3A_367 = tpu.vector_load %arg6[%parallel_loop3A_365, %parallel_loop3A_366] {strides = array<i32>} : memref<200x128xi32, #tpu.memory_space<vmem>>, vector<16xi32>,
      tpu.vector_store %arg6[%parallel_loop3A_365, %parallel_loop3A_366], %parallel_loop3A_364 {strides = array<i32>} : memref<200x128xi32, #tpu.memory_space<vmem>>, vector<16xi32>,
      %parallel_loop3A_368 = tpu.vector_load_idx %arg5[%add3A_20, %parallel_loop3A_347] : memref<128x200xi32, #tpu.memory_space<vmem>>[vector<16xi32>, vector<16xi32>], vector<16xi32>,
      %parallel_loop3A_369 = arith.index_cast %parallel_loop3A_346 : i32 to index
      %parallel_loop3A_370 = arith.constant 80 : index
      %parallel_loop3A_371 = tpu.vector_load %arg6[%parallel_loop3A_369, %parallel_loop3A_370] {strides = array<i32>} : memref<200x128xi32, #tpu.memory_space<vmem>>, vector<16xi32>,
      tpu.vector_store %arg6[%parallel_loop3A_369, %parallel_loop3A_370], %parallel_loop3A_368 {strides = array<i32>} : memref<200x128xi32, #tpu.memory_space<vmem>>, vector<16xi32>,
      %parallel_loop3A_372 = tpu.vector_load_idx %arg5[%add3A_23, %parallel_loop3A_347] : memref<128x200xi32, #tpu.memory_space<vmem>>[vector<16xi32>, vector<16xi32>], vector<16xi32>,
      %parallel_loop3A_373 = arith.index_cast %parallel_loop3A_346 : i32 to index
      %parallel_loop3A_374 = arith.constant 96 : index
      %parallel_loop3A_375 = tpu.vector_load %arg6[%parallel_loop3A_373, %parallel_loop3A_374] {strides = array<i32>} : memref<200x128xi32, #tpu.memory_space<vmem>>, vector<16xi32>,
      tpu.vector_store %arg6[%parallel_loop3A_373, %parallel_loop3A_374], %parallel_loop3A_372 {strides = array<i32>} : memref<200x128xi32, #tpu.memory_space<vmem>>, vector<16xi32>,
      %parallel_loop3A_376 = tpu.vector_load_idx %arg5[%add3A_26, %parallel_loop3A_347] : memref<128x200xi32, #tpu.memory_space<vmem>>[vector<16xi32>, vector<16xi32>], vector<16xi32>,
      %parallel_loop3A_377 = arith.index_cast %parallel_loop3A_346 : i32 to index
      %parallel_loop3A_378 = arith.constant 112 : index
      %parallel_loop3A_379 = tpu.vector_load %arg6[%parallel_loop3A_377, %parallel_loop3A_378] {strides = array<i32>} : memref<200x128xi32, #tpu.memory_space<vmem>>, vector<16xi32>,
      tpu.vector_store %arg6[%parallel_loop3A_377, %parallel_loop3A_378], %parallel_loop3A_376 {strides = array<i32>} : memref<200x128xi32, #tpu.memory_space<vmem>>, vector<16xi32>,
    } {sc.loop_unroll_factor = 4 : i64, sc.parallel_access}
    %scan3A = arith.constant 0 : i32
    %scan3A_297 = arith.constant 50 : i32
    %scan3A_298 = arith.addi %scan3A, %scan3A_297 : i32
    %scan3A_299 = arith.constant 1 : i32
    scf.for %scan3A_346 = %scan3A to %scan3A_298 step %scan3A_299  : i32 {
      %mul3A_347 = arith.constant 2 : i32
      %mul3A_348 = arith.muli %scan3A_346, %mul3A_347 : i32
      %add3A_349 = arith.constant 0 : i32
      %add3A_350 = arith.addi %add3A_349, %mul3A_348 : i32
      %add3A_351 = arith.constant 0 : i32
      %add3A_352 = arith.addi %add3A_350, %add3A_351 : i32
      %ge3A = arith.constant 2 : i32
      %ge3A_353 = arith.cmpi sge, %add3A_352, %ge3A : i32
      %convert_element_type3A = arith.extui %ge3A_353 : i1 to i32
      %cond3A = arith.constant 0 : i32
      %cond3A_354 = arith.cmpi ne, %convert_element_type3A, %cond3A : i32
      scf.if %cond3A_354 {
        %dma_wait3A_472 = arith.constant 0 : i32
        %dma_wait3A_473 = arith.constant 0 : i32
        %dma_wait3A_474 = arith.constant 0 : i32
        %dma_wait3A_475 = arith.constant 0 : i32
        %dma_wait3A_476 = arith.constant 0 : i32
        %dma_wait3A_477 = tpu.memref_slice %arg9[%dma_wait3A_473, %dma_wait3A_474, %dma_wait3A_475, %dma_wait3A_476] : memref<2x8x8x136xf32, #tpu.memory_space<vmem>> -> memref<2x8x8x128xf32, #tpu.memory_space<vmem>>
        %dma_wait3A_478 = arith.constant 0 : i32
        %dma_wait3A_479 = arith.constant 0 : i32
        %dma_wait3A_480 = arith.constant 0 : i32
        %dma_wait3A_481 = arith.constant 0 : i32
        %dma_wait3A_482 = tpu.memref_slice %arg4[%dma_wait3A_478, %dma_wait3A_479, %dma_wait3A_472, %dma_wait3A_480, %dma_wait3A_481] : memref<200x8x32x8x128xf32, #tpu.memory_space<hbm>> -> memref<2x8x1x8x128xf32, #tpu.memory_space<hbm>>
        %dma_wait3A_483 = tpu.memref_squeeze %dma_wait3A_482 : memref<2x8x1x8x128xf32, #tpu.memory_space<hbm>> -> memref<2x8x8x128xf32, #tpu.memory_space<hbm>>
        %dma_wait3A_484 = arith.constant 0 : i32
        %dma_wait3A_485 = arith.constant 0 : i32
        %dma_wait3A_486 = arith.constant 0 : i32
        %dma_wait3A_487 = arith.constant 0 : i32
        %dma_wait3A_488 = tpu.memref_slice %arg4[%dma_wait3A_484, %dma_wait3A_485, %dma_wait3A_472, %dma_wait3A_486, %dma_wait3A_487] : memref<200x8x32x8x128xf32, #tpu.memory_space<hbm>> -> memref<2x8x1x8x128xf32, #tpu.memory_space<hbm>>
        %dma_wait3A_489 = tpu.memref_squeeze %dma_wait3A_488 : memref<2x8x1x8x128xf32, #tpu.memory_space<hbm>> -> memref<2x8x8x128xf32, #tpu.memory_space<hbm>>
        %dma_wait3A_490 = arith.constant 0 : i32
        %dma_wait3A_491 = arith.constant 0 : i32
        %dma_wait3A_492 = arith.constant 0 : i32
        %dma_wait3A_493 = arith.constant 0 : i32
        %dma_wait3A_494 = tpu.memref_slice %arg9[%dma_wait3A_490, %dma_wait3A_491, %dma_wait3A_492, %dma_wait3A_493] : memref<2x8x8x136xf32, #tpu.memory_space<vmem>> -> memref<2x8x8x128xf32, #tpu.memory_space<vmem>>
        tpu.wait_dma2 semaphore(%arg12 : memref<!tpu.dma_semaphore, #tpu.memory_space<semaphore_mem>>) src(%dma_wait3A_494 : memref<2x8x8x128xf32, #tpu.memory_space<vmem>>) dst(%dma_wait3A_489 : memref<2x8x8x128xf32, #tpu.memory_space<hbm>>)
      } else {
      }
      %dma_wait3A_355 = arith.constant 0 : i32
      %dma_wait3A_356 = arith.constant 0 : i32
      %dma_wait3A_357 = arith.constant 0 : i32
      %dma_wait3A_358 = tpu.memref_slice %arg7[%dma_wait3A_356, %dma_wait3A_357] : memref<256x64xf32, #tpu.memory_space<vmem>> -> memref<128x64xf32, #tpu.memory_space<vmem>>
      %dma_wait3A_359 = arith.constant 0 : i32
      %dma_wait3A_360 = tpu.memref_slice %arg6[%dma_wait3A_355, %dma_wait3A_359] : memref<200x128xi32, #tpu.memory_space<vmem>> -> memref<1x128xi32, #tpu.memory_space<vmem>>
      %dma_wait3A_361 = tpu.memref_squeeze %dma_wait3A_360 : memref<1x128xi32, #tpu.memory_space<vmem>> -> memref<128xi32, #tpu.memory_space<vmem>>
      %dma_wait3A_362 = arith.constant 0 : i32
      %dma_wait3A_363 = arith.constant 0 : i32
      %dma_wait3A_364 = tpu.memref_slice %arg3[%dma_wait3A_362, %dma_wait3A_363] : memref<10000x64xf32, #tpu.memory_space<hbm>> -> memref<10000x64xf32, #tpu.memory_space<hbm>>
      tpu.wait_indirect_dma semaphore(%arg11 : memref<!tpu.dma_semaphore, #tpu.memory_space<semaphore_mem>>) src(%dma_wait3A_364 : memref<10000x64xf32, #tpu.memory_space<hbm>>) dst(%dma_wait3A_358 : memref<128x64xf32, #tpu.memory_space<vmem>>)
      %parallel_loop3A_365 = arith.constant 0 : i32
      %parallel_loop3A_366 = arith.constant 128 : i32
      %parallel_loop3A_367 = arith.constant 1 : i32
      scf.for %parallel_loop3A_472 = %parallel_loop3A_365 to %parallel_loop3A_366 step %parallel_loop3A_367  : i32 {
        %parallel_loop3A_473 = vector.broadcast %parallel_loop3A_472 : i32 to vector<16xi32>
        %parallel_loop3A_474 = arith.constant 0 : i32
        %parallel_loop3A_475 = arith.addi %parallel_loop3A_474, %parallel_loop3A_472 : i32
        %parallel_loop3A_476 = arith.index_cast %parallel_loop3A_475 : i32 to index
        %parallel_loop3A_477 = arith.constant 0 : index
        %parallel_loop3A_478 = tpu.vector_load %arg7[%parallel_loop3A_476, %parallel_loop3A_477] {strides = array<i32>} : memref<256x64xf32, #tpu.memory_space<vmem>>, vector<16xf32>,
        %parallel_loop3A_479 = arith.constant 0 : i32
        %parallel_loop3A_480 = arith.addi %parallel_loop3A_479, %parallel_loop3A_472 : i32
        %parallel_loop3A_481 = arith.index_cast %parallel_loop3A_480 : i32 to index
        %parallel_loop3A_482 = arith.constant 16 : index
        %parallel_loop3A_483 = tpu.vector_load %arg7[%parallel_loop3A_481, %parallel_loop3A_482] {strides = array<i32>} : memref<256x64xf32, #tpu.memory_space<vmem>>, vector<16xf32>,
        %parallel_loop3A_484 = arith.constant 0 : i32
        %parallel_loop3A_485 = arith.addi %parallel_loop3A_484, %parallel_loop3A_472 : i32
        %parallel_loop3A_486 = arith.index_cast %parallel_loop3A_485 : i32 to index
        %parallel_loop3A_487 = arith.constant 32 : index
        %parallel_loop3A_488 = tpu.vector_load %arg7[%parallel_loop3A_486, %parallel_loop3A_487] {strides = array<i32>} : memref<256x64xf32, #tpu.memory_space<vmem>>, vector<16xf32>,
        %parallel_loop3A_489 = arith.constant 0 : i32
        %parallel_loop3A_490 = arith.addi %parallel_loop3A_489, %parallel_loop3A_472 : i32
        %parallel_loop3A_491 = arith.index_cast %parallel_loop3A_490 : i32 to index
        %parallel_loop3A_492 = arith.constant 48 : index
        %parallel_loop3A_493 = tpu.vector_load %arg7[%parallel_loop3A_491, %parallel_loop3A_492] {strides = array<i32>} : memref<256x64xf32, #tpu.memory_space<vmem>>, vector<16xf32>,
        %parallel_loop3A_494 = arith.constant 0 : i32
        %parallel_loop3A_495 = arith.constant 0 : i32
        %parallel_loop3A_496 = arith.constant 0 : i32
        %parallel_loop3A_497 = arith.constant 0 : i32
        %parallel_loop3A_498 = tpu.memref_slice %arg9[%parallel_loop3A_494, %parallel_loop3A_495, %parallel_loop3A_496, %parallel_loop3A_497] : memref<2x8x8x136xf32, #tpu.memory_space<vmem>> -> memref<1x8x8x136xf32, #tpu.memory_space<vmem>>
        %parallel_loop3A_499 = tpu.memref_squeeze %parallel_loop3A_498 : memref<1x8x8x136xf32, #tpu.memory_space<vmem>> -> memref<8x8x136xf32, #tpu.memory_space<vmem>>
        tpu.vector_store_idx %parallel_loop3A_499[%select_n3A, %select_n3A_177, %parallel_loop3A_473], %parallel_loop3A_478 : memref<8x8x136xf32, #tpu.memory_space<vmem>>[vector<16xi32>, vector<16xi32>, vector<16xi32>], vector<16xf32>,
        %parallel_loop3A_500 = arith.constant 0 : i32
        %parallel_loop3A_501 = arith.constant 0 : i32
        %parallel_loop3A_502 = arith.constant 0 : i32
        %parallel_loop3A_503 = arith.constant 0 : i32
        %parallel_loop3A_504 = tpu.memref_slice %arg9[%parallel_loop3A_500, %parallel_loop3A_501, %parallel_loop3A_502, %parallel_loop3A_503] : memref<2x8x8x136xf32, #tpu.memory_space<vmem>> -> memref<1x8x8x136xf32, #tpu.memory_space<vmem>>
        %parallel_loop3A_505 = tpu.memref_squeeze %parallel_loop3A_504 : memref<1x8x8x136xf32, #tpu.memory_space<vmem>> -> memref<8x8x136xf32, #tpu.memory_space<vmem>>
        tpu.vector_store_idx %parallel_loop3A_505[%select_n3A_86, %select_n3A_202, %parallel_loop3A_473], %parallel_loop3A_483 : memref<8x8x136xf32, #tpu.memory_space<vmem>>[vector<16xi32>, vector<16xi32>, vector<16xi32>], vector<16xf32>,
        %parallel_loop3A_506 = arith.constant 0 : i32
        %parallel_loop3A_507 = arith.constant 0 : i32
        %parallel_loop3A_508 = arith.constant 0 : i32
        %parallel_loop3A_509 = arith.constant 0 : i32
        %parallel_loop3A_510 = tpu.memref_slice %arg9[%parallel_loop3A_506, %parallel_loop3A_507, %parallel_loop3A_508, %parallel_loop3A_509] : memref<2x8x8x136xf32, #tpu.memory_space<vmem>> -> memref<1x8x8x136xf32, #tpu.memory_space<vmem>>
        %parallel_loop3A_511 = tpu.memref_squeeze %parallel_loop3A_510 : memref<1x8x8x136xf32, #tpu.memory_space<vmem>> -> memref<8x8x136xf32, #tpu.memory_space<vmem>>
        tpu.vector_store_idx %parallel_loop3A_511[%select_n3A_120, %select_n3A_227, %parallel_loop3A_473], %parallel_loop3A_488 : memref<8x8x136xf32, #tpu.memory_space<vmem>>[vector<16xi32>, vector<16xi32>, vector<16xi32>], vector<16xf32>,
        %parallel_loop3A_512 = arith.constant 0 : i32
        %parallel_loop3A_513 = arith.constant 0 : i32
        %parallel_loop3A_514 = arith.constant 0 : i32
        %parallel_loop3A_515 = arith.constant 0 : i32
        %parallel_loop3A_516 = tpu.memref_slice %arg9[%parallel_loop3A_512, %parallel_loop3A_513, %parallel_loop3A_514, %parallel_loop3A_515] : memref<2x8x8x136xf32, #tpu.memory_space<vmem>> -> memref<1x8x8x136xf32, #tpu.memory_space<vmem>>
        %parallel_loop3A_517 = tpu.memref_squeeze %parallel_loop3A_516 : memref<1x8x8x136xf32, #tpu.memory_space<vmem>> -> memref<8x8x136xf32, #tpu.memory_space<vmem>>
        tpu.vector_store_idx %parallel_loop3A_517[%select_n3A_154, %select_n3A_252, %parallel_loop3A_473], %parallel_loop3A_493 : memref<8x8x136xf32, #tpu.memory_space<vmem>>[vector<16xi32>, vector<16xi32>, vector<16xi32>], vector<16xf32>,
      } {sc.loop_unroll_factor = 8 : i64, sc.parallel_access}
      %dma_wait3A_368 = arith.constant 0 : i32
      %dma_wait3A_369 = arith.constant 0 : i32
      %dma_wait3A_370 = arith.constant 0 : i32
      %dma_wait3A_371 = tpu.memref_slice %arg7[%dma_wait3A_369, %dma_wait3A_370] : memref<256x64xf32, #tpu.memory_space<vmem>> -> memref<128x64xf32, #tpu.memory_space<vmem>>
      %dma_wait3A_372 = arith.constant 0 : i32
      %dma_wait3A_373 = tpu.memref_slice %arg6[%dma_wait3A_368, %dma_wait3A_372] : memref<200x128xi32, #tpu.memory_space<vmem>> -> memref<1x128xi32, #tpu.memory_space<vmem>>
      %dma_wait3A_374 = tpu.memref_squeeze %dma_wait3A_373 : memref<1x128xi32, #tpu.memory_space<vmem>> -> memref<128xi32, #tpu.memory_space<vmem>>
      %dma_wait3A_375 = arith.constant 0 : i32
      %dma_wait3A_376 = arith.constant 0 : i32
      %dma_wait3A_377 = tpu.memref_slice %arg3[%dma_wait3A_375, %dma_wait3A_376] : memref<10000x64xf32, #tpu.memory_space<hbm>> -> memref<10000x64xf32, #tpu.memory_space<hbm>>
      tpu.wait_indirect_dma semaphore(%arg11 : memref<!tpu.dma_semaphore, #tpu.memory_space<semaphore_mem>>) src(%dma_wait3A_377 : memref<10000x64xf32, #tpu.memory_space<hbm>>) dst(%dma_wait3A_371 : memref<128x64xf32, #tpu.memory_space<vmem>>)
      %parallel_loop3A_378 = arith.constant 0 : i32
      %parallel_loop3A_379 = arith.constant 128 : i32
      %parallel_loop3A_380 = arith.constant 1 : i32
      scf.for %parallel_loop3A_472 = %parallel_loop3A_378 to %parallel_loop3A_379 step %parallel_loop3A_380  : i32 {
        %parallel_loop3A_473 = vector.broadcast %parallel_loop3A_472 : i32 to vector<16xi32>
        %parallel_loop3A_474 = arith.constant 128 : i32
        %parallel_loop3A_475 = arith.addi %parallel_loop3A_474, %parallel_loop3A_472 : i32
        %parallel_loop3A_476 = arith.index_cast %parallel_loop3A_475 : i32 to index
        %parallel_loop3A_477 = arith.constant 0 : index
        %parallel_loop3A_478 = tpu.vector_load %arg7[%parallel_loop3A_476, %parallel_loop3A_477] {strides = array<i32>} : memref<256x64xf32, #tpu.memory_space<vmem>>, vector<16xf32>,
        %parallel_loop3A_479 = arith.constant 128 : i32
        %parallel_loop3A_480 = arith.addi %parallel_loop3A_479, %parallel_loop3A_472 : i32
        %parallel_loop3A_481 = arith.index_cast %parallel_loop3A_480 : i32 to index
        %parallel_loop3A_482 = arith.constant 16 : index
        %parallel_loop3A_483 = tpu.vector_load %arg7[%parallel_loop3A_481, %parallel_loop3A_482] {strides = array<i32>} : memref<256x64xf32, #tpu.memory_space<vmem>>, vector<16xf32>,
        %parallel_loop3A_484 = arith.constant 128 : i32
        %parallel_loop3A_485 = arith.addi %parallel_loop3A_484, %parallel_loop3A_472 : i32
        %parallel_loop3A_486 = arith.index_cast %parallel_loop3A_485 : i32 to index
        %parallel_loop3A_487 = arith.constant 32 : index
        %parallel_loop3A_488 = tpu.vector_load %arg7[%parallel_loop3A_486, %parallel_loop3A_487] {strides = array<i32>} : memref<256x64xf32, #tpu.memory_space<vmem>>, vector<16xf32>,
        %parallel_loop3A_489 = arith.constant 128 : i32
        %parallel_loop3A_490 = arith.addi %parallel_loop3A_489, %parallel_loop3A_472 : i32
        %parallel_loop3A_491 = arith.index_cast %parallel_loop3A_490 : i32 to index
        %parallel_loop3A_492 = arith.constant 48 : index
        %parallel_loop3A_493 = tpu.vector_load %arg7[%parallel_loop3A_491, %parallel_loop3A_492] {strides = array<i32>} : memref<256x64xf32, #tpu.memory_space<vmem>>, vector<16xf32>,
        %parallel_loop3A_494 = arith.constant 1 : i32
        %parallel_loop3A_495 = arith.constant 0 : i32
        %parallel_loop3A_496 = arith.constant 0 : i32
        %parallel_loop3A_497 = arith.constant 0 : i32
        %parallel_loop3A_498 = tpu.memref_slice %arg9[%parallel_loop3A_494, %parallel_loop3A_495, %parallel_loop3A_496, %parallel_loop3A_497] : memref<2x8x8x136xf32, #tpu.memory_space<vmem>> -> memref<1x8x8x136xf32, #tpu.memory_space<vmem>>
        %parallel_loop3A_499 = tpu.memref_squeeze %parallel_loop3A_498 : memref<1x8x8x136xf32, #tpu.memory_space<vmem>> -> memref<8x8x136xf32, #tpu.memory_space<vmem>>
        tpu.vector_store_idx %parallel_loop3A_499[%select_n3A, %select_n3A_177, %parallel_loop3A_473], %parallel_loop3A_478 : memref<8x8x136xf32, #tpu.memory_space<vmem>>[vector<16xi32>, vector<16xi32>, vector<16xi32>], vector<16xf32>,
        %parallel_loop3A_500 = arith.constant 1 : i32
        %parallel_loop3A_501 = arith.constant 0 : i32
        %parallel_loop3A_502 = arith.constant 0 : i32
        %parallel_loop3A_503 = arith.constant 0 : i32
        %parallel_loop3A_504 = tpu.memref_slice %arg9[%parallel_loop3A_500, %parallel_loop3A_501, %parallel_loop3A_502, %parallel_loop3A_503] : memref<2x8x8x136xf32, #tpu.memory_space<vmem>> -> memref<1x8x8x136xf32, #tpu.memory_space<vmem>>
        %parallel_loop3A_505 = tpu.memref_squeeze %parallel_loop3A_504 : memref<1x8x8x136xf32, #tpu.memory_space<vmem>> -> memref<8x8x136xf32, #tpu.memory_space<vmem>>
        tpu.vector_store_idx %parallel_loop3A_505[%select_n3A_86, %select_n3A_202, %parallel_loop3A_473], %parallel_loop3A_483 : memref<8x8x136xf32, #tpu.memory_space<vmem>>[vector<16xi32>, vector<16xi32>, vector<16xi32>], vector<16xf32>,
        %parallel_loop3A_506 = arith.constant 1 : i32
        %parallel_loop3A_507 = arith.constant 0 : i32
        %parallel_loop3A_508 = arith.constant 0 : i32
        %parallel_loop3A_509 = arith.constant 0 : i32
        %parallel_loop3A_510 = tpu.memref_slice %arg9[%parallel_loop3A_506, %parallel_loop3A_507, %parallel_loop3A_508, %parallel_loop3A_509] : memref<2x8x8x136xf32, #tpu.memory_space<vmem>> -> memref<1x8x8x136xf32, #tpu.memory_space<vmem>>
        %parallel_loop3A_511 = tpu.memref_squeeze %parallel_loop3A_510 : memref<1x8x8x136xf32, #tpu.memory_space<vmem>> -> memref<8x8x136xf32, #tpu.memory_space<vmem>>
        tpu.vector_store_idx %parallel_loop3A_511[%select_n3A_120, %select_n3A_227, %parallel_loop3A_473], %parallel_loop3A_488 : memref<8x8x136xf32, #tpu.memory_space<vmem>>[vector<16xi32>, vector<16xi32>, vector<16xi32>], vector<16xf32>,
        %parallel_loop3A_512 = arith.constant 1 : i32
        %parallel_loop3A_513 = arith.constant 0 : i32
        %parallel_loop3A_514 = arith.constant 0 : i32
        %parallel_loop3A_515 = arith.constant 0 : i32
        %parallel_loop3A_516 = tpu.memref_slice %arg9[%parallel_loop3A_512, %parallel_loop3A_513, %parallel_loop3A_514, %parallel_loop3A_515] : memref<2x8x8x136xf32, #tpu.memory_space<vmem>> -> memref<1x8x8x136xf32, #tpu.memory_space<vmem>>
        %parallel_loop3A_517 = tpu.memref_squeeze %parallel_loop3A_516 : memref<1x8x8x136xf32, #tpu.memory_space<vmem>> -> memref<8x8x136xf32, #tpu.memory_space<vmem>>
        tpu.vector_store_idx %parallel_loop3A_517[%select_n3A_154, %select_n3A_252, %parallel_loop3A_473], %parallel_loop3A_493 : memref<8x8x136xf32, #tpu.memory_space<vmem>>[vector<16xi32>, vector<16xi32>, vector<16xi32>], vector<16xf32>,
      } {sc.loop_unroll_factor = 8 : i64, sc.parallel_access}
      %mul3A_381 = arith.constant 2 : i32
      %mul3A_382 = arith.muli %add3A_352, %mul3A_381 : i32
      %dma_start3A_383 = arith.constant 0 : i32
      %dma_start3A_384 = arith.constant 0 : i32
      %dma_start3A_385 = arith.constant 0 : i32
      %dma_start3A_386 = arith.constant 0 : i32
      %dma_start3A_387 = tpu.memref_slice %arg9[%dma_start3A_383, %dma_start3A_384, %dma_start3A_385, %dma_start3A_386] : memref<2x8x8x136xf32, #tpu.memory_space<vmem>> -> memref<2x8x8x128xf32, #tpu.memory_space<vmem>>
      %dma_start3A_388 = arith.constant 0 : i32
      %dma_start3A_389 = arith.constant 0 : i32
      %dma_start3A_390 = arith.constant 0 : i32
      %dma_start3A_391 = tpu.memref_slice %arg4[%mul3A_382, %dma_start3A_388, %add3A, %dma_start3A_389, %dma_start3A_390] : memref<200x8x32x8x128xf32, #tpu.memory_space<hbm>> -> memref<2x8x1x8x128xf32, #tpu.memory_space<hbm>>
      %dma_start3A_392 = tpu.memref_squeeze %dma_start3A_391 : memref<2x8x1x8x128xf32, #tpu.memory_space<hbm>> -> memref<2x8x8x128xf32, #tpu.memory_space<hbm>>
      %dma_start3A_393 = arith.constant 0 : i32
      %dma_start3A_394 = arith.constant 0 : i32
      %dma_start3A_395 = arith.constant 0 : i32
      %dma_start3A_396 = tpu.memref_slice %arg4[%mul3A_382, %dma_start3A_393, %add3A, %dma_start3A_394, %dma_start3A_395] : memref<200x8x32x8x128xf32, #tpu.memory_space<hbm>> -> memref<2x8x1x8x128xf32, #tpu.memory_space<hbm>>
      %dma_start3A_397 = tpu.memref_squeeze %dma_start3A_396 : memref<2x8x1x8x128xf32, #tpu.memory_space<hbm>> -> memref<2x8x8x128xf32, #tpu.memory_space<hbm>>
      %dma_start3A_398 = arith.constant 0 : i32
      %dma_start3A_399 = arith.constant 0 : i32
      %dma_start3A_400 = arith.constant 0 : i32
      %dma_start3A_401 = arith.constant 0 : i32
      %dma_start3A_402 = tpu.memref_slice %arg9[%dma_start3A_398, %dma_start3A_399, %dma_start3A_400, %dma_start3A_401] : memref<2x8x8x136xf32, #tpu.memory_space<vmem>> -> memref<2x8x8x128xf32, #tpu.memory_space<vmem>>
      tpu.enqueue_dma source(%dma_start3A_402 : memref<2x8x8x128xf32, #tpu.memory_space<vmem>>) target(%dma_start3A_397 : memref<2x8x8x128xf32, #tpu.memory_space<hbm>>) target_semaphore(%arg12 : memref<!tpu.dma_semaphore, #tpu.memory_space<semaphore_mem>>)
      %add3A_403 = arith.constant 2 : i32
      %add3A_404 = arith.addi %add3A_352, %add3A_403 : i32
      %lt3A_405 = arith.constant 100 : i32
      %lt3A_406 = arith.cmpi slt, %add3A_404, %lt3A_405 : i32
      %convert_element_type3A_407 = arith.extui %lt3A_406 : i1 to i32
      %cond3A_408 = arith.constant 0 : i32
      %cond3A_409 = arith.cmpi ne, %convert_element_type3A_407, %cond3A_408 : i32
      scf.if %cond3A_409 {
        %add3A_472 = arith.constant 2 : i32
        %add3A_473 = arith.addi %add3A_352, %add3A_472 : i32
        %mul3A_474 = arith.constant 2 : i32
        %mul3A_475 = arith.muli %add3A_473, %mul3A_474 : i32
        %add3A_476 = arith.constant 0 : i32
        %add3A_477 = arith.addi %mul3A_475, %add3A_476 : i32
        %dma_start3A_478 = arith.constant 0 : i32
        %dma_start3A_479 = arith.constant 0 : i32
        %dma_start3A_480 = tpu.memref_slice %arg7[%dma_start3A_478, %dma_start3A_479] : memref<256x64xf32, #tpu.memory_space<vmem>> -> memref<128x64xf32, #tpu.memory_space<vmem>>
        %dma_start3A_481 = arith.constant 0 : i32
        %dma_start3A_482 = tpu.memref_slice %arg6[%add3A_477, %dma_start3A_481] : memref<200x128xi32, #tpu.memory_space<vmem>> -> memref<1x128xi32, #tpu.memory_space<vmem>>
        %dma_start3A_483 = tpu.memref_squeeze %dma_start3A_482 : memref<1x128xi32, #tpu.memory_space<vmem>> -> memref<128xi32, #tpu.memory_space<vmem>>
        %dma_start3A_484 = arith.constant 0 : i32
        %dma_start3A_485 = arith.constant 0 : i32
        %dma_start3A_486 = tpu.memref_slice %arg3[%dma_start3A_484, %dma_start3A_485] : memref<10000x64xf32, #tpu.memory_space<hbm>> -> memref<10000x64xf32, #tpu.memory_space<hbm>>
        tpu.enqueue_indirect_dma source(%dma_start3A_486 : memref<10000x64xf32, #tpu.memory_space<hbm>>) target(%dma_start3A_480 : memref<128x64xf32, #tpu.memory_space<vmem>>) offsets(%dma_start3A_483 : memref<128xi32, #tpu.memory_space<vmem>>) semaphore(%arg11 : memref<!tpu.dma_semaphore, #tpu.memory_space<semaphore_mem>>)
        %mul3A_487 = arith.constant 2 : i32
        %mul3A_488 = arith.muli %add3A_473, %mul3A_487 : i32
        %add3A_489 = arith.constant 1 : i32
        %add3A_490 = arith.addi %mul3A_488, %add3A_489 : i32
        %dma_start3A_491 = arith.constant 128 : i32
        %dma_start3A_492 = arith.constant 0 : i32
        %dma_start3A_493 = tpu.memref_slice %arg7[%dma_start3A_491, %dma_start3A_492] : memref<256x64xf32, #tpu.memory_space<vmem>> -> memref<128x64xf32, #tpu.memory_space<vmem>>
        %dma_start3A_494 = arith.constant 0 : i32
        %dma_start3A_495 = tpu.memref_slice %arg6[%add3A_490, %dma_start3A_494] : memref<200x128xi32, #tpu.memory_space<vmem>> -> memref<1x128xi32, #tpu.memory_space<vmem>>
        %dma_start3A_496 = tpu.memref_squeeze %dma_start3A_495 : memref<1x128xi32, #tpu.memory_space<vmem>> -> memref<128xi32, #tpu.memory_space<vmem>>
        %dma_start3A_497 = arith.constant 0 : i32
        %dma_start3A_498 = arith.constant 0 : i32
        %dma_start3A_499 = tpu.memref_slice %arg3[%dma_start3A_497, %dma_start3A_498] : memref<10000x64xf32, #tpu.memory_space<hbm>> -> memref<10000x64xf32, #tpu.memory_space<hbm>>
        tpu.enqueue_indirect_dma source(%dma_start3A_499 : memref<10000x64xf32, #tpu.memory_space<hbm>>) target(%dma_start3A_493 : memref<128x64xf32, #tpu.memory_space<vmem>>) offsets(%dma_start3A_496 : memref<128xi32, #tpu.memory_space<vmem>>) semaphore(%arg11 : memref<!tpu.dma_semaphore, #tpu.memory_space<semaphore_mem>>)
      } else {
      }
      %add3A_410 = arith.constant 1 : i32
      %add3A_411 = arith.addi %add3A_350, %add3A_410 : i32
      %ge3A_412 = arith.constant 2 : i32
      %ge3A_413 = arith.cmpi sge, %add3A_411, %ge3A_412 : i32
      %convert_element_type3A_414 = arith.extui %ge3A_413 : i1 to i32
      %cond3A_415 = arith.constant 0 : i32
      %cond3A_416 = arith.cmpi ne, %convert_element_type3A_414, %cond3A_415 : i32
      scf.if %cond3A_416 {
        %dma_wait3A_472 = arith.constant 0 : i32
        %dma_wait3A_473 = arith.constant 0 : i32
        %dma_wait3A_474 = arith.constant 0 : i32
        %dma_wait3A_475 = arith.constant 0 : i32
        %dma_wait3A_476 = arith.constant 0 : i32
        %dma_wait3A_477 = tpu.memref_slice %arg10[%dma_wait3A_473, %dma_wait3A_474, %dma_wait3A_475, %dma_wait3A_476] : memref<2x8x8x136xf32, #tpu.memory_space<vmem>> -> memref<2x8x8x128xf32, #tpu.memory_space<vmem>>
        %dma_wait3A_478 = arith.constant 0 : i32
        %dma_wait3A_479 = arith.constant 0 : i32
        %dma_wait3A_480 = arith.constant 0 : i32
        %dma_wait3A_481 = arith.constant 0 : i32
        %dma_wait3A_482 = tpu.memref_slice %arg4[%dma_wait3A_478, %dma_wait3A_479, %dma_wait3A_472, %dma_wait3A_480, %dma_wait3A_481] : memref<200x8x32x8x128xf32, #tpu.memory_space<hbm>> -> memref<2x8x1x8x128xf32, #tpu.memory_space<hbm>>
        %dma_wait3A_483 = tpu.memref_squeeze %dma_wait3A_482 : memref<2x8x1x8x128xf32, #tpu.memory_space<hbm>> -> memref<2x8x8x128xf32, #tpu.memory_space<hbm>>
        %dma_wait3A_484 = arith.constant 0 : i32
        %dma_wait3A_485 = arith.constant 0 : i32
        %dma_wait3A_486 = arith.constant 0 : i32
        %dma_wait3A_487 = arith.constant 0 : i32
        %dma_wait3A_488 = tpu.memref_slice %arg4[%dma_wait3A_484, %dma_wait3A_485, %dma_wait3A_472, %dma_wait3A_486, %dma_wait3A_487] : memref<200x8x32x8x128xf32, #tpu.memory_space<hbm>> -> memref<2x8x1x8x128xf32, #tpu.memory_space<hbm>>
        %dma_wait3A_489 = tpu.memref_squeeze %dma_wait3A_488 : memref<2x8x1x8x128xf32, #tpu.memory_space<hbm>> -> memref<2x8x8x128xf32, #tpu.memory_space<hbm>>
        %dma_wait3A_490 = arith.constant 0 : i32
        %dma_wait3A_491 = arith.constant 0 : i32
        %dma_wait3A_492 = arith.constant 0 : i32
        %dma_wait3A_493 = arith.constant 0 : i32
        %dma_wait3A_494 = tpu.memref_slice %arg10[%dma_wait3A_490, %dma_wait3A_491, %dma_wait3A_492, %dma_wait3A_493] : memref<2x8x8x136xf32, #tpu.memory_space<vmem>> -> memref<2x8x8x128xf32, #tpu.memory_space<vmem>>
        tpu.wait_dma2 semaphore(%arg12 : memref<!tpu.dma_semaphore, #tpu.memory_space<semaphore_mem>>) src(%dma_wait3A_494 : memref<2x8x8x128xf32, #tpu.memory_space<vmem>>) dst(%dma_wait3A_489 : memref<2x8x8x128xf32, #tpu.memory_space<hbm>>)
      } else {
      }
      %dma_wait3A_417 = arith.constant 0 : i32
      %dma_wait3A_418 = arith.constant 0 : i32
      %dma_wait3A_419 = arith.constant 0 : i32
      %dma_wait3A_420 = tpu.memref_slice %arg8[%dma_wait3A_418, %dma_wait3A_419] : memref<256x64xf32, #tpu.memory_space<vmem>> -> memref<128x64xf32, #tpu.memory_space<vmem>>
      %dma_wait3A_421 = arith.constant 0 : i32
      %dma_wait3A_422 = tpu.memref_slice %arg6[%dma_wait3A_417, %dma_wait3A_421] : memref<200x128xi32, #tpu.memory_space<vmem>> -> memref<1x128xi32, #tpu.memory_space<vmem>>
      %dma_wait3A_423 = tpu.memref_squeeze %dma_wait3A_422 : memref<1x128xi32, #tpu.memory_space<vmem>> -> memref<128xi32, #tpu.memory_space<vmem>>
      %dma_wait3A_424 = arith.constant 0 : i32
      %dma_wait3A_425 = arith.constant 0 : i32
      %dma_wait3A_426 = tpu.memref_slice %arg3[%dma_wait3A_424, %dma_wait3A_425] : memref<10000x64xf32, #tpu.memory_space<hbm>> -> memref<10000x64xf32, #tpu.memory_space<hbm>>
      tpu.wait_indirect_dma semaphore(%arg11 : memref<!tpu.dma_semaphore, #tpu.memory_space<semaphore_mem>>) src(%dma_wait3A_426 : memref<10000x64xf32, #tpu.memory_space<hbm>>) dst(%dma_wait3A_420 : memref<128x64xf32, #tpu.memory_space<vmem>>)
      %parallel_loop3A_427 = arith.constant 0 : i32
      %parallel_loop3A_428 = arith.constant 128 : i32
      %parallel_loop3A_429 = arith.constant 1 : i32
      scf.for %parallel_loop3A_472 = %parallel_loop3A_427 to %parallel_loop3A_428 step %parallel_loop3A_429  : i32 {
        %parallel_loop3A_473 = vector.broadcast %parallel_loop3A_472 : i32 to vector<16xi32>
        %parallel_loop3A_474 = arith.constant 0 : i32
        %parallel_loop3A_475 = arith.addi %parallel_loop3A_474, %parallel_loop3A_472 : i32
        %parallel_loop3A_476 = arith.index_cast %parallel_loop3A_475 : i32 to index
        %parallel_loop3A_477 = arith.constant 0 : index
        %parallel_loop3A_478 = tpu.vector_load %arg8[%parallel_loop3A_476, %parallel_loop3A_477] {strides = array<i32>} : memref<256x64xf32, #tpu.memory_space<vmem>>, vector<16xf32>,
        %parallel_loop3A_479 = arith.constant 0 : i32
        %parallel_loop3A_480 = arith.addi %parallel_loop3A_479, %parallel_loop3A_472 : i32
        %parallel_loop3A_481 = arith.index_cast %parallel_loop3A_480 : i32 to index
        %parallel_loop3A_482 = arith.constant 16 : index
        %parallel_loop3A_483 = tpu.vector_load %arg8[%parallel_loop3A_481, %parallel_loop3A_482] {strides = array<i32>} : memref<256x64xf32, #tpu.memory_space<vmem>>, vector<16xf32>,
        %parallel_loop3A_484 = arith.constant 0 : i32
        %parallel_loop3A_485 = arith.addi %parallel_loop3A_484, %parallel_loop3A_472 : i32
        %parallel_loop3A_486 = arith.index_cast %parallel_loop3A_485 : i32 to index
        %parallel_loop3A_487 = arith.constant 32 : index
        %parallel_loop3A_488 = tpu.vector_load %arg8[%parallel_loop3A_486, %parallel_loop3A_487] {strides = array<i32>} : memref<256x64xf32, #tpu.memory_space<vmem>>, vector<16xf32>,
        %parallel_loop3A_489 = arith.constant 0 : i32
        %parallel_loop3A_490 = arith.addi %parallel_loop3A_489, %parallel_loop3A_472 : i32
        %parallel_loop3A_491 = arith.index_cast %parallel_loop3A_490 : i32 to index
        %parallel_loop3A_492 = arith.constant 48 : index
        %parallel_loop3A_493 = tpu.vector_load %arg8[%parallel_loop3A_491, %parallel_loop3A_492] {strides = array<i32>} : memref<256x64xf32, #tpu.memory_space<vmem>>, vector<16xf32>,
        %parallel_loop3A_494 = arith.constant 0 : i32
        %parallel_loop3A_495 = arith.constant 0 : i32
        %parallel_loop3A_496 = arith.constant 0 : i32
        %parallel_loop3A_497 = arith.constant 0 : i32
        %parallel_loop3A_498 = tpu.memref_slice %arg10[%parallel_loop3A_494, %parallel_loop3A_495, %parallel_loop3A_496, %parallel_loop3A_497] : memref<2x8x8x136xf32, #tpu.memory_space<vmem>> -> memref<1x8x8x136xf32, #tpu.memory_space<vmem>>
        %parallel_loop3A_499 = tpu.memref_squeeze %parallel_loop3A_498 : memref<1x8x8x136xf32, #tpu.memory_space<vmem>> -> memref<8x8x136xf32, #tpu.memory_space<vmem>>
        tpu.vector_store_idx %parallel_loop3A_499[%select_n3A, %select_n3A_177, %parallel_loop3A_473], %parallel_loop3A_478 : memref<8x8x136xf32, #tpu.memory_space<vmem>>[vector<16xi32>, vector<16xi32>, vector<16xi32>], vector<16xf32>,
        %parallel_loop3A_500 = arith.constant 0 : i32
        %parallel_loop3A_501 = arith.constant 0 : i32
        %parallel_loop3A_502 = arith.constant 0 : i32
        %parallel_loop3A_503 = arith.constant 0 : i32
        %parallel_loop3A_504 = tpu.memref_slice %arg10[%parallel_loop3A_500, %parallel_loop3A_501, %parallel_loop3A_502, %parallel_loop3A_503] : memref<2x8x8x136xf32, #tpu.memory_space<vmem>> -> memref<1x8x8x136xf32, #tpu.memory_space<vmem>>
        %parallel_loop3A_505 = tpu.memref_squeeze %parallel_loop3A_504 : memref<1x8x8x136xf32, #tpu.memory_space<vmem>> -> memref<8x8x136xf32, #tpu.memory_space<vmem>>
        tpu.vector_store_idx %parallel_loop3A_505[%select_n3A_86, %select_n3A_202, %parallel_loop3A_473], %parallel_loop3A_483 : memref<8x8x136xf32, #tpu.memory_space<vmem>>[vector<16xi32>, vector<16xi32>, vector<16xi32>], vector<16xf32>,
        %parallel_loop3A_506 = arith.constant 0 : i32
        %parallel_loop3A_507 = arith.constant 0 : i32
        %parallel_loop3A_508 = arith.constant 0 : i32
        %parallel_loop3A_509 = arith.constant 0 : i32
        %parallel_loop3A_510 = tpu.memref_slice %arg10[%parallel_loop3A_506, %parallel_loop3A_507, %parallel_loop3A_508, %parallel_loop3A_509] : memref<2x8x8x136xf32, #tpu.memory_space<vmem>> -> memref<1x8x8x136xf32, #tpu.memory_space<vmem>>
        %parallel_loop3A_511 = tpu.memref_squeeze %parallel_loop3A_510 : memref<1x8x8x136xf32, #tpu.memory_space<vmem>> -> memref<8x8x136xf32, #tpu.memory_space<vmem>>
        tpu.vector_store_idx %parallel_loop3A_511[%select_n3A_120, %select_n3A_227, %parallel_loop3A_473], %parallel_loop3A_488 : memref<8x8x136xf32, #tpu.memory_space<vmem>>[vector<16xi32>, vector<16xi32>, vector<16xi32>], vector<16xf32>,
        %parallel_loop3A_512 = arith.constant 0 : i32
        %parallel_loop3A_513 = arith.constant 0 : i32
        %parallel_loop3A_514 = arith.constant 0 : i32
        %parallel_loop3A_515 = arith.constant 0 : i32
        %parallel_loop3A_516 = tpu.memref_slice %arg10[%parallel_loop3A_512, %parallel_loop3A_513, %parallel_loop3A_514, %parallel_loop3A_515] : memref<2x8x8x136xf32, #tpu.memory_space<vmem>> -> memref<1x8x8x136xf32, #tpu.memory_space<vmem>>
        %parallel_loop3A_517 = tpu.memref_squeeze %parallel_loop3A_516 : memref<1x8x8x136xf32, #tpu.memory_space<vmem>> -> memref<8x8x136xf32, #tpu.memory_space<vmem>>
        tpu.vector_store_idx %parallel_loop3A_517[%select_n3A_154, %select_n3A_252, %parallel_loop3A_473], %parallel_loop3A_493 : memref<8x8x136xf32, #tpu.memory_space<vmem>>[vector<16xi32>, vector<16xi32>, vector<16xi32>], vector<16xf32>,
      } {sc.loop_unroll_factor = 8 : i64, sc.parallel_access}
      %dma_wait3A_430 = arith.constant 0 : i32
      %dma_wait3A_431 = arith.constant 0 : i32
      %dma_wait3A_432 = arith.constant 0 : i32
      %dma_wait3A_433 = tpu.memref_slice %arg8[%dma_wait3A_431, %dma_wait3A_432] : memref<256x64xf32, #tpu.memory_space<vmem>> -> memref<128x64xf32, #tpu.memory_space<vmem>>
      %dma_wait3A_434 = arith.constant 0 : i32
      %dma_wait3A_435 = tpu.memref_slice %arg6[%dma_wait3A_430, %dma_wait3A_434] : memref<200x128xi32, #tpu.memory_space<vmem>> -> memref<1x128xi32, #tpu.memory_space<vmem>>
      %dma_wait3A_436 = tpu.memref_squeeze %dma_wait3A_435 : memref<1x128xi32, #tpu.memory_space<vmem>> -> memref<128xi32, #tpu.memory_space<vmem>>
      %dma_wait3A_437 = arith.constant 0 : i32
      %dma_wait3A_438 = arith.constant 0 : i32
      %dma_wait3A_439 = tpu.memref_slice %arg3[%dma_wait3A_437, %dma_wait3A_438] : memref<10000x64xf32, #tpu.memory_space<hbm>> -> memref<10000x64xf32, #tpu.memory_space<hbm>>
      tpu.wait_indirect_dma semaphore(%arg11 : memref<!tpu.dma_semaphore, #tpu.memory_space<semaphore_mem>>) src(%dma_wait3A_439 : memref<10000x64xf32, #tpu.memory_space<hbm>>) dst(%dma_wait3A_433 : memref<128x64xf32, #tpu.memory_space<vmem>>)
      %parallel_loop3A_440 = arith.constant 0 : i32
      %parallel_loop3A_441 = arith.constant 128 : i32
      %parallel_loop3A_442 = arith.constant 1 : i32
      scf.for %parallel_loop3A_472 = %parallel_loop3A_440 to %parallel_loop3A_441 step %parallel_loop3A_442  : i32 {
        %parallel_loop3A_473 = vector.broadcast %parallel_loop3A_472 : i32 to vector<16xi32>
        %parallel_loop3A_474 = arith.constant 128 : i32
        %parallel_loop3A_475 = arith.addi %parallel_loop3A_474, %parallel_loop3A_472 : i32
        %parallel_loop3A_476 = arith.index_cast %parallel_loop3A_475 : i32 to index
        %parallel_loop3A_477 = arith.constant 0 : index
        %parallel_loop3A_478 = tpu.vector_load %arg8[%parallel_loop3A_476, %parallel_loop3A_477] {strides = array<i32>} : memref<256x64xf32, #tpu.memory_space<vmem>>, vector<16xf32>,
        %parallel_loop3A_479 = arith.constant 128 : i32
        %parallel_loop3A_480 = arith.addi %parallel_loop3A_479, %parallel_loop3A_472 : i32
        %parallel_loop3A_481 = arith.index_cast %parallel_loop3A_480 : i32 to index
        %parallel_loop3A_482 = arith.constant 16 : index
        %parallel_loop3A_483 = tpu.vector_load %arg8[%parallel_loop3A_481, %parallel_loop3A_482] {strides = array<i32>} : memref<256x64xf32, #tpu.memory_space<vmem>>, vector<16xf32>,
        %parallel_loop3A_484 = arith.constant 128 : i32
        %parallel_loop3A_485 = arith.addi %parallel_loop3A_484, %parallel_loop3A_472 : i32
        %parallel_loop3A_486 = arith.index_cast %parallel_loop3A_485 : i32 to index
        %parallel_loop3A_487 = arith.constant 32 : index
        %parallel_loop3A_488 = tpu.vector_load %arg8[%parallel_loop3A_486, %parallel_loop3A_487] {strides = array<i32>} : memref<256x64xf32, #tpu.memory_space<vmem>>, vector<16xf32>,
        %parallel_loop3A_489 = arith.constant 128 : i32
        %parallel_loop3A_490 = arith.addi %parallel_loop3A_489, %parallel_loop3A_472 : i32
        %parallel_loop3A_491 = arith.index_cast %parallel_loop3A_490 : i32 to index
        %parallel_loop3A_492 = arith.constant 48 : index
        %parallel_loop3A_493 = tpu.vector_load %arg8[%parallel_loop3A_491, %parallel_loop3A_492] {strides = array<i32>} : memref<256x64xf32, #tpu.memory_space<vmem>>, vector<16xf32>,
        %parallel_loop3A_494 = arith.constant 1 : i32
        %parallel_loop3A_495 = arith.constant 0 : i32
        %parallel_loop3A_496 = arith.constant 0 : i32
        %parallel_loop3A_497 = arith.constant 0 : i32
        %parallel_loop3A_498 = tpu.memref_slice %arg10[%parallel_loop3A_494, %parallel_loop3A_495, %parallel_loop3A_496, %parallel_loop3A_497] : memref<2x8x8x136xf32, #tpu.memory_space<vmem>> -> memref<1x8x8x136xf32, #tpu.memory_space<vmem>>
        %parallel_loop3A_499 = tpu.memref_squeeze %parallel_loop3A_498 : memref<1x8x8x136xf32, #tpu.memory_space<vmem>> -> memref<8x8x136xf32, #tpu.memory_space<vmem>>
        tpu.vector_store_idx %parallel_loop3A_499[%select_n3A, %select_n3A_177, %parallel_loop3A_473], %parallel_loop3A_478 : memref<8x8x136xf32, #tpu.memory_space<vmem>>[vector<16xi32>, vector<16xi32>, vector<16xi32>], vector<16xf32>,
        %parallel_loop3A_500 = arith.constant 1 : i32
        %parallel_loop3A_501 = arith.constant 0 : i32
        %parallel_loop3A_502 = arith.constant 0 : i32
        %parallel_loop3A_503 = arith.constant 0 : i32
        %parallel_loop3A_504 = tpu.memref_slice %arg10[%parallel_loop3A_500, %parallel_loop3A_501, %parallel_loop3A_502, %parallel_loop3A_503] : memref<2x8x8x136xf32, #tpu.memory_space<vmem>> -> memref<1x8x8x136xf32, #tpu.memory_space<vmem>>
        %parallel_loop3A_505 = tpu.memref_squeeze %parallel_loop3A_504 : memref<1x8x8x136xf32, #tpu.memory_space<vmem>> -> memref<8x8x136xf32, #tpu.memory_space<vmem>>
        tpu.vector_store_idx %parallel_loop3A_505[%select_n3A_86, %select_n3A_202, %parallel_loop3A_473], %parallel_loop3A_483 : memref<8x8x136xf32, #tpu.memory_space<vmem>>[vector<16xi32>, vector<16xi32>, vector<16xi32>], vector<16xf32>,
        %parallel_loop3A_506 = arith.constant 1 : i32
        %parallel_loop3A_507 = arith.constant 0 : i32
        %parallel_loop3A_508 = arith.constant 0 : i32
        %parallel_loop3A_509 = arith.constant 0 : i32
        %parallel_loop3A_510 = tpu.memref_slice %arg10[%parallel_loop3A_506, %parallel_loop3A_507, %parallel_loop3A_508, %parallel_loop3A_509] : memref<2x8x8x136xf32, #tpu.memory_space<vmem>> -> memref<1x8x8x136xf32, #tpu.memory_space<vmem>>
        %parallel_loop3A_511 = tpu.memref_squeeze %parallel_loop3A_510 : memref<1x8x8x136xf32, #tpu.memory_space<vmem>> -> memref<8x8x136xf32, #tpu.memory_space<vmem>>
        tpu.vector_store_idx %parallel_loop3A_511[%select_n3A_120, %select_n3A_227, %parallel_loop3A_473], %parallel_loop3A_488 : memref<8x8x136xf32, #tpu.memory_space<vmem>>[vector<16xi32>, vector<16xi32>, vector<16xi32>], vector<16xf32>,
        %parallel_loop3A_512 = arith.constant 1 : i32
        %parallel_loop3A_513 = arith.constant 0 : i32
        %parallel_loop3A_514 = arith.constant 0 : i32
        %parallel_loop3A_515 = arith.constant 0 : i32
        %parallel_loop3A_516 = tpu.memref_slice %arg10[%parallel_loop3A_512, %parallel_loop3A_513, %parallel_loop3A_514, %parallel_loop3A_515] : memref<2x8x8x136xf32, #tpu.memory_space<vmem>> -> memref<1x8x8x136xf32, #tpu.memory_space<vmem>>
        %parallel_loop3A_517 = tpu.memref_squeeze %parallel_loop3A_516 : memref<1x8x8x136xf32, #tpu.memory_space<vmem>> -> memref<8x8x136xf32, #tpu.memory_space<vmem>>
        tpu.vector_store_idx %parallel_loop3A_517[%select_n3A_154, %select_n3A_252, %parallel_loop3A_473], %parallel_loop3A_493 : memref<8x8x136xf32, #tpu.memory_space<vmem>>[vector<16xi32>, vector<16xi32>, vector<16xi32>], vector<16xf32>,
      } {sc.loop_unroll_factor = 8 : i64, sc.parallel_access}
      %mul3A_443 = arith.constant 2 : i32
      %mul3A_444 = arith.muli %add3A_411, %mul3A_443 : i32
      %dma_start3A_445 = arith.constant 0 : i32
      %dma_start3A_446 = arith.constant 0 : i32
      %dma_start3A_447 = arith.constant 0 : i32
      %dma_start3A_448 = arith.constant 0 : i32
      %dma_start3A_449 = tpu.memref_slice %arg10[%dma_start3A_445, %dma_start3A_446, %dma_start3A_447, %dma_start3A_448] : memref<2x8x8x136xf32, #tpu.memory_space<vmem>> -> memref<2x8x8x128xf32, #tpu.memory_space<vmem>>
      %dma_start3A_450 = arith.constant 0 : i32
      %dma_start3A_451 = arith.constant 0 : i32
      %dma_start3A_452 = arith.constant 0 : i32
      %dma_start3A_453 = tpu.memref_slice %arg4[%mul3A_444, %dma_start3A_450, %add3A, %dma_start3A_451, %dma_start3A_452] : memref<200x8x32x8x128xf32, #tpu.memory_space<hbm>> -> memref<2x8x1x8x128xf32, #tpu.memory_space<hbm>>
      %dma_start3A_454 = tpu.memref_squeeze %dma_start3A_453 : memref<2x8x1x8x128xf32, #tpu.memory_space<hbm>> -> memref<2x8x8x128xf32, #tpu.memory_space<hbm>>
      %dma_start3A_455 = arith.constant 0 : i32
      %dma_start3A_456 = arith.constant 0 : i32
      %dma_start3A_457 = arith.constant 0 : i32
      %dma_start3A_458 = tpu.memref_slice %arg4[%mul3A_444, %dma_start3A_455, %add3A, %dma_start3A_456, %dma_start3A_457] : memref<200x8x32x8x128xf32, #tpu.memory_space<hbm>> -> memref<2x8x1x8x128xf32, #tpu.memory_space<hbm>>
      %dma_start3A_459 = tpu.memref_squeeze %dma_start3A_458 : memref<2x8x1x8x128xf32, #tpu.memory_space<hbm>> -> memref<2x8x8x128xf32, #tpu.memory_space<hbm>>
      %dma_start3A_460 = arith.constant 0 : i32
      %dma_start3A_461 = arith.constant 0 : i32
      %dma_start3A_462 = arith.constant 0 : i32
      %dma_start3A_463 = arith.constant 0 : i32
      %dma_start3A_464 = tpu.memref_slice %arg10[%dma_start3A_460, %dma_start3A_461, %dma_start3A_462, %dma_start3A_463] : memref<2x8x8x136xf32, #tpu.memory_space<vmem>> -> memref<2x8x8x128xf32, #tpu.memory_space<vmem>>
      tpu.enqueue_dma source(%dma_start3A_464 : memref<2x8x8x128xf32, #tpu.memory_space<vmem>>) target(%dma_start3A_459 : memref<2x8x8x128xf32, #tpu.memory_space<hbm>>) target_semaphore(%arg12 : memref<!tpu.dma_semaphore, #tpu.memory_space<semaphore_mem>>)
      %add3A_465 = arith.constant 2 : i32
      %add3A_466 = arith.addi %add3A_411, %add3A_465 : i32
      %lt3A_467 = arith.constant 100 : i32
      %lt3A_468 = arith.cmpi slt, %add3A_466, %lt3A_467 : i32
      %convert_element_type3A_469 = arith.extui %lt3A_468 : i1 to i32
      %cond3A_470 = arith.constant 0 : i32
      %cond3A_471 = arith.cmpi ne, %convert_element_type3A_469, %cond3A_470 : i32
      scf.if %cond3A_471 {
        %add3A_472 = arith.constant 2 : i32
        %add3A_473 = arith.addi %add3A_411, %add3A_472 : i32
        %mul3A_474 = arith.constant 2 : i32
        %mul3A_475 = arith.muli %add3A_473, %mul3A_474 : i32
        %add3A_476 = arith.constant 0 : i32
        %add3A_477 = arith.addi %mul3A_475, %add3A_476 : i32
        %dma_start3A_478 = arith.constant 0 : i32
        %dma_start3A_479 = arith.constant 0 : i32
        %dma_start3A_480 = tpu.memref_slice %arg8[%dma_start3A_478, %dma_start3A_479] : memref<256x64xf32, #tpu.memory_space<vmem>> -> memref<128x64xf32, #tpu.memory_space<vmem>>
        %dma_start3A_481 = arith.constant 0 : i32
        %dma_start3A_482 = tpu.memref_slice %arg6[%add3A_477, %dma_start3A_481] : memref<200x128xi32, #tpu.memory_space<vmem>> -> memref<1x128xi32, #tpu.memory_space<vmem>>
        %dma_start3A_483 = tpu.memref_squeeze %dma_start3A_482 : memref<1x128xi32, #tpu.memory_space<vmem>> -> memref<128xi32, #tpu.memory_space<vmem>>
        %dma_start3A_484 = arith.constant 0 : i32
        %dma_start3A_485 = arith.constant 0 : i32
        %dma_start3A_486 = tpu.memref_slice %arg3[%dma_start3A_484, %dma_start3A_485] : memref<10000x64xf32, #tpu.memory_space<hbm>> -> memref<10000x64xf32, #tpu.memory_space<hbm>>
        tpu.enqueue_indirect_dma source(%dma_start3A_486 : memref<10000x64xf32, #tpu.memory_space<hbm>>) target(%dma_start3A_480 : memref<128x64xf32, #tpu.memory_space<vmem>>) offsets(%dma_start3A_483 : memref<128xi32, #tpu.memory_space<vmem>>) semaphore(%arg11 : memref<!tpu.dma_semaphore, #tpu.memory_space<semaphore_mem>>)
        %mul3A_487 = arith.constant 2 : i32
        %mul3A_488 = arith.muli %add3A_473, %mul3A_487 : i32
        %add3A_489 = arith.constant 1 : i32
        %add3A_490 = arith.addi %mul3A_488, %add3A_489 : i32
        %dma_start3A_491 = arith.constant 128 : i32
        %dma_start3A_492 = arith.constant 0 : i32
        %dma_start3A_493 = tpu.memref_slice %arg8[%dma_start3A_491, %dma_start3A_492] : memref<256x64xf32, #tpu.memory_space<vmem>> -> memref<128x64xf32, #tpu.memory_space<vmem>>
        %dma_start3A_494 = arith.constant 0 : i32
        %dma_start3A_495 = tpu.memref_slice %arg6[%add3A_490, %dma_start3A_494] : memref<200x128xi32, #tpu.memory_space<vmem>> -> memref<1x128xi32, #tpu.memory_space<vmem>>
        %dma_start3A_496 = tpu.memref_squeeze %dma_start3A_495 : memref<1x128xi32, #tpu.memory_space<vmem>> -> memref<128xi32, #tpu.memory_space<vmem>>
        %dma_start3A_497 = arith.constant 0 : i32
        %dma_start3A_498 = arith.constant 0 : i32
        %dma_start3A_499 = tpu.memref_slice %arg3[%dma_start3A_497, %dma_start3A_498] : memref<10000x64xf32, #tpu.memory_space<hbm>> -> memref<10000x64xf32, #tpu.memory_space<hbm>>
        tpu.enqueue_indirect_dma source(%dma_start3A_499 : memref<10000x64xf32, #tpu.memory_space<hbm>>) target(%dma_start3A_493 : memref<128x64xf32, #tpu.memory_space<vmem>>) offsets(%dma_start3A_496 : memref<128xi32, #tpu.memory_space<vmem>>) semaphore(%arg11 : memref<!tpu.dma_semaphore, #tpu.memory_space<semaphore_mem>>)
      } else {
      }
    }
    %scan3A_300 = arith.constant 50 : i32
    %dma_wait3A = arith.constant 0 : i32
    %dma_wait3A_301 = arith.constant 0 : i32
    %dma_wait3A_302 = arith.constant 0 : i32
    %dma_wait3A_303 = arith.constant 0 : i32
    %dma_wait3A_304 = arith.constant 0 : i32
    %dma_wait3A_305 = tpu.memref_slice %arg9[%dma_wait3A_301, %dma_wait3A_302, %dma_wait3A_303, %dma_wait3A_304] : memref<2x8x8x136xf32, #tpu.memory_space<vmem>> -> memref<2x8x8x128xf32, #tpu.memory_space<vmem>>
    %dma_wait3A_306 = arith.constant 0 : i32
    %dma_wait3A_307 = arith.constant 0 : i32
    %dma_wait3A_308 = arith.constant 0 : i32
    %dma_wait3A_309 = arith.constant 0 : i32
    %dma_wait3A_310 = tpu.memref_slice %arg4[%dma_wait3A_306, %dma_wait3A_307, %dma_wait3A, %dma_wait3A_308, %dma_wait3A_309] : memref<200x8x32x8x128xf32, #tpu.memory_space<hbm>> -> memref<2x8x1x8x128xf32, #tpu.memory_space<hbm>>
    %dma_wait3A_311 = tpu.memref_squeeze %dma_wait3A_310 : memref<2x8x1x8x128xf32, #tpu.memory_space<hbm>> -> memref<2x8x8x128xf32, #tpu.memory_space<hbm>>
    %dma_wait3A_312 = arith.constant 0 : i32
    %dma_wait3A_313 = arith.constant 0 : i32
    %dma_wait3A_314 = arith.constant 0 : i32
    %dma_wait3A_315 = arith.constant 0 : i32
    %dma_wait3A_316 = tpu.memref_slice %arg4[%dma_wait3A_312, %dma_wait3A_313, %dma_wait3A, %dma_wait3A_314, %dma_wait3A_315] : memref<200x8x32x8x128xf32, #tpu.memory_space<hbm>> -> memref<2x8x1x8x128xf32, #tpu.memory_space<hbm>>
    %dma_wait3A_317 = tpu.memref_squeeze %dma_wait3A_316 : memref<2x8x1x8x128xf32, #tpu.memory_space<hbm>> -> memref<2x8x8x128xf32, #tpu.memory_space<hbm>>
    %dma_wait3A_318 = arith.constant 0 : i32
    %dma_wait3A_319 = arith.constant 0 : i32
    %dma_wait3A_320 = arith.constant 0 : i32
    %dma_wait3A_321 = arith.constant 0 : i32
    %dma_wait3A_322 = tpu.memref_slice %arg9[%dma_wait3A_318, %dma_wait3A_319, %dma_wait3A_320, %dma_wait3A_321] : memref<2x8x8x136xf32, #tpu.memory_space<vmem>> -> memref<2x8x8x128xf32, #tpu.memory_space<vmem>>
    tpu.wait_dma2 semaphore(%arg12 : memref<!tpu.dma_semaphore, #tpu.memory_space<semaphore_mem>>) src(%dma_wait3A_322 : memref<2x8x8x128xf32, #tpu.memory_space<vmem>>) dst(%dma_wait3A_317 : memref<2x8x8x128xf32, #tpu.memory_space<hbm>>)
    %dma_wait3A_323 = arith.constant 0 : i32
    %dma_wait3A_324 = arith.constant 0 : i32
    %dma_wait3A_325 = arith.constant 0 : i32
    %dma_wait3A_326 = arith.constant 0 : i32
    %dma_wait3A_327 = arith.constant 0 : i32
    %dma_wait3A_328 = tpu.memref_slice %arg10[%dma_wait3A_324, %dma_wait3A_325, %dma_wait3A_326, %dma_wait3A_327] : memref<2x8x8x136xf32, #tpu.memory_space<vmem>> -> memref<2x8x8x128xf32, #tpu.memory_space<vmem>>
    %dma_wait3A_329 = arith.constant 0 : i32
    %dma_wait3A_330 = arith.constant 0 : i32
    %dma_wait3A_331 = arith.constant 0 : i32
    %dma_wait3A_332 = arith.constant 0 : i32
    %dma_wait3A_333 = tpu.memref_slice %arg4[%dma_wait3A_329, %dma_wait3A_330, %dma_wait3A_323, %dma_wait3A_331, %dma_wait3A_332] : memref<200x8x32x8x128xf32, #tpu.memory_space<hbm>> -> memref<2x8x1x8x128xf32, #tpu.memory_space<hbm>>
    %dma_wait3A_334 = tpu.memref_squeeze %dma_wait3A_333 : memref<2x8x1x8x128xf32, #tpu.memory_space<hbm>> -> memref<2x8x8x128xf32, #tpu.memory_space<hbm>>
    %dma_wait3A_335 = arith.constant 0 : i32
    %dma_wait3A_336 = arith.constant 0 : i32
    %dma_wait3A_337 = arith.constant 0 : i32
    %dma_wait3A_338 = arith.constant 0 : i32
    %dma_wait3A_339 = tpu.memref_slice %arg4[%dma_wait3A_335, %dma_wait3A_336, %dma_wait3A_323, %dma_wait3A_337, %dma_wait3A_338] : memref<200x8x32x8x128xf32, #tpu.memory_space<hbm>> -> memref<2x8x1x8x128xf32, #tpu.memory_space<hbm>>
    %dma_wait3A_340 = tpu.memref_squeeze %dma_wait3A_339 : memref<2x8x1x8x128xf32, #tpu.memory_space<hbm>> -> memref<2x8x8x128xf32, #tpu.memory_space<hbm>>
    %dma_wait3A_341 = arith.constant 0 : i32
    %dma_wait3A_342 = arith.constant 0 : i32
    %dma_wait3A_343 = arith.constant 0 : i32
    %dma_wait3A_344 = arith.constant 0 : i32
    %dma_wait3A_345 = tpu.memref_slice %arg10[%dma_wait3A_341, %dma_wait3A_342, %dma_wait3A_343, %dma_wait3A_344] : memref<2x8x8x136xf32, #tpu.memory_space<vmem>> -> memref<2x8x8x128xf32, #tpu.memory_space<vmem>>
    tpu.wait_dma2 semaphore(%arg12 : memref<!tpu.dma_semaphore, #tpu.memory_space<semaphore_mem>>) src(%dma_wait3A_345 : memref<2x8x8x128xf32, #tpu.memory_space<vmem>>) dst(%dma_wait3A_340 : memref<2x8x8x128xf32, #tpu.memory_space<hbm>>)
    return
  }
}

</mosaic_0001>

<sc_bundles>
// kernel: kernel.3.cloned.1.call-start
scs
__scs_entry_jumppad:
0x0: {  	(pc) =	sbr.rel $0x88, $3  }
0x1: {  	(tag) =	ssettag $0x0;
	lr =	simm.s32 $0x1  }
0x2: {  	[smem:$0x3F9F] =	sst lr;
	_ =	strace $0xD0000000  }
0x3: {  	_ = 	snop  }
0x4: {  	_ = 	snop  }
0x5: {  	_ = 	snop  }
0x6: {  	_ = 	snop  }
0x7: {  	_ = 	snop  }
__scs_overlays_trampoline_lowered:
0x8: {  	[smem:$0x3FAE] =	sst s0  }
0x9: {  	[smem:$0x3FAF] =	sst s1  }
0xa: {  	[smem:$0x3FB0] =	sst s2  }
0xb: {  	[smem:$0x3FB1] =	sst s3  }
0xc: {  	[smem:$0x3FB2] =	sst s4  }
0xd: {  	[smem:$0x3FB3] =	sst s5  }
0xe: {  	[smem:$0x3FB4] =	sst s6  }
0xf: {  	[smem:$0x3FB5] =	sst s7  }
0x10: {  	[smem:$0x3FB6] =	sst s8  }
0x11: {  	[smem:$0x3FB7] =	sst s9;
	s0 =	simm.s32 @!p0 $0x0  }
0x12: {  	s1 =	sld [smem:$0x3F9D];
	s0 =	simm.s32 @p0 $0x1  }
0x13: {  	[smem:$0x3FB8] =	sst s0;
	s0 =	simm.s32 @!p1 $0x0  }
0x14: {  	s2 =	sld [smem:$0x3F9C];
	s0 =	simm.s32 @p1 $0x1  }
0x15: {  	[smem:$0x3FB9] =	sst s0;
	s0 =	simm.s32 @!p2 $0x0  }
0x16: {  	s3 =	sld [smem:$0x3FDB];
	s0 =	simm.s32 @p2 $0x1  }
0x17: {  	s4 =	simm.s32 $0x1BF5;
	[smem:$0x3FBB] =	sst s0  }
0x18: {  	s0 =	sld [smem:$0x3F9E];
	_ =	swait.ge [sflag:s4], $0x0  }
0x19: {  	s7 =	sld [smem:$0x3F9F]  }
0x1a: {  	s8 =	sadd.s32 $0xFFFFE003, lr  }
0x1b: {  	s9 =	sadd.s32 $0xFFFFFEF7, lr;
	s5 =	simm.s32 $0xFFFFFFFF;
	p2 =	slt.u32 s8, $0xFFFFF086  }
0x1c: {  	p1 =	slt.u32 s9, $0xF7A;
	s5 =	simm.s32 @!p2 $0x0  }
0x1d: {  	s5 =	simm.s32 @p1 $0x1;
	p0 =	seq.s32 s7, s2  }
0x1e: {  	s7 =	smul.u32 @!p0 $0xF7A, s2;
	p2 =	seq.s32 @!p0 s5, $0x0  }
0x1f: {  	s9 =	smul.u32 $0xF7A, s1;
	s8 =	simm.s32 @!p0 $0x1BF5;
	p2 =	por !p2, p0  }
0x20: {  	[sflag:s8] =	ssyncset.s32 @!p0 $0xFFFFF086;
	s6 =	sadd.s32 @!p0 s3, s7;
	s7 =	simm.s32 @!p0 $0x108  }
0x21: {  	s3 =	sadd.s32 s3, s9;
	s6 =	sadd.s32 @!p0 $0x88, s6;
	s7 =	simm.s32 @p2 $0x1082  }
0x22: {  	[simem:s7], [sflag:s8] =	dma.local @!p0 [hbm:s6], $0xF7A  }
0x23: {  	s9 =	sor.u32 $0xD0000000, s2;
	s6 =	simm.s32 $0x108;
	_ =	swait.ge @!p0 [sflag:s8], $0x0  }
0x24: {  	s3 =	sadd.s32 $0x88, s3;
	s6 =	simm.s32 @!p1 $0x1082;
	[sflag:s4] =	ssyncset.s32 $0xFFFFF086  }
0x25: {  	[simem:s6], [sflag:s4] =	dma.local [hbm:s3], $0xF7A  }
0x26: {  	[smem:$0x3F9F] =	sst s1;
	(tag) =	ssettag s2;
	_ =	strace s9  }
0x27: {  	s1 =	sld [smem:$0x3FAF]  }
0x28: {  	s2 =	sld [smem:$0x3FB0]  }
0x29: {  	s4 =	sld [smem:$0x3FB2]  }
0x2a: {  	p0 =	seq.s32 s5, $0x0;
	s5 =	sld [smem:$0x3FB3]  }
0x2b: {  	s6 =	sld [smem:$0x3FB4]  }
0x2c: {  	s7 =	sld [smem:$0x3FB5]  }
0x2d: {  	s3 =	simm.s32 $0x108;
	s8 =	sld [smem:$0x3FB6]  }
0x2e: {  	s3 =	simm.s32 @!p0 $0x1082;
	s9 =	sld [smem:$0x3FB7]  }
0x2f: {  	lr =	sadd.s32 s0, s3;
	s0 =	sld [smem:$0x3FAE]  }
0x30: {  	s3 =	sld [smem:$0x3FB1]  }
0x31: {  	[smem:$0x3FBA] =	sst s10  }
0x32: {  	s10 =	sld [smem:$0x3FB8];
	_ =	sdelay $0x3  }
0x33: {  	p0 =	seq.s32 s10, $0x1;
	s10 =	sld [smem:$0x3FBA];
	_ =	sdelay $0x3  }
0x34: {  	[smem:$0x3FBA] =	sst s10  }
0x35: {  	s10 =	sld [smem:$0x3FB9];
	_ =	sdelay $0x3  }
0x36: {  	p1 =	seq.s32 s10, $0x1;
	s10 =	sld [smem:$0x3FBA];
	_ =	sdelay $0x3  }
0x37: {  	[smem:$0x3FBA] =	sst s10  }
0x38: {  	s10 =	sld [smem:$0x3FBB]  }
0x39: {  	_ = 	snop;
	(pc) =	sbr.ind lr, $3  }
0x3a: {  	_ = 	snop  }
0x3b: {  	_ = 	snop  }
0x3c: {  	p2 =	seq.s32 s10, $0x1;
	s10 =	sld [smem:$0x3FBA]  }
0x3d: {  	_ =	shalt  }
0x3e: {  	_ =	shalt  }
0x3f: {  	_ =	shalt  }
0x40: {  	_ =	shalt  }
0x41: {  	_ =	shalt  }
0x42: {  	_ =	shalt  }
0x43: {  	_ =	shalt  }
0x44: {  	_ =	shalt  }
0x45: {  	_ =	shalt  }
0x46: {  	_ =	shalt  }
0x47: {  	_ =	shalt  }
0x48: {  	_ =	shalt  }
0x49: {  	_ =	shalt  }
0x4a: {  	_ =	shalt  }
0x4b: {  	_ =	shalt  }
0x4c: {  	_ =	shalt  }
0x4d: {  	_ =	shalt  }
0x4e: {  	_ =	shalt  }
0x4f: {  	_ =	shalt  }
0x50: {  	_ =	shalt  }
0x51: {  	_ =	shalt  }
0x52: {  	_ =	shalt  }
0x53: {  	_ =	shalt  }
0x54: {  	_ =	shalt  }
0x55: {  	_ =	shalt  }
0x56: {  	_ =	shalt  }
0x57: {  	_ =	shalt  }
0x58: {  	_ =	shalt  }
0x59: {  	_ =	shalt  }
0x5a: {  	_ =	shalt  }
0x5b: {  	_ =	shalt  }
0x5c: {  	_ =	shalt  }
0x5d: {  	_ =	shalt  }
0x5e: {  	_ =	shalt  }
0x5f: {  	_ =	shalt  }
0x60: {  	_ =	shalt  }
0x61: {  	_ =	shalt  }
0x62: {  	_ =	shalt  }
0x63: {  	_ =	shalt  }
0x64: {  	_ =	shalt  }
0x65: {  	_ =	shalt  }
0x66: {  	_ =	shalt  }
0x67: {  	_ =	shalt  }
0x68: {  	_ =	shalt  }
0x69: {  	_ =	shalt  }
0x6a: {  	_ =	shalt  }
0x6b: {  	_ =	shalt  }
0x6c: {  	_ =	shalt  }
0x6d: {  	_ =	shalt  }
0x6e: {  	_ =	shalt  }
0x6f: {  	_ =	shalt  }
0x70: {  	_ =	shalt  }
0x71: {  	_ =	shalt  }
0x72: {  	_ =	shalt  }
0x73: {  	_ =	shalt  }
0x74: {  	_ =	shalt  }
0x75: {  	_ =	shalt  }
0x76: {  	_ =	shalt  }
0x77: {  	_ =	shalt  }
0x78: {  	_ =	shalt  }
0x79: {  	_ =	shalt  }
0x7a: {  	_ =	shalt  }
0x7b: {  	_ =	shalt  }
0x7c: {  	_ =	shalt  }
0x7d: {  	_ =	shalt  }
0x7e: {  	_ =	shalt  }
0x7f: {  	_ =	shalt  }
0x80: {  	_ =	shalt  }
0x81: {  	_ =	shalt  }
0x82: {  	_ =	shalt  }
0x83: {  	_ =	shalt  }
0x84: {  	_ =	shalt  }
0x85: {  	_ =	shalt  }
0x86: {  	_ =	shalt  }
0x87: {  	_ =	shalt  }
.Lfunc_end0:
.L_simem_size_0:
called_computation_lowered:
.L_overlay_start_0:
0x88: {  	s2 =	sld [smem:$0x3FD9]  }
0x89: {  	s3 =	sld [smem:$0x3FFE];
	_ =	sdelay $0x1  }
0x8a: {  	s1 =	srdreg.scid  }
0x8b: {  	s0 =	sand.u32 $0x1, s1  }
0x8c: {  	s17 =	sshll.u32 s0, $0xA;
	s2 =	sadd.s32 s3, s2  }
0x8d: {  	s2 =	sadd.s32 s2, s17  }
0x8e: {  	[smem:$0x3FC6] =	sst s2  }
0x8f: {  	_ = 	snop  }
0x90: {  	s2 =	sld [smem:$0x3FD0];
	(tm) =	ssettm $0x1  }
0x91: {  	s18 =	sld [smem:$0x3FFB];
	_ =	sdelay $0x3  }
0x92: {  	_ =	strace s18  }
0x93: {  	s3 =	sld [smem:$0x3FFC];
	_ =	sdelay $0x3  }
0x94: {  	_ =	strace s3  }
0x95: {  	s3 =	sld [smem:$0x3FFD];
	_ =	sdelay $0x3  }
0x96: {  	_ =	strace s3  }
0x97: {  	_ =	strace $0x8FFFFFFF  }
0x98: {  	s19 =	sld [smem:$0x3FDB];
	_ =	sdelay $0x1  }
0x99: {  	s4 =	simm.s32 $_scs_section_size  }
0x9a: {  	s5 =	simm.s32 $_size__tile_overlayer_lowered;
	s6 =	simm.s32 $_tile_overlayer_lowered  }
0x9b: {  	s22 =	simm.s32 $0x1BFF;
	s21 =	sshll.u32 s6, $0x1;
	s3 =	sadd.s32 s4, s19  }
0x9c: {  	s7 =	simm.s32 $0x0;
	s20 =	sshll.u32 s5, $0x1;
	s5 =	sadd.s32 s21, s3  }
0x9d: {  	[timem:s7], [sflag:s22] =	dma.local [hbm:s5], s20  }
0x9e: {  	_ =	swait.ge [sflag:s22], s20  }
0x9f: {  	s4 =	ssub.s32 $0x0, s20;
	[sflag:s22] =	ssyncset.done $0x0  }
0xa0: {  	[sflag:s22] =	ssyncadd.s32 s4;
	_ =	sdelay $0x1  }
0xa1: {  	s23 =	simm.s32 $0x1B8B  }
0xa2: {  	_ =	swait.ge [sflag:s23], $0x1  }
0xa3: {  	[sflag:s23] =	ssyncset.done $0x0  }
0xa4: {  	s25 =	simm.s32 $0x1B8E;
	s24 =	sld [smem:$0x3FFE];
	[sflag:s23] =	ssyncadd.s32 $0xFFFFFFFF  }
0xa5: {  	s26 =	simm.s32 $execute0_lowered;
	[smem:$0x3FD2] =	sst s25  }
0xa6: {  	s5 =	sshll.u32 s26, $0x1;
	_ =	strace $0x80000046;
	[dreg:$0x1] =	wrdreg $0xFFFFFFFF  }
0xa7: {  	s28 =	simm.s32 $_size_execute0_lowered;
	s3 =	sadd.s32 s3, s5;
	[dreg:$0x0] =	wrdreg $0x0  }
0xa8: {  	s5 =	sshll.u32 s28, $0x1;
	[dreg:$0x2] =	wrdreg s3  }
0xa9: {  	[dreg:$0x3] =	wrdreg s5  }
0xaa: {  	[dreg:$0x4] =	wrdreg $0xC0  }
0xab: {  	_ =	task [dreg:s7], $0x5FFFF  }
0xac: {  	[dreg:$0x1] =	wrdreg $0xFFFFFFFF  }
0xad: {  	[dreg:$0x0] =	wrdreg $0x60  }
0xae: {  	[dreg:$0x2] =	wrdreg s24  }
0xaf: {  	[dreg:$0x3] =	wrdreg s2  }
0xb0: {  	[dreg:$0x4] =	wrdreg $0x9  }
0xb1: {  	_ =	task.clear_ibuf [dreg:s7], $0x5FFFF;
	_ =	strace $0x90000046  }
0xb2: {  	s29 =	simm.s32 $0x9;
	_ =	strace $0x80000048  }
0xb3: {  	_ =	swait.ge [sflag:s29], $0x1  }
0xb4: {  	[sflag:s29] =	ssyncadd.s32 $0xFFFFFFFF  }
0xb5: {  	_ =	strace $0x90000048  }
0xb6: {  	_ =	sfence  }
0xb7: {  	s30 =	sld [smem:$0x0];
	_ =	sdelay $0x2  }
0xb8: {  	s31 =	sshll.u32 s1, $0xD;
	s1 =	sshrl.u32 s1, $0x2  }
0xb9: {  	s3 =	sand.u32 $0x4000, s31;
	s1 =	sadd.s32 s1, s30  }
0xba: {  	s0 =	sor.u32 s3, s0;
	s1 =	sshll.u32 s1, $0x11  }
0xbb: {  	s0 =	sor.u32 s1, s0  }
0xbc: {  	s0 =	sadd.s32 $0x8F2B, s0  }
0xbd: {  	[sflag:s0] =	ssyncadd.remote.s32 $0x1  }
0xbe: {  	_ =	sfence.sel $0xFFFF  }
0xbf: {  	[dreg:$0x0] =	wrdreg $0xFFFFFFFF;
	(pc) =	sbr.abs _section_cstart, $3  }
0xc0: {  	[dreg:$0x1] =	wrdreg $0xFFFFFFFF  }
0xc1: {  	_ =	task.clear_ibuf [dreg:s7], $0x2FFFF;
	_ =	strace $0x9FFFFFFF  }
0xc2: {  	(tm) =	ssettm $0x7FFFFFFF  }
0xc3: {  	_ =	shalt  }
tec
execute0_lowered:
.L_overlay_start_1:
0x0: {  	(tag) =	ssettag $0x1  }
0x1: {  	v0 =	vlaneseq.u32  }
0x2: {  	v24 =	vmul.u32 $0xC8, v0;
	_ =	sdelay $0x1  }
0x3: {  	v1 =	vor.u32 $0x1, v24  }
0x4: {  	v21 =	vadd.s32 $0xC81, v24;
	[tilespmem:$0x1FC50] =	vst v1  }
0x5: {  	v22 =	vadd.s32 $0x1901, v24;
	[tilespmem:$0x1FC60] =	vst v21  }
0x6: {  	v23 =	vadd.s32 $0x2581, v24;
	[tilespmem:$0x1FC70] =	vst v22  }
0x7: {  	v32 =	vadd.s32 $0x3201, v24;
	[tilespmem:$0x1FC80] =	vst v23  }
0x8: {  	v33 =	vadd.s32 $0x3E81, v24;
	[tilespmem:$0x1FC90] =	vst v32  }
0x9: {  	v34 =	vadd.s32 $0x4B01, v24;
	[tilespmem:$0x1FCA0] =	vst v33  }
0xa: {  	v35 =	vadd.s32 $0x5781, v24;
	[tilespmem:$0x1FCB0] =	vst v34  }
0xb: {  	v36 =	vor.u32 $0x2, v24;
	[tilespmem:$0x1FCC0] =	vst v35  }
0xc: {  	v37 =	vadd.s32 $0xC82, v24;
	[tilespmem:$0x1FCD0] =	vst v36  }
0xd: {  	v38 =	vadd.s32 $0x1902, v24;
	[tilespmem:$0x1FCE0] =	vst v37  }
0xe: {  	v39 =	vadd.s32 $0x2582, v24;
	[tilespmem:$0x1FCF0] =	vst v38  }
0xf: {  	v40 =	vadd.s32 $0x3202, v24;
	[tilespmem:$0x1FD00] =	vst v39  }
0x10: {  	v41 =	vadd.s32 $0x3E82, v24;
	[tilespmem:$0x1FD10] =	vst v40  }
0x11: {  	v42 =	vadd.s32 $0x4B02, v24;
	[tilespmem:$0x1FD20] =	vst v41  }
0x12: {  	v43 =	vadd.s32 $0x5782, v24;
	[tilespmem:$0x1FD30] =	vst v42  }
0x13: {  	v44 =	vor.u32 $0x3, v24;
	[tilespmem:$0x1FD40] =	vst v43  }
0x14: {  	v45 =	vadd.s32 $0xC83, v24;
	[tilespmem:$0x1FD50] =	vst v44  }
0x15: {  	v46 =	vadd.s32 $0x1903, v24;
	[tilespmem:$0x1FD60] =	vst v45  }
0x16: {  	v47 =	vadd.s32 $0x2583, v24;
	[tilespmem:$0x1FD70] =	vst v46  }
0x17: {  	v48 =	vadd.s32 $0x3203, v24;
	[tilespmem:$0x1FD80] =	vst v47  }
0x18: {  	v49 =	vadd.s32 $0x3E83, v24;
	[tilespmem:$0x1FD90] =	vst v48  }
0x19: {  	s3 =	stileid.u32;
	v51 =	vadd.s32 $0x4B03, v24;
	[tilespmem:$0x1FDA0] =	vst v49  }
0x1a: {  	s0 =	rddreg [dreg:$0x0];
	s4 =	sshll.u32 s3, $0x1;
	s3 =	simm.s32 $0x0;
	v52 =	vadd.s32 $0x5783, v24;
	[tilespmem:$0x1FDB0] =	vst v51  }
0x1b: {  	[smem:$0x7FF] =	sst s3;
	[tilespmem:$0x1FDC0] =	vst v52  }
0x1c: {  	s2 =	rddreg [dreg:$0x1];
	v25 =	vadd.s32 $0xC80, v24;
	_ =	strace $0x80000047;
	[tilespmem:$0x1FE30] =	vst v24  }
0x1d: {  	v26 =	vadd.s32 $0x1900, v24;
	[tilespmem:$0x1FE40] =	vst v25  }
0x1e: {  	v27 =	vadd.s32 $0x2580, v24;
	[tilespmem:$0x1FE50] =	vst v26  }
0x1f: {  	v28 =	vadd.s32 $0x3200, v24;
	[tilespmem:$0x1FE60] =	vst v27  }
0x20: {  	v29 =	vadd.s32 $0x3E80, v24;
	[tilespmem:$0x1FE70] =	vst v28  }
0x21: {  	v30 =	vadd.s32 $0x4B00, v24;
	v42 =	vmul.u32 $0x88, v0;
	[tilespmem:$0x1FE80] =	vst v29  }
0x22: {  	v31 =	vadd.s32 $0x5780, v24;
	[tilespmem:$0x1FE90] =	vst v30  }
0x23: {  	[tilespmem:$0x1FEA0] =	vst v31;
	v53 =	vor.u32 $0x6, v42  }
0x24: {  	v56 =	vadd.s32 $0x886, v42;
	[tilespmem:$0x1FDD0] =	vst v53  }
0x25: {  	v57 =	vadd.s32 $0x1106, v42;
	[tilespmem:$0x1FDE0] =	vst v56  }
0x26: {  	v58 =	vor.u32 $0x7, v42;
	[tilespmem:$0x1FDF0] =	vst v57  }
0x27: {  	v59 =	vadd.s32 $0x887, v42;
	[tilespmem:$0x1FE00] =	vst v58  }
0x28: {  	v60 =	vadd.s32 $0x1107, v42;
	[tilespmem:$0x1FE10] =	vst v59  }
0x29: {  	v37 =	vadd.s32 $0x1101, v42;
	[tilespmem:$0x1FE20] =	vst v60  }
0x2a: {  	v62 =	vadd.s32 $0x882, v42;
	[tilespmem:$0x1FEB0] =	vst v37  }
0x2b: {  	v40 =	vadd.s32 $0x1981, v42;
	[tilespmem:$0x1FEC0] =	vst v62  }
0x2c: {  	v63 =	vadd.s32 $0x883, v42;
	[tilespmem:$0x1FED0] =	vst v40  }
0x2d: {  	v43 =	vadd.s32 $0x1102, v42;
	[tilespmem:$0x1FEE0] =	vst v63  }
0x2e: {  	v41 =	vadd.s32 $0x1103, v42;
	[tilespmem:$0x1FEF0] =	vst v43  }
0x2f: {  	v44 =	vor.u32 $0x1, v42;
	[tilespmem:$0x1FF00] =	vst v41  }
0x30: {  	v48 =	vor.u32 $0x4, v42;
	[tilespmem:$0x1FF10] =	vst v44  }
0x31: {  	v45 =	vadd.s32 $0x1982, v42;
	[tilespmem:$0x1FF20] =	vst v48  }
0x32: {  	v61 =	vadd.s32 $0x884, v42;
	[tilespmem:$0x1FF30] =	vst v45  }
0x33: {  	v46 =	vor.u32 $0x2, v42;
	[tilespmem:$0x1FF40] =	vst v61  }
0x34: {  	v54 =	vadd.s32 $0x1104, v42;
	[tilespmem:$0x1FF50] =	vst v46  }
0x35: {  	s1 =	srdreg.scid;
	v49 =	vadd.s32 $0x1100, v42;
	[tilespmem:$0x1FF60] =	vst v54  }
0x36: {  	s9 =	simm.s32 $0x3;
	s10 =	simm.s32 $0x80;
	s14 =	simm.s32 $0xE800;
	v34 =	vor.u32 $0x5, v42;
	[tilespmem:$0x1FF70] =	vst v49  }
0x37: {  	s15 =	simm.s32 $0x6500;
	s16 =	simm.s32 $0x10800;
	s17 =	simm.s32 $0x6580;
	v16 =	vadd.s32 $0x1985, v42;
	[tilespmem:$0x1FF80] =	vst v34  }
0x38: {  	s18 =	simm.s32 $0x12800;
	s19 =	simm.s32 $0x1;
	s20 =	simm.s32 $0x14800;
	v17 =	vadd.s32 $0x1986, v42;
	[tilespmem:$0x1FF90] =	vst v16  }
0x39: {  	s21 =	simm.s32 $0x16A00;
	s22 =	simm.s32 $0x18C00;
	s1 =	sand.u32 $0x1, s1;
	v32 =	vadd.s32 $0x1984, v42;
	[tilespmem:$0x1FFA0] =	vst v17  }
.Ltmp0:
0x3a: {  	s23 =	simm.s32 $0x1AE00;
	s6 =	sor.u32 s1, s4;
	v35 =	vadd.s32 $0x885, v42;
	[tilespmem:$0x1FFB0] =	vst v32;
	(pc) =	sbr.rel .LBB2_1-.Ltmp0, $4  }
0x3b: {  	s24 =	simm.s32 $0x2;
	s1 =	ssub.s32 $0x2, s1;
	s4 =	smul.u32 $0xC80, s6;
	v36 =	vadd.s32 $0x1983, v42;
	[tilespmem:$0x1FFC0] =	vst v35  }
0x3c: {  	v50 =	vimm.s32 $0x0;
	vm0 =	vcmask $0x300;
	s25 =	simm.s32 $0x0;
	s5 =	sshrl.u32 s1, $0x1;
	s6 =	sshll.u32 s6, $0x7;
	v55 =	vadd.s32 $0x1105, v42;
	[tilespmem:$0x1FFD0] =	vst v36  }
0x3d: {  	v33 =	vsel vm0, $0x3, v50;
	s31 =	ssub.s32 s1, s5;
	s7 =	sadd.s32 s4, s0;
	s4 =	sadd.s32 $0x19600, s0;
	v50 =	vadd.s32 $0x881, v42;
	[tilespmem:$0x1FFE0] =	vst v55  }
0x3e: {  	s8 =	smax.u32 s31, $0x1;
	v51 =	vadd.s32 $0x880, v42;
	v52 =	vadd.s32 $0x1980, v42;
	s5 =	sadd.s32 $0x600, s7;
	s7 =	sadd.s32 $0x10000, s2;
	v47 =	vor.u32 $0x3, v42;
	[tilespmem:$0x1FFF0] =	vst v50  }
.LBB2_21:
0x3f: {  	s25 =	sadd.s32 $0x1, s25  }
0x40: {  	_ =	swait.ge [sflag:s24], $0x4000;
	p0 =	sne.s32 s25, s8  }
.Ltmp1:
0x41: {  	[sflag:s24] =	ssyncset.done $0x0;
	(pc) =	sbr.rel @!p0 .LBB2_22-.Ltmp1, $4  }
0x42: {  	[sflag:s24] =	ssyncadd.s32 $0xFFFFC000  }
0x43: {  	_ =	swait.ge [sflag:s24], $0x4000  }
0x44: {  	[sflag:s24] =	ssyncset.done $0x0  }
0x45: {  	[sflag:s24] =	ssyncadd.s32 $0xFFFFC000  }
.LBB2_1:
0x46: {  	[tilespmem:s3], [sflag:$0x3] =	stream.linear.gather [hbm4b:s5+s3], $0x6400, $0x38;
	[tilespmem:$0x1D000] =	vst v63  }
0x47: {  	_ =	swait.ge [sflag:s9], $0x6400  }
0x48: {  	v1 =	vld [tilespmem:$0x1FC50]  }
0x49: {  	v2 =	vld [tilespmem:$0x1FCD0]  }
0x4a: {  	v3 =	vld [tilespmem:$0x1FD50];
	_ =	sdelay $0x3  }
0x4b: {  	[sflag:s9] =	ssyncset.done $0x0  }
0x4c: {  	[sflag:s9] =	ssyncadd.s32 $0xFFFF9C00  }
0x4d: {  	v1 =	vld.idx.msk [tilespmem:v1+s3+$0x0], $0xffff  }
0x4e: {  	v2 =	vld.idx.msk [tilespmem:v2+s3+$0x0], $0xffff  }
0x4f: {  	v3 =	vld.idx.msk [tilespmem:v3+s3+$0x0], $0xffff;
	_ =	sdelay $0x2  }
0x50: {  	[tilespmem:$0x6480] =	vst v1;
	v1 =	vld [tilespmem:$0x1FC60]  }
0x51: {  	[tilespmem:$0x6500] =	vst v2;
	v2 =	vld [tilespmem:$0x1FCE0]  }
0x52: {  	[tilespmem:$0x6580] =	vst v3;
	v3 =	vld [tilespmem:$0x1FD60];
	_ =	sdelay $0x5  }
0x53: {  	v1 =	vld.idx.msk [tilespmem:v1+s3+$0x0], $0xffff  }
0x54: {  	v2 =	vld.idx.msk [tilespmem:v2+s3+$0x0], $0xffff  }
0x55: {  	v3 =	vld.idx.msk [tilespmem:v3+s3+$0x0], $0xffff;
	_ =	sdelay $0x2  }
0x56: {  	[tilespmem:$0x6490] =	vst v1;
	v1 =	vld [tilespmem:$0x1FC70]  }
0x57: {  	[tilespmem:$0x6510] =	vst v2;
	v2 =	vld [tilespmem:$0x1FCF0]  }
0x58: {  	[tilespmem:$0x6590] =	vst v3;
	v3 =	vld [tilespmem:$0x1FD70];
	_ =	sdelay $0x5  }
0x59: {  	v1 =	vld.idx.msk [tilespmem:v1+s3+$0x0], $0xffff  }
0x5a: {  	v2 =	vld.idx.msk [tilespmem:v2+s3+$0x0], $0xffff  }
0x5b: {  	v3 =	vld.idx.msk [tilespmem:v3+s3+$0x0], $0xffff;
	_ =	sdelay $0x2  }
0x5c: {  	[tilespmem:$0x64A0] =	vst v1;
	v1 =	vld [tilespmem:$0x1FC80]  }
0x5d: {  	[tilespmem:$0x6520] =	vst v2;
	v2 =	vld [tilespmem:$0x1FD00]  }
0x5e: {  	[tilespmem:$0x65A0] =	vst v3;
	v3 =	vld [tilespmem:$0x1FD80];
	_ =	sdelay $0x5  }
0x5f: {  	v1 =	vld.idx.msk [tilespmem:v1+s3+$0x0], $0xffff  }
0x60: {  	v2 =	vld.idx.msk [tilespmem:v2+s3+$0x0], $0xffff  }
0x61: {  	v3 =	vld.idx.msk [tilespmem:v3+s3+$0x0], $0xffff;
	_ =	sdelay $0x1  }
0x62: {  	v0 =	vld.idx.msk [tilespmem:v24+s3+$0x0], $0xffff  }
0x63: {  	[tilespmem:$0x64B0] =	vst v1;
	v1 =	vld [tilespmem:$0x1FC90]  }
0x64: {  	[tilespmem:$0x6530] =	vst v2;
	v2 =	vld [tilespmem:$0x1FD10]  }
0x65: {  	[tilespmem:$0x65B0] =	vst v3;
	v3 =	vld [tilespmem:$0x1FD90];
	_ =	sdelay $0x2  }
0x66: {  	[tilespmem:$0x6400] =	vst v0  }
0x67: {  	v0 =	vld.idx.msk [tilespmem:v25+s3+$0x0], $0xffff;
	_ =	sdelay $0x1  }
0x68: {  	v1 =	vld.idx.msk [tilespmem:v1+s3+$0x0], $0xffff  }
0x69: {  	v2 =	vld.idx.msk [tilespmem:v2+s3+$0x0], $0xffff  }
0x6a: {  	v3 =	vld.idx.msk [tilespmem:v3+s3+$0x0], $0xffff  }
0x6b: {  	[tilespmem:$0x6410] =	vst v0  }
0x6c: {  	v0 =	vld.idx.msk [tilespmem:v26+s3+$0x0], $0xffff  }
0x6d: {  	[tilespmem:$0x64C0] =	vst v1;
	v1 =	vld [tilespmem:$0x1FCA0]  }
0x6e: {  	[tilespmem:$0x6540] =	vst v2;
	v2 =	vld [tilespmem:$0x1FD20]  }
0x6f: {  	[tilespmem:$0x65C0] =	vst v3;
	v3 =	vld [tilespmem:$0x1FDA0];
	_ =	sdelay $0x2  }
0x70: {  	[tilespmem:$0x6420] =	vst v0  }
0x71: {  	v0 =	vld.idx.msk [tilespmem:v27+s3+$0x0], $0xffff;
	_ =	sdelay $0x1  }
0x72: {  	v1 =	vld.idx.msk [tilespmem:v1+s3+$0x0], $0xffff  }
0x73: {  	v2 =	vld.idx.msk [tilespmem:v2+s3+$0x0], $0xffff  }
0x74: {  	v3 =	vld.idx.msk [tilespmem:v3+s3+$0x0], $0xffff  }
0x75: {  	[tilespmem:$0x6430] =	vst v0  }
0x76: {  	v0 =	vld.idx.msk [tilespmem:v28+s3+$0x0], $0xffff  }
0x77: {  	[tilespmem:$0x64D0] =	vst v1;
	v1 =	vld [tilespmem:$0x1FCB0]  }
0x78: {  	[tilespmem:$0x6550] =	vst v2;
	v2 =	vld [tilespmem:$0x1FD30]  }
0x79: {  	[tilespmem:$0x65D0] =	vst v3;
	v3 =	vld [tilespmem:$0x1FDB0];
	_ =	sdelay $0x2  }
0x7a: {  	[tilespmem:$0x6440] =	vst v0  }
0x7b: {  	v0 =	vld.idx.msk [tilespmem:v29+s3+$0x0], $0xffff;
	_ =	sdelay $0x1  }
0x7c: {  	v1 =	vld.idx.msk [tilespmem:v1+s3+$0x0], $0xffff  }
0x7d: {  	v2 =	vld.idx.msk [tilespmem:v2+s3+$0x0], $0xffff  }
0x7e: {  	v3 =	vld.idx.msk [tilespmem:v3+s3+$0x0], $0xffff  }
0x7f: {  	[tilespmem:$0x6450] =	vst v0  }
0x80: {  	v0 =	vld.idx.msk [tilespmem:v30+s3+$0x0], $0xffff  }
0x81: {  	[tilespmem:$0x64E0] =	vst v1;
	v1 =	vld [tilespmem:$0x1FCC0]  }
0x82: {  	[tilespmem:$0x6560] =	vst v2;
	v2 =	vld [tilespmem:$0x1FD40]  }
0x83: {  	[tilespmem:$0x65E0] =	vst v3;
	v3 =	vld [tilespmem:$0x1FDC0];
	_ =	sdelay $0x3  }
0x84: {  	[tilespmem:$0x6460] =	vst v0  }
0x85: {  	v0 =	vld.idx.msk [tilespmem:v31+s3+$0x0], $0xffff  }
0x86: {  	v1 =	vld.idx.msk [tilespmem:v1+s3+$0x0], $0xffff  }
0x87: {  	v2 =	vld.idx.msk [tilespmem:v2+s3+$0x0], $0xffff  }
0x88: {  	v3 =	vld.idx.msk [tilespmem:v3+s3+$0x0], $0xffff;
	_ =	sdelay $0x1  }
0x89: {  	[tilespmem:$0x6470] =	vst v0  }
0x8a: {  	[tilespmem:$0x64F0] =	vst v1  }
0x8b: {  	s0 =	simm.s32 $0x6400;
	[tilespmem:$0x6570] =	vst v2  }
0x8c: {  	s1 =	simm.s32 $0xC800;
	s12 =	simm.s32 $0x7;
	s13 =	simm.s32 $0x5;
	[tilespmem:$0x65F0] =	vst v3  }
0x8d: {  	v0 =	vmov s12;
	[tilespmem:s1], [sflag:$0x1] =	stream.indirect.gather [hbm4b:s4+s10], $0x40, s0, s10, $0xb8;
	[tilespmem:$0x1D000] =	vst v63  }
0x8e: {  	s11 =	simm.s32 $0x6480;
	s26 =	simm.s32 $0x6;
	v0 =	vand.u32 $0xFF, v0;
	v1 =	vmov s13  }
0x8f: {  	v2 =	vadd.s32 v24, v0;
	v13 =	vand.u32 $0xFD, v1;
	v1 =	vmov s26;
	[tilespmem:s14], [sflag:$0x1] =	stream.indirect.gather [hbm4b:s4+s10], $0x40, s11, s10, $0xb8;
	[tilespmem:$0x1D000] =	vst v63  }
0x90: {  	s1 =	simm.s32 $0x4;
	v3 =	vadd.s32 v24, v13;
	v14 =	vand.u32 $0xFE, v1  }
0x91: {  	v1 =	vadd.s32 v24, v14;
	[tilespmem:s16], [sflag:$0x1] =	stream.indirect.gather [hbm4b:s4+s10], $0x40, s15, s10, $0xb8;
	[tilespmem:$0x1D000] =	vst v63  }
0x92: {  	v4 =	vmov s1  }
0x93: {  	v12 =	vand.u32 $0xFC, v4;
	[tilespmem:s18], [sflag:$0x1] =	stream.indirect.gather [hbm4b:s4+s10], $0x40, s17, s10, $0xb8;
	[tilespmem:$0x1D000] =	vst v63  }
0x94: {  	v4 =	vadd.s32 v24, v12;
	v2 =	vld.idx.msk [tilespmem:v2+s3+$0x0], $0xffff  }
0x95: {  	v5 =	vadd.s32 v25, v0;
	v3 =	vld.idx.msk [tilespmem:v3+s3+$0x0], $0xffff  }
0x96: {  	v6 =	vadd.s32 v25, v13;
	v1 =	vld.idx.msk [tilespmem:v1+s3+$0x0], $0xffff  }
0x97: {  	v7 =	vadd.s32 v25, v14  }
0x98: {  	s29 =	simm.s32 $0x67F0  }
0x99: {  	v4 =	vld.idx.msk [tilespmem:v4+s3+$0x0], $0xffff;
	[tilespmem:s29+$0xFFFFFF90] =	vst v2  }
0x9a: {  	[tilespmem:s29+$0xFFFFFE90] =	vst v3;
	v3 =	vld.idx.msk [tilespmem:v5+s3+$0x0], $0xffff  }
0x9b: {  	v2 =	vadd.s32 v25, v12;
	[tilespmem:s29+$0xFFFFFF10] =	vst v1;
	v5 =	vld.idx.msk [tilespmem:v6+s3+$0x0], $0xffff  }
0x9c: {  	v1 =	vadd.s32 v26, v0;
	v6 =	vld.idx.msk [tilespmem:v7+s3+$0x0], $0xffff  }
0x9d: {  	v8 =	vadd.s32 v26, v14  }
0x9e: {  	v7 =	vadd.s32 v26, v13  }
0x9f: {  	[tilespmem:s29+$0xFFFFFE10] =	vst v4  }
0xa0: {  	v2 =	vld.idx.msk [tilespmem:v2+s3+$0x0], $0xffff;
	[tilespmem:s29+$0xFFFFFFA0] =	vst v3  }
0xa1: {  	v3 =	vadd.s32 v26, v12;
	[tilespmem:s29+$0xFFFFFF20] =	vst v6;
	v1 =	vld.idx.msk [tilespmem:v1+s3+$0x0], $0xffff  }
0xa2: {  	[tilespmem:s29+$0xFFFFFEA0] =	vst v5;
	v5 =	vadd.s32 v27, v0;
	v6 =	vld.idx.msk [tilespmem:v8+s3+$0x0], $0xffff  }
0xa3: {  	v4 =	vld.idx.msk [tilespmem:v7+s3+$0x0], $0xffff;
	v8 =	vadd.s32 v27, v14  }
0xa4: {  	v7 =	vadd.s32 v27, v13  }
0xa5: {  	[tilespmem:s29+$0xFFFFFE20] =	vst v2  }
0xa6: {  	v2 =	vld.idx.msk [tilespmem:v3+s3+$0x0], $0xffff;
	[tilespmem:s29+$0xFFFFFFB0] =	vst v1  }
0xa7: {  	v1 =	vadd.s32 v27, v12;
	[tilespmem:s29+$0xFFFFFF30] =	vst v6;
	v3 =	vld.idx.msk [tilespmem:v5+s3+$0x0], $0xffff  }
0xa8: {  	s11 =	simm.s32 $0xB;
	[tilespmem:s29+$0xFFFFFEB0] =	vst v4;
	v5 =	vadd.s32 v28, v0;
	v6 =	vld.idx.msk [tilespmem:v8+s3+$0x0], $0xffff  }
0xa9: {  	s12 =	simm.s32 $0x9;
	v15 =	vadd.s32 v28, v14;
	v4 =	vld.idx.msk [tilespmem:v7+s3+$0x0], $0xffff;
	v8 =	vmov s11  }
0xaa: {  	v9 =	vmov s12;
	s13 =	simm.s32 $0xA;
	v7 =	vadd.s32 v28, v13;
	v11 =	vand.u32 $0xFF, v8  }
0xab: {  	v56 =	vmovc v16;
	v9 =	vand.u32 $0xFD, v9;
	v16 =	vadd.s32 v24, v11;
	[tilespmem:s29+$0xFFFFFE30] =	vst v2;
	v2 =	vmov s13  }
0xac: {  	v1 =	vld.idx.msk [tilespmem:v1+s3+$0x0], $0xffff;
	v8 =	vand.u32 $0xFE, v2;
	[tilespmem:s29+$0xFFFFFFC0] =	vst v3;
	v3 =	vadd.s32 v24, v9  }
0xad: {  	s26 =	simm.s32 $0x8;
	[tilespmem:s29+$0xFFFFFF40] =	vst v6;
	v2 =	vld.idx.msk [tilespmem:v5+s3+$0x0], $0xffff;
	v5 =	vadd.s32 v24, v8  }
0xae: {  	v57 =	vmov v17;
	v17 =	vadd.s32 v28, v12;
	[tilespmem:s29+$0xFFFFFEC0] =	vst v4;
	v4 =	vmov s26;
	v6 =	vld.idx.msk [tilespmem:v15+s3+$0x0], $0xffff  }
0xaf: {  	v7 =	vld.idx.msk [tilespmem:v7+s3+$0x0], $0xffff;
	v10 =	vand.u32 $0xFC, v4;
	v4 =	vadd.s32 v29, v0  }
0xb0: {  	v15 =	vadd.s32 v24, v10;
	v16 =	vld.idx.msk [tilespmem:v16+s3+$0x0], $0xffff  }
0xb1: {  	v18 =	vadd.s32 v29, v13;
	[tilespmem:s29+$0xFFFFFE40] =	vst v1;
	v3 =	vld.idx.msk [tilespmem:v3+s3+$0x0], $0xffff  }
0xb2: {  	v19 =	vadd.s32 v25, v11;
	v5 =	vld.idx.msk [tilespmem:v5+s3+$0x0], $0xffff;
	[tilespmem:s29+$0xFFFFFFD0] =	vst v2  }
0xb3: {  	v1 =	vadd.s32 v25, v9;
	[tilespmem:s29+$0xFFFFFF50] =	vst v6;
	v6 =	vld.idx.msk [tilespmem:v17+s3+$0x0], $0xffff  }
0xb4: {  	[tilespmem:s29+$0xFFFFFED0] =	vst v7;
	v7 =	vadd.s32 v25, v8;
	v2 =	vld.idx.msk [tilespmem:v4+s3+$0x0], $0xffff  }
0xb5: {  	s28 =	simm.s32 $0x69F0;
	v4 =	vld.idx.msk [tilespmem:v15+s3+$0x0], $0xffff;
	v15 =	vadd.s32 v30, v0  }
0xb6: {  	v17 =	vadd.s32 v25, v10;
	[tilespmem:s28+$0xFFFFFF90] =	vst v16;
	v16 =	vld.idx.msk [tilespmem:v18+s3+$0x0], $0xffff  }
0xb7: {  	v18 =	vadd.s32 v29, v14;
	[tilespmem:s28+$0xFFFFFE90] =	vst v3;
	v3 =	vld.idx.msk [tilespmem:v19+s3+$0x0], $0xffff  }
0xb8: {  	v1 =	vld.idx.msk [tilespmem:v1+s3+$0x0], $0xffff;
	[tilespmem:s28+$0xFFFFFF10] =	vst v5;
	v5 =	vadd.s32 v29, v12  }
0xb9: {  	v19 =	vadd.s32 v26, v11;
	v7 =	vld.idx.msk [tilespmem:v7+s3+$0x0], $0xffff;
	[tilespmem:s29+$0xFFFFFFE0] =	vst v2  }
0xba: {  	[tilespmem:s28+$0xFFFFFE10] =	vst v4;
	v2 =	vadd.s32 v26, v9;
	v4 =	vld.idx.msk [tilespmem:v15+s3+$0x0], $0xffff  }
0xbb: {  	[tilespmem:s29+$0xFFFFFE50] =	vst v6;
	v15 =	vld.idx.msk [tilespmem:v17+s3+$0x0], $0xffff;
	v17 =	vadd.s32 v26, v8  }
0xbc: {  	v0 =	vadd.s32 v31, v0;
	[tilespmem:s29+$0xFFFFFEE0] =	vst v16;
	v6 =	vld.idx.msk [tilespmem:v18+s3+$0x0], $0xffff  }
0xbd: {  	v16 =	vadd.s32 v26, v10;
	[tilespmem:s28+$0xFFFFFFA0] =	vst v3;
	v3 =	vld.idx.msk [tilespmem:v5+s3+$0x0], $0xffff  }
0xbe: {  	[tilespmem:s28+$0xFFFFFEA0] =	vst v1;
	v1 =	vld.idx.msk [tilespmem:v19+s3+$0x0], $0xffff;
	v5 =	vadd.s32 v30, v13  }
0xbf: {  	v2 =	vld.idx.msk [tilespmem:v2+s3+$0x0], $0xffff;
	[tilespmem:s28+$0xFFFFFF20] =	vst v7;
	v7 =	vadd.s32 v30, v14  }
0xc0: {  	v18 =	vadd.s32 v27, v11;
	v17 =	vld.idx.msk [tilespmem:v17+s3+$0x0], $0xffff;
	[tilespmem:s29+$0xFFFFFFF0] =	vst v4  }
0xc1: {  	[tilespmem:s28+$0xFFFFFE20] =	vst v15;
	v15 =	vadd.s32 v27, v9;
	v19 =	vld.idx.msk [tilespmem:v0+s3+$0x0], $0xffff  }
0xc2: {  	v21 =	vadd.s32 v27, v8;
	[tilespmem:s29+$0xFFFFFF60] =	vst v6;
	v20 =	vld.idx.msk [tilespmem:v16+s3+$0x0], $0xffff  }
0xc3: {  	[tilespmem:s29+$0xFFFFFE60] =	vst v3;
	v3 =	vadd.s32 v30, v12;
	v16 =	vld.idx.msk [tilespmem:v5+s3+$0x0], $0xffff  }
0xc4: {  	[tilespmem:s28+$0xFFFFFFB0] =	vst v1;
	v4 =	vld.idx.msk [tilespmem:v7+s3+$0x0], $0xffff;
	v7 =	vadd.s32 v27, v10  }
0xc5: {  	v13 =	vadd.s32 v31, v13;
	[tilespmem:s28+$0xFFFFFEB0] =	vst v2;
	v2 =	vld.idx.msk [tilespmem:v18+s3+$0x0], $0xffff  }
0xc6: {  	v0 =	vld.idx.msk [tilespmem:v15+s3+$0x0], $0xffff;
	[tilespmem:s28+$0xFFFFFF30] =	vst v17;
	v15 =	vadd.s32 v31, v14  }
0xc7: {  	s30 =	simm.s32 $0xC;
	s31 =	simm.s32 $0xF;
	v5 =	vadd.s32 v28, v11;
	v1 =	vld.idx.msk [tilespmem:v21+s3+$0x0], $0xffff;
	[tilespmem:s29+$0x0] =	vst v19  }
0xc8: {  	s0 =	simm.s32 $0x10;
	s1 =	simm.s32 $0x0;
	s26 =	simm.s32 $0x0;
	v6 =	vadd.s32 v28, v9;
	[tilespmem:s28+$0xFFFFFE30] =	vst v20;
	v3 =	vld.idx.msk [tilespmem:v3+s3+$0x0], $0xffff  }
.LBB2_2:
0xc9: {  	p0 =	slt.u32 s0, $0xC4;
	s11 =	sadd.s32 $0x1, s30;
	v14 =	vmov s31;
	v7 =	vld.idx.msk [tilespmem:v7+s26+$0x0], $0xffff;
	v17 =	vadd.s32 v28, v8;
	[tilespmem:s29+$0xFFFFFEF0] =	vst v16  }
0xca: {  	v18 =	vadd.s32 v31, v12;
	v12 =	vmovc v10;
	v16 =	vmov s11;
	s11 =	sadd.s32 $0x2, s30;
	v14 =	vand.u32 $0xFF, v14;
	v13 =	vld.idx.msk [tilespmem:v13+s1+$0x0], $0xffff;
	[tilespmem:s29+$0xFFFFFF70] =	vst v4  }
0xcb: {  	v19 =	vand.u32 $0xFD, v16;
	v4 =	vmov s11;
	v16 =	vadd.s32 v24, v14;
	[tilespmem:s28+$0xFFFFFFC0] =	vst v2;
	v2 =	vld.idx.msk [tilespmem:v15+s1+$0x0], $0xffff  }
0xcc: {  	v15 =	vadd.s32 v24, v19;
	v20 =	vand.u32 $0xFE, v4;
	[tilespmem:s28+$0xFFFFFEC0] =	vst v0;
	v0 =	vld.idx.msk [tilespmem:v5+s26+$0x0], $0xffff  }
0xcd: {  	v4 =	vmov s30;
	s30 =	smov.u32 s0;
	v5 =	vadd.s32 v24, v20;
	v6 =	vld.idx.msk [tilespmem:v6+s26+$0x0], $0xffff;
	[tilespmem:s28+$0xFFFFFF40] =	vst v1  }
0xce: {  	v10 =	vand.u32 $0xFC, v4;
	v4 =	vadd.s32 v29, v11;
	v1 =	vld.idx.msk [tilespmem:v17+s26+$0x0], $0xffff;
	[tilespmem:s29+$0xFFFFFE70] =	vst v3  }
0xcf: {  	v3 =	vadd.s32 v24, v10;
	[tilespmem:s28+$0xFFFFFE40] =	vst v7;
	v7 =	vld.idx.msk [tilespmem:v18+s1+$0x0], $0xffff;
	s1 =	smov.u32 s26;
	s26 =	simm.s32 $0x0  }
0xd0: {  	v17 =	vadd.s32 v28, v12;
	v16 =	vld.idx.msk [tilespmem:v16+s26+$0x0], $0xffff;
	[tilespmem:s29+$0xFFFFFF00] =	vst v13  }
0xd1: {  	v13 =	vld.idx.msk [tilespmem:v15+s26+$0x0], $0xffff;
	v15 =	vadd.s32 v29, v9;
	[tilespmem:s29+$0xFFFFFF80] =	vst v2  }
0xd2: {  	v2 =	vld.idx.msk [tilespmem:v5+s26+$0x0], $0xffff;
	v5 =	vadd.s32 v25, v14;
	[tilespmem:s28+$0xFFFFFFD0] =	vst v0  }
0xd3: {  	v0 =	vadd.s32 v25, v19;
	[tilespmem:s28+$0xFFFFFED0] =	vst v6;
	v4 =	vld.idx.msk [tilespmem:v4+s1+$0x0], $0xffff  }
0xd4: {  	v6 =	vadd.s32 v25, v20;
	v3 =	vld.idx.msk [tilespmem:v3+s26+$0x0], $0xffff;
	[tilespmem:s28+$0xFFFFFF50] =	vst v1  }
0xd5: {  	v1 =	vld.idx.msk [tilespmem:v17+s1+$0x0], $0xffff;
	v17 =	vadd.s32 v30, v11;
	[tilespmem:s29+$0xFFFFFE80] =	vst v7;
	s29 =	smov.u32 s28;
	s28 =	sadd.s32 $0x200, s28  }
0xd6: {  	v7 =	vadd.s32 v25, v10;
	[tilespmem:s28+$0xFFFFFF90] =	vst v16;
	v15 =	vld.idx.msk [tilespmem:v15+s1+$0x0], $0xffff  }
0xd7: {  	[tilespmem:s28+$0xFFFFFE90] =	vst v13;
	v5 =	vld.idx.msk [tilespmem:v5+s26+$0x0], $0xffff;
	v13 =	vadd.s32 v29, v8  }
0xd8: {  	v0 =	vld.idx.msk [tilespmem:v0+s26+$0x0], $0xffff;
	[tilespmem:s28+$0xFFFFFF10] =	vst v2;
	v2 =	vadd.s32 v29, v12  }
0xd9: {  	v16 =	vadd.s32 v26, v14;
	v6 =	vld.idx.msk [tilespmem:v6+s26+$0x0], $0xffff;
	[tilespmem:s29+$0xFFFFFFE0] =	vst v4  }
0xda: {  	[tilespmem:s28+$0xFFFFFE10] =	vst v3;
	v3 =	vadd.s32 v26, v19;
	v4 =	vld.idx.msk [tilespmem:v17+s1+$0x0], $0xffff  }
0xdb: {  	v17 =	vadd.s32 v26, v20;
	v7 =	vld.idx.msk [tilespmem:v7+s26+$0x0], $0xffff;
	[tilespmem:s29+$0xFFFFFE50] =	vst v1  }
0xdc: {  	[tilespmem:s29+$0xFFFFFEE0] =	vst v15;
	v1 =	vld.idx.msk [tilespmem:v13+s1+$0x0], $0xffff;
	v13 =	vadd.s32 v31, v11;
	v11 =	vmov v14  }
0xdd: {  	v14 =	vadd.s32 v26, v10;
	[tilespmem:s28+$0xFFFFFFA0] =	vst v5;
	v2 =	vld.idx.msk [tilespmem:v2+s1+$0x0], $0xffff  }
0xde: {  	v5 =	vadd.s32 v30, v9;
	[tilespmem:s28+$0xFFFFFEA0] =	vst v0;
	v0 =	vld.idx.msk [tilespmem:v16+s26+$0x0], $0xffff  }
0xdf: {  	v3 =	vld.idx.msk [tilespmem:v3+s26+$0x0], $0xffff;
	[tilespmem:s28+$0xFFFFFF20] =	vst v6;
	v6 =	vadd.s32 v30, v8  }
0xe0: {  	v15 =	vld.idx.msk [tilespmem:v17+s26+$0x0], $0xffff;
	v17 =	vadd.s32 v27, v11;
	[tilespmem:s29+$0xFFFFFFF0] =	vst v4  }
0xe1: {  	v18 =	vadd.s32 v27, v19;
	[tilespmem:s28+$0xFFFFFE20] =	vst v7;
	v21 =	vld.idx.msk [tilespmem:v13+s1+$0x0], $0xffff  }
0xe2: {  	v22 =	vadd.s32 v27, v20;
	v14 =	vld.idx.msk [tilespmem:v14+s26+$0x0], $0xffff;
	[tilespmem:s29+$0xFFFFFF60] =	vst v1  }
0xe3: {  	v23 =	vadd.s32 v30, v12;
	[tilespmem:s29+$0xFFFFFE60] =	vst v2;
	v16 =	vld.idx.msk [tilespmem:v5+s1+$0x0], $0xffff  }
.Ltmp2:
0xe4: {  	v7 =	vadd.s32 v27, v10;
	[tilespmem:s28+$0xFFFFFFB0] =	vst v0;
	v4 =	vld.idx.msk [tilespmem:v6+s1+$0x0], $0xffff;
	(pc) =	sbr.rel @p0 .LBB2_2-.Ltmp2, $4  }
0xe5: {  	v13 =	vadd.s32 v31, v9;
	v9 =	vmov v19;
	[tilespmem:s28+$0xFFFFFEB0] =	vst v3;
	v2 =	vld.idx.msk [tilespmem:v17+s26+$0x0], $0xffff  }
0xe6: {  	v0 =	vld.idx.msk [tilespmem:v18+s26+$0x0], $0xffff;
	[tilespmem:s28+$0xFFFFFF30] =	vst v15;
	v15 =	vadd.s32 v31, v8;
	v8 =	vmov v20  }
0xe7: {  	v5 =	vadd.s32 v28, v11;
	v1 =	vld.idx.msk [tilespmem:v22+s26+$0x0], $0xffff;
	[tilespmem:s29+$0x0] =	vst v21  }
0xe8: {  	s0 =	sadd.s32 $0x4, s0;
	s31 =	sadd.s32 $0x3, s30;
	v6 =	vadd.s32 v28, v9;
	[tilespmem:s28+$0xFFFFFE30] =	vst v14;
	v3 =	vld.idx.msk [tilespmem:v23+s1+$0x0], $0xffff  }
0xe9: {  	_ =	sdelay $0x2  }
0xea: {  	s0 =	sadd.s32 $0x1, s30;
	v14 =	vmov s31;
	[tilespmem:s29+$0xFFFFFEF0] =	vst v16  }
0xeb: {  	v7 =	vld.idx.msk [tilespmem:v7+s26+$0x0], $0xffff;
	v17 =	vadd.s32 v28, v8;
	s13 =	sadd.s32 $0x2, s30;
	[tilespmem:s29+$0xFFFFFF70] =	vst v4;
	v16 =	vmov s0;
	v14 =	vand.u32 $0xFF, v14  }
0xec: {  	v4 =	vld.idx.msk [tilespmem:v13+s1+$0x0], $0xffff;
	[tilespmem:s28+$0xFFFFFFC0] =	vst v2;
	v13 =	vand.u32 $0xFD, v16;
	v16 =	vmov s13;
	v18 =	vadd.s32 v24, v14  }
0xed: {  	v60 =	vmov s30;
	v2 =	vld.idx.msk [tilespmem:v15+s1+$0x0], $0xffff;
	[tilespmem:s28+$0xFFFFFEC0] =	vst v0;
	v19 =	vadd.s32 v24, v13;
	v15 =	vand.u32 $0xFE, v16  }
0xee: {  	v5 =	vld.idx.msk [tilespmem:v5+s26+$0x0], $0xffff;
	[tilespmem:s28+$0xFFFFFF40] =	vst v1;
	v16 =	vand.u32 $0xFC, v60;
	v20 =	vadd.s32 v24, v15  }
0xef: {  	v23 =	vld.idx.msk [tilespmem:v6+s26+$0x0], $0xffff;
	[tilespmem:s29+$0xFFFFFE70] =	vst v3;
	v38 =	vadd.s32 v24, v16  }
0xf0: {  	v39 =	vadd.s32 v31, v12;
	v53 =	vld.idx.msk [tilespmem:v17+s26+$0x0], $0xffff;
	[tilespmem:s28+$0xFFFFFE40] =	vst v7  }
0xf1: {  	v58 =	vadd.s32 v29, v11;
	[tilespmem:s29+$0xFFFFFF00] =	vst v4;
	v59 =	vld.idx.msk [tilespmem:v18+s26+$0x0], $0xffff  }
0xf2: {  	v21 =	vadd.s32 v25, v14;
	[tilespmem:s29+$0xFFFFFF80] =	vst v2;
	v60 =	vld.idx.msk [tilespmem:v19+s26+$0x0], $0xffff  }
0xf3: {  	v22 =	vadd.s32 v25, v13;
	[tilespmem:s28+$0xFFFFFFD0] =	vst v5;
	v17 =	vld.idx.msk [tilespmem:v20+s26+$0x0], $0xffff  }
0xf4: {  	v24 =	vadd.s32 v25, v15;
	[tilespmem:s28+$0xFFFFFED0] =	vst v23;
	v23 =	vld.idx.msk [tilespmem:v38+s26+$0x0], $0xffff  }
0xf5: {  	s31 =	sadd.s32 $0x200, s28;
	v3 =	vld.idx.msk [tilespmem:v39+s1+$0x0], $0xffff;
	v38 =	vadd.s32 v25, v16;
	[tilespmem:s28+$0xFFFFFF50] =	vst v53  }
0xf6: {  	v39 =	vadd.s32 v29, v9;
	v7 =	vld.idx.msk [tilespmem:v58+s26+$0x0], $0xffff;
	[tilespmem:s31+$0xFFFFFF90] =	vst v59  }
0xf7: {  	v18 =	vadd.s32 v28, v10;
	[tilespmem:s31+$0xFFFFFE90] =	vst v60;
	v2 =	vld.idx.msk [tilespmem:v21+s26+$0x0], $0xffff  }
0xf8: {  	v53 =	vadd.s32 v26, v14;
	v4 =	vld.idx.msk [tilespmem:v22+s26+$0x0], $0xffff;
	[tilespmem:s31+$0xFFFFFF10] =	vst v17  }
0xf9: {  	v58 =	vadd.s32 v26, v13;
	[tilespmem:s31+$0xFFFFFE10] =	vst v23;
	v1 =	vld.idx.msk [tilespmem:v24+s26+$0x0], $0xffff  }
0xfa: {  	[tilespmem:s29+$0xFFFFFE80] =	vst v3;
	v60 =	vadd.s32 v26, v15;
	v59 =	vld.idx.msk [tilespmem:v38+s26+$0x0], $0xffff  }
0xfb: {  	v12 =	vld.idx.msk [tilespmem:v39+s26+$0x0], $0xffff;
	[tilespmem:s28+$0xFFFFFFE0] =	vst v7;
	v21 =	vadd.s32 v26, v16  }
0xfc: {  	v17 =	vld.idx.msk [tilespmem:v18+s26+$0x0], $0xffff;
	v18 =	vadd.s32 v30, v11;
	[tilespmem:s31+$0xFFFFFFA0] =	vst v2  }
0xfd: {  	v22 =	vadd.s32 v29, v8;
	[tilespmem:s31+$0xFFFFFEA0] =	vst v4;
	v23 =	vld.idx.msk [tilespmem:v53+s26+$0x0], $0xffff  }
0xfe: {  	v24 =	vadd.s32 v27, v14;
	v0 =	vld.idx.msk [tilespmem:v58+s26+$0x0], $0xffff;
	[tilespmem:s31+$0xFFFFFF20] =	vst v1  }
0xff: {  	v26 =	vadd.s32 v27, v13;
	[tilespmem:s31+$0xFFFFFE20] =	vst v59;
	v25 =	vld.idx.msk [tilespmem:v60+s26+$0x0], $0xffff  }
0x100: {  	v39 =	vadd.s32 v27, v15;
	[tilespmem:s28+$0xFFFFFEE0] =	vst v12;
	v38 =	vld.idx.msk [tilespmem:v21+s26+$0x0], $0xffff  }
0x101: {  	[tilespmem:s28+$0xFFFFFE50] =	vst v17;
	v17 =	vld.idx.msk [tilespmem:v18+s26+$0x0], $0xffff;
	v53 =	vadd.s32 v27, v16  }
0x102: {  	v18 =	vadd.s32 v29, v10;
	v2 =	vld.idx.msk [tilespmem:v22+s26+$0x0], $0xffff;
	[tilespmem:s31+$0xFFFFFFB0] =	vst v23  }
0x103: {  	v58 =	vadd.s32 v31, v11;
	[tilespmem:s31+$0xFFFFFEB0] =	vst v0;
	v59 =	vld.idx.msk [tilespmem:v24+s26+$0x0], $0xffff  }
0x104: {  	v20 =	vadd.s32 v28, v14;
	v60 =	vld.idx.msk [tilespmem:v26+s26+$0x0], $0xffff;
	[tilespmem:s31+$0xFFFFFF30] =	vst v25  }
0x105: {  	v21 =	vadd.s32 v28, v13;
	[tilespmem:s31+$0xFFFFFE30] =	vst v38;
	v5 =	vld.idx.msk [tilespmem:v39+s26+$0x0], $0xffff  }
0x106: {  	[tilespmem:s28+$0xFFFFFFF0] =	vst v17;
	v23 =	vadd.s32 v28, v15;
	v22 =	vld.idx.msk [tilespmem:v53+s26+$0x0], $0xffff  }
0x107: {  	[tilespmem:s28+$0xFFFFFF60] =	vst v2;
	v24 =	vld.idx.msk [tilespmem:v18+s26+$0x0], $0xffff;
	v25 =	vadd.s32 v28, v16  }
0x108: {  	v17 =	vadd.s32 v30, v9;
	v4 =	vld.idx.msk [tilespmem:v58+s26+$0x0], $0xffff;
	[tilespmem:s31+$0xFFFFFFC0] =	vst v59  }
0x109: {  	v26 =	vadd.s32 v30, v8;
	[tilespmem:s31+$0xFFFFFEC0] =	vst v60;
	v27 =	vld.idx.msk [tilespmem:v20+s26+$0x0], $0xffff  }
0x10a: {  	v38 =	vadd.s32 v29, v14;
	v28 =	vld.idx.msk [tilespmem:v21+s26+$0x0], $0xffff;
	[tilespmem:s31+$0xFFFFFF40] =	vst v5  }
0x10b: {  	v53 =	vadd.s32 v29, v13;
	[tilespmem:s31+$0xFFFFFE40] =	vst v22;
	v39 =	vld.idx.msk [tilespmem:v23+s26+$0x0], $0xffff  }
0x10c: {  	v58 =	vadd.s32 v29, v15;
	[tilespmem:s28+$0xFFFFFE60] =	vst v24;
	v2 =	vld.idx.msk [tilespmem:v25+s26+$0x0], $0xffff  }
0x10d: {  	v59 =	vld.idx.msk [tilespmem:v17+s26+$0x0], $0xffff;
	[tilespmem:s28+$0x0] =	vst v4;
	v60 =	vadd.s32 v29, v16  }
0x10e: {  	v17 =	vadd.s32 v30, v10;
	v0 =	vld.idx.msk [tilespmem:v26+s26+$0x0], $0xffff;
	[tilespmem:s31+$0xFFFFFFD0] =	vst v27  }
0x10f: {  	v20 =	vadd.s32 v31, v9;
	[tilespmem:s31+$0xFFFFFED0] =	vst v28;
	v21 =	vld.idx.msk [tilespmem:v38+s26+$0x0], $0xffff  }
0x110: {  	v22 =	vadd.s32 v30, v14;
	[tilespmem:s31+$0xFFFFFF50] =	vst v39;
	v23 =	vld.idx.msk [tilespmem:v53+s26+$0x0], $0xffff  }
0x111: {  	v25 =	vadd.s32 v30, v13;
	[tilespmem:s31+$0xFFFFFE50] =	vst v2;
	v24 =	vld.idx.msk [tilespmem:v58+s26+$0x0], $0xffff  }
0x112: {  	v26 =	vadd.s32 v30, v15;
	[tilespmem:s28+$0xFFFFFEF0] =	vst v59;
	v4 =	vld.idx.msk [tilespmem:v60+s26+$0x0], $0xffff  }
0x113: {  	v27 =	vld.idx.msk [tilespmem:v17+s26+$0x0], $0xffff;
	[tilespmem:s28+$0xFFFFFF70] =	vst v0;
	v28 =	vadd.s32 v30, v16  }
0x114: {  	v29 =	vadd.s32 v31, v8;
	v1 =	vld.idx.msk [tilespmem:v20+s26+$0x0], $0xffff;
	[tilespmem:s31+$0xFFFFFFE0] =	vst v21  }
0x115: {  	v30 =	vadd.s32 v31, v10;
	v5 =	vld.idx.msk [tilespmem:v22+s26+$0x0], $0xffff;
	[tilespmem:s31+$0xFFFFFEE0] =	vst v23  }
0x116: {  	v38 =	vadd.s32 v31, v14;
	[tilespmem:s31+$0xFFFFFF60] =	vst v24;
	v39 =	vld.idx.msk [tilespmem:v25+s26+$0x0], $0xffff  }
0x117: {  	v58 =	vadd.s32 v31, v13;
	[tilespmem:s31+$0xFFFFFE60] =	vst v4;
	v53 =	vld.idx.msk [tilespmem:v26+s26+$0x0], $0xffff  }
0x118: {  	v59 =	vadd.s32 v31, v15;
	[tilespmem:s28+$0xFFFFFE70] =	vst v27;
	v0 =	vld.idx.msk [tilespmem:v28+s26+$0x0], $0xffff  }
0x119: {  	v8 =	vld.idx.msk [tilespmem:v29+s26+$0x0], $0xffff;
	v60 =	vadd.s32 v31, v16;
	[tilespmem:s28+$0xFFFFFF00] =	vst v1  }
0x11a: {  	v3 =	vld.idx.msk [tilespmem:v30+s26+$0x0], $0xffff;
	[tilespmem:s31+$0xFFFFFFF0] =	vst v5  }
0x11b: {  	v5 =	vld.idx.msk [tilespmem:v38+s26+$0x0], $0xffff;
	[tilespmem:s31+$0xFFFFFEF0] =	vst v39  }
0x11c: {  	v2 =	vld.idx.msk [tilespmem:v58+s26+$0x0], $0xffff;
	[tilespmem:s31+$0xFFFFFF70] =	vst v53  }
0x11d: {  	[tilespmem:s31+$0xFFFFFE70] =	vst v0;
	v4 =	vld.idx.msk [tilespmem:v59+s26+$0x0], $0xffff  }
0x11e: {  	[tilespmem:s28+$0xFFFFFF80] =	vst v8;
	v0 =	vld.idx.msk [tilespmem:v60+s26+$0x0], $0xffff  }
0x11f: {  	[tilespmem:s28+$0xFFFFFE80] =	vst v3  }
0x120: {  	[tilespmem:s31+$0x0] =	vst v5  }
0x121: {  	[tilespmem:s31+$0xFFFFFF00] =	vst v2  }
0x122: {  	[tilespmem:s31+$0xFFFFFF80] =	vst v4  }
0x123: {  	v17 =	vmov v57;
	v16 =	vmov v56;
	s28 =	simm.s32 $0x0;
	[tilespmem:s31+$0xFFFFFE80] =	vst v0  }
.LBB2_4:
0x124: {  	p0 =	seq.s32 s28, $0x0  }
0x125: {  	s0 =	simm.s32 @!p0 $0x2  }
0x126: {  	_ =	swait.ge @!p0 [sflag:s0], $0x4000  }
0x127: {  	[sflag:s0] =	ssyncset.done @!p0 $0x0  }
0x128: {  	[sflag:s0] =	ssyncadd.s32 @!p0 $0xFFFFC000  }
0x129: {  	_ =	swait.ge [sflag:s19], $0x2000  }
0x12a: {  	p1 =	por $0x1, $0x1;
	v25 =	vld [tilespmem:$0x1FDD0]  }
.Ltmp3:
0x12b: {  	v20 =	vld [tilespmem:$0x1FDF0];
	(pc) =	sbr.rel @!p1 .LBB2_5-.Ltmp3, $4  }
0x12c: {  	s13 =	simm.s32 $0x7;
	v18 =	vld [tilespmem:$0x1FDE0]  }
0x12d: {  	v0 =	vmov s13;
	v29 =	vld [tilespmem:$0x1FE00]  }
0x12e: {  	s29 =	sshll.u32 s28, $0xB;
	s30 =	simm.s32 $0xC900;
	v0 =	vshrl.u32 v0, $0x3;
	[sflag:s19] =	ssyncset.done $0x0;
	v21 =	vld [tilespmem:$0x1FE10]  }
0x12f: {  	s31 =	simm.s32 $0x8;
	v7 =	vshll.u32 v0, v33;
	p0 =	por $0x0, $0x0;
	v22 =	vld [tilespmem:$0x1FE20];
	[sflag:s19] =	ssyncadd.s32 $0xFFFFE000  }
0x130: {  	v0 =	vbroadcast v7, $0x0  }
0x131: {  	v1 =	vmov s26  }
0x132: {  	v2 =	vld [tilespmem:s30+$0xC0];
	v1 =	vshrl.u32 v1, $0x3;
	v3 =	vadd.s32 v29, v0  }
0x133: {  	v4 =	vld [tilespmem:s30+$0xD0];
	v1 =	vshll.u32 v1, v33;
	v5 =	vadd.s32 v21, v0  }
0x134: {  	s0 =	simm.s32 $0x1;
	v6 =	vld [tilespmem:s30+$0xE0];
	v8 =	vadd.s32 $0x1987, v42;
	v1 =	vbroadcast v1, $0x0;
	v7 =	vadd.s32 v22, v0  }
0x135: {  	v10 =	vld [tilespmem:s30+$0xF0];
	v9 =	vmov s0;
	v0 =	vadd.s32 v8, v0  }
0x136: {  	v11 =	vld [tilespmem:s30+$0xFFFFFF00];
	v9 =	vshrl.u32 v9, $0x3;
	v12 =	vadd.s32 v42, v1  }
0x137: {  	v13 =	vld [tilespmem:s30+$0xFFFFFF10];
	v9 =	vshll.u32 v9, v33;
	v14 =	vadd.s32 v51, v1;
	[tilespmem:v3+s20+$0x0] =	vst.idx.msk $0xffff, v2  }
0x138: {  	s12 =	simm.s32 $0x2;
	v9 =	vbroadcast v9, $0x0;
	v2 =	vld [tilespmem:s30+$0xFFFFFF20];
	v3 =	vadd.s32 v49, v1;
	[tilespmem:v5+s20+$0x0] =	vst.idx.msk $0xffff, v4  }
0x139: {  	v1 =	vadd.s32 v52, v1;
	v4 =	vld [tilespmem:s30+$0xFFFFFF30];
	v5 =	vmov s12;
	[tilespmem:v7+s20+$0x0] =	vst.idx.msk $0xffff, v6  }
0x13a: {  	v6 =	vld [tilespmem:s30+$0xFFFFFF40];
	v7 =	vadd.s32 v44, v9;
	v5 =	vshrl.u32 v5, $0x3;
	[tilespmem:v0+s20+$0x0] =	vst.idx.msk $0xffff, v10  }
0x13b: {  	[tilespmem:v12+s20+$0x0] =	vst.idx.msk $0xffff, v11;
	v0 =	vld [tilespmem:s30+$0xFFFFFF50];
	v10 =	vadd.s32 v50, v9;
	v5 =	vshll.u32 v5, v33  }
0x13c: {  	s13 =	simm.s32 $0x3;
	v11 =	vld [tilespmem:s30+$0xFFFFFF60];
	v12 =	vadd.s32 v37, v9;
	[tilespmem:v14+s20+$0x0] =	vst.idx.msk $0xffff, v13;
	v5 =	vbroadcast v5, $0x0  }
0x13d: {  	[tilespmem:v3+s20+$0x0] =	vst.idx.msk $0xffff, v2;
	v2 =	vld [tilespmem:s30+$0xFFFFFF70];
	v3 =	vadd.s32 v40, v9;
	v9 =	vmov s13  }
0x13e: {  	[tilespmem:v1+s20+$0x0] =	vst.idx.msk $0xffff, v4;
	v1 =	vld [tilespmem:s30+$0xFFFFFF80];
	v4 =	vadd.s32 v46, v5;
	v9 =	vshrl.u32 v9, $0x3  }
0x13f: {  	[tilespmem:v7+s20+$0x0] =	vst.idx.msk $0xffff, v6;
	v6 =	vld [tilespmem:s30+$0xFFFFFF90];
	v7 =	vadd.s32 v62, v5;
	v9 =	vshll.u32 v9, v33  }
0x140: {  	s1 =	simm.s32 $0x4;
	[tilespmem:v10+s20+$0x0] =	vst.idx.msk $0xffff, v0;
	v0 =	vld [tilespmem:s30+$0xFFFFFFA0];
	v10 =	vadd.s32 v43, v5;
	v9 =	vbroadcast v9, $0x0  }
0x141: {  	v5 =	vadd.s32 v45, v5;
	[tilespmem:v12+s20+$0x0] =	vst.idx.msk $0xffff, v11;
	v11 =	vld [tilespmem:s30+$0xFFFFFFB0];
	v12 =	vmov s1  }
0x142: {  	[tilespmem:v3+s20+$0x0] =	vst.idx.msk $0xffff, v2;
	v2 =	vld [tilespmem:s30+$0xFFFFFFC0];
	v3 =	vadd.s32 v47, v9;
	v12 =	vshrl.u32 v12, $0x3  }
0x143: {  	[tilespmem:v4+s20+$0x0] =	vst.idx.msk $0xffff, v1;
	v1 =	vld [tilespmem:s30+$0xFFFFFFD0];
	v4 =	vadd.s32 v63, v9;
	v12 =	vshll.u32 v12, v33  }
0x144: {  	s11 =	simm.s32 $0x5;
	[tilespmem:v7+s20+$0x0] =	vst.idx.msk $0xffff, v6;
	v6 =	vld [tilespmem:s30+$0xFFFFFFE0];
	v7 =	vadd.s32 v41, v9;
	v12 =	vbroadcast v12, $0x0  }
0x145: {  	v9 =	vadd.s32 v36, v9;
	[tilespmem:v10+s20+$0x0] =	vst.idx.msk $0xffff, v0;
	v0 =	vld [tilespmem:s30+$0xFFFFFFF0];
	v10 =	vmov s11  }
0x146: {  	[tilespmem:v5+s20+$0x0] =	vst.idx.msk $0xffff, v11;
	v5 =	vld [tilespmem:s30+$0x0];
	v11 =	vadd.s32 v48, v12;
	v10 =	vshrl.u32 v10, $0x3  }
0x147: {  	[tilespmem:v3+s20+$0x0] =	vst.idx.msk $0xffff, v2;
	v2 =	vld [tilespmem:s30+$0x10];
	v3 =	vadd.s32 v61, v12;
	v10 =	vshll.u32 v10, v33  }
0x148: {  	s12 =	simm.s32 $0x6;
	v13 =	vadd.s32 v54, v12;
	[tilespmem:v4+s20+$0x0] =	vst.idx.msk $0xffff, v1;
	v4 =	vld [tilespmem:s30+$0x20];
	v14 =	vbroadcast v10, $0x0  }
0x149: {  	v12 =	vadd.s32 v32, v12;
	v1 =	vmov s12;
	[tilespmem:v7+s20+$0x0] =	vst.idx.msk $0xffff, v6;
	v7 =	vld [tilespmem:s30+$0x30]  }
0x14a: {  	p1 =	por $0x1, $0x1;
	v1 =	vshrl.u32 v1, $0x3;
	[tilespmem:v9+s20+$0x0] =	vst.idx.msk $0xffff, v0;
	v9 =	vld [tilespmem:s30+$0x40];
	v15 =	vadd.s32 v34, v14  }
.Ltmp4:
0x14b: {  	v0 =	vld [tilespmem:s30+$0x50];
	v1 =	vshll.u32 v1, v33;
	[tilespmem:v11+s20+$0x0] =	vst.idx.msk $0xffff, v5;
	v5 =	vadd.s32 v35, v14;
	(pc) =	sbr.rel @!p1 .LBB2_7-.Ltmp4, $4  }
0x14c: {  	s13 =	simm.s32 $0xF;
	v10 =	vadd.s32 v55, v14;
	v1 =	vbroadcast v1, $0x0;
	[tilespmem:v3+s20+$0x0] =	vst.idx.msk $0xffff, v2;
	v2 =	vld [tilespmem:s30+$0x60]  }
0x14d: {  	v6 =	vadd.s32 v16, v14;
	v11 =	vmov s13;
	v3 =	vld [tilespmem:s30+$0x70];
	[tilespmem:v13+s20+$0x0] =	vst.idx.msk $0xffff, v4  }
0x14e: {  	v13 =	vshrl.u32 v11, $0x3;
	v4 =	vld [tilespmem:s30+$0x80];
	v11 =	vadd.s32 v25, v1;
	[tilespmem:v12+s20+$0x0] =	vst.idx.msk $0xffff, v7  }
0x14f: {  	p0 =	por $0x1, $0x1;
	s0 =	simm.s32 $0x10;
	s1 =	simm.s32 $0xC900;
	v7 =	vshll.u32 v13, v33;
	v12 =	vadd.s32 v18, v1;
	[tilespmem:v15+s20+$0x0] =	vst.idx.msk $0xffff, v9;
	v9 =	vld [tilespmem:s30+$0x90]  }
.LBB2_8:
0x150: {  	p1 =	slt.u32 s0, $0x78;
	v7 =	vbroadcast v7, $0x0;
	[tilespmem:v5+s20+$0x0] =	vst.idx.msk $0xffff, v0;
	v0 =	vld [tilespmem:s1+$0xA0];
	v5 =	vadd.s32 v20, v1  }
0x151: {  	v13 =	vmov s31;
	v1 =	vadd.s32 v17, v1;
	[tilespmem:v10+s20+$0x0] =	vst.idx.msk $0xffff, v2;
	v2 =	vld [tilespmem:s1+$0xB0];
	s1 =	sadd.s32 $0x200, s1  }
0x152: {  	v10 =	vshrl.u32 v13, $0x3;
	v13 =	vld [tilespmem:s1+$0xC0];
	v14 =	vadd.s32 v29, v7;
	[tilespmem:v6+s20+$0x0] =	vst.idx.msk $0xffff, v3  }
0x153: {  	v3 =	vshll.u32 v10, v33;
	v10 =	vadd.s32 v21, v7;
	v6 =	vld [tilespmem:s1+$0xD0];
	[tilespmem:v11+s20+$0x0] =	vst.idx.msk $0xffff, v4  }
0x154: {  	s11 =	sadd.s32 $0x1, s31;
	v3 =	vbroadcast v3, $0x0;
	v11 =	vadd.s32 v22, v7;
	v4 =	vld [tilespmem:s1+$0xE0];
	[tilespmem:v12+s20+$0x0] =	vst.idx.msk $0xffff, v9  }
0x155: {  	v7 =	vadd.s32 v8, v7;
	v9 =	vmov s11;
	v12 =	vld [tilespmem:s1+$0xF0];
	[tilespmem:v5+s20+$0x0] =	vst.idx.msk $0xffff, v0  }
0x156: {  	v5 =	vadd.s32 v42, v3;
	v9 =	vshrl.u32 v9, $0x3;
	v0 =	vld [tilespmem:s1+$0xFFFFFF00];
	[tilespmem:v1+s20+$0x0] =	vst.idx.msk $0xffff, v2  }
0x157: {  	v2 =	vadd.s32 v51, v3;
	v9 =	vshll.u32 v9, v33;
	v1 =	vld [tilespmem:s1+$0xFFFFFF10];
	[tilespmem:v14+s20+$0x0] =	vst.idx.msk $0xffff, v13  }
0x158: {  	s11 =	sadd.s32 $0x2, s31;
	v14 =	vadd.s32 v49, v3;
	v9 =	vbroadcast v9, $0x0;
	v13 =	vld [tilespmem:s1+$0xFFFFFF20];
	[tilespmem:v10+s20+$0x0] =	vst.idx.msk $0xffff, v6  }
0x159: {  	v3 =	vadd.s32 v52, v3;
	v10 =	vmov s11;
	v6 =	vld [tilespmem:s1+$0xFFFFFF30];
	[tilespmem:v11+s20+$0x0] =	vst.idx.msk $0xffff, v4  }
0x15a: {  	v11 =	vadd.s32 v44, v9;
	v10 =	vshrl.u32 v10, $0x3;
	v4 =	vld [tilespmem:s1+$0xFFFFFF40];
	[tilespmem:v7+s20+$0x0] =	vst.idx.msk $0xffff, v12  }
0x15b: {  	v7 =	vshll.u32 v10, v33;
	[tilespmem:v5+s20+$0x0] =	vst.idx.msk $0xffff, v0;
	v0 =	vld [tilespmem:s1+$0xFFFFFF50];
	v5 =	vadd.s32 v50, v9  }
0x15c: {  	s11 =	sadd.s32 $0x3, s31;
	v7 =	vbroadcast v7, $0x0;
	[tilespmem:v2+s20+$0x0] =	vst.idx.msk $0xffff, v1;
	v1 =	vld [tilespmem:s1+$0xFFFFFF60];
	v2 =	vadd.s32 v37, v9  }
0x15d: {  	v12 =	vmov s11;
	v9 =	vadd.s32 v40, v9;
	[tilespmem:v14+s20+$0x0] =	vst.idx.msk $0xffff, v13;
	v10 =	vld [tilespmem:s1+$0xFFFFFF70]  }
0x15e: {  	v12 =	vshrl.u32 v12, $0x3;
	[tilespmem:v3+s20+$0x0] =	vst.idx.msk $0xffff, v6;
	v3 =	vld [tilespmem:s1+$0xFFFFFF80];
	v6 =	vadd.s32 v46, v7  }
0x15f: {  	v12 =	vshll.u32 v12, v33;
	[tilespmem:v11+s20+$0x0] =	vst.idx.msk $0xffff, v4;
	v4 =	vld [tilespmem:s1+$0xFFFFFF90];
	v11 =	vadd.s32 v62, v7  }
0x160: {  	s11 =	sadd.s32 $0x4, s31;
	v12 =	vbroadcast v12, $0x0;
	[tilespmem:v5+s20+$0x0] =	vst.idx.msk $0xffff, v0;
	v0 =	vld [tilespmem:s1+$0xFFFFFFA0];
	v5 =	vadd.s32 v43, v7  }
0x161: {  	[tilespmem:v2+s20+$0x0] =	vst.idx.msk $0xffff, v1;
	v1 =	vld [tilespmem:s1+$0xFFFFFFB0];
	v2 =	vadd.s32 v45, v7;
	v7 =	vmov s11  }
0x162: {  	[tilespmem:v9+s20+$0x0] =	vst.idx.msk $0xffff, v10;
	v9 =	vld [tilespmem:s1+$0xFFFFFFC0];
	v10 =	vadd.s32 v47, v12;
	v7 =	vshrl.u32 v7, $0x3  }
0x163: {  	[tilespmem:v6+s20+$0x0] =	vst.idx.msk $0xffff, v3;
	v3 =	vld [tilespmem:s1+$0xFFFFFFD0];
	v6 =	vadd.s32 v63, v12;
	v7 =	vshll.u32 v7, v33  }
0x164: {  	s11 =	sadd.s32 $0x5, s31;
	[tilespmem:v11+s20+$0x0] =	vst.idx.msk $0xffff, v4;
	v4 =	vld [tilespmem:s1+$0xFFFFFFE0];
	v11 =	vadd.s32 v41, v12;
	v7 =	vbroadcast v7, $0x0  }
0x165: {  	[tilespmem:v5+s20+$0x0] =	vst.idx.msk $0xffff, v0;
	v0 =	vld [tilespmem:s1+$0xFFFFFFF0];
	v5 =	vadd.s32 v36, v12;
	v12 =	vmov s11  }
0x166: {  	[tilespmem:v2+s20+$0x0] =	vst.idx.msk $0xffff, v1;
	v1 =	vld [tilespmem:s1+$0x0];
	v2 =	vadd.s32 v48, v7;
	v12 =	vshrl.u32 v12, $0x3  }
0x167: {  	[tilespmem:v10+s20+$0x0] =	vst.idx.msk $0xffff, v9;
	v9 =	vld [tilespmem:s1+$0x10];
	v10 =	vadd.s32 v61, v7;
	v12 =	vshll.u32 v12, v33  }
0x168: {  	s11 =	sadd.s32 $0x6, s31;
	s31 =	smov.u32 s0;
	[tilespmem:v6+s20+$0x0] =	vst.idx.msk $0xffff, v3;
	v3 =	vld [tilespmem:s1+$0x20];
	v6 =	vadd.s32 v54, v7;
	v12 =	vbroadcast v12, $0x0  }
0x169: {  	v7 =	vadd.s32 v32, v7;
	[tilespmem:v11+s20+$0x0] =	vst.idx.msk $0xffff, v4;
	v4 =	vld [tilespmem:s1+$0x30];
	v11 =	vmov s11  }
0x16a: {  	[tilespmem:v5+s20+$0x0] =	vst.idx.msk $0xffff, v0;
	v13 =	vld [tilespmem:s1+$0x40];
	v14 =	vadd.s32 v34, v12;
	v11 =	vshrl.u32 v11, $0x3  }
.Ltmp5:
0x16b: {  	v5 =	vadd.s32 v35, v12;
	[tilespmem:v2+s20+$0x0] =	vst.idx.msk $0xffff, v1;
	v0 =	vld [tilespmem:s1+$0x50];
	v1 =	vshll.u32 v11, v33;
	(pc) =	sbr.rel @p1 .LBB2_8-.Ltmp5, $4  }
0x16c: {  	s11 =	sadd.s32 $0x7, s0;
	[tilespmem:v10+s20+$0x0] =	vst.idx.msk $0xffff, v9;
	v2 =	vld [tilespmem:s1+$0x60];
	v10 =	vadd.s32 v55, v12;
	v1 =	vbroadcast v1, $0x0  }
0x16d: {  	v9 =	vmov s11;
	[tilespmem:v6+s20+$0x0] =	vst.idx.msk $0xffff, v3;
	v3 =	vld [tilespmem:s1+$0x70];
	v6 =	vadd.s32 v16, v12  }
0x16e: {  	v9 =	vshrl.u32 v9, $0x3;
	[tilespmem:v7+s20+$0x0] =	vst.idx.msk $0xffff, v4;
	v4 =	vld [tilespmem:s1+$0x80];
	v11 =	vadd.s32 v25, v1  }
0x16f: {  	s0 =	sadd.s32 $0x8, s0;
	v7 =	vshll.u32 v9, v33;
	v12 =	vadd.s32 v18, v1;
	[tilespmem:v14+s20+$0x0] =	vst.idx.msk $0xffff, v13;
	v9 =	vld [tilespmem:s1+$0x90]  }
.LBB2_9:
0x170: {  	_ =	sdelay $0x3  }
0x171: {  	[tilespmem:v5+s20+$0x0] =	vst.idx.msk @p0 $0xffff, v0;
	v0 =	vld @p0 [tilespmem:s1+$0xA0];
	s0 =	sadd.s32 @p0 $0x200, s1  }
0x172: {  	v7 =	vbroadcast v7, $0x0;
	v5 =	vadd.s32 @p0 v20, v1;
	v13 =	vld @p0 [tilespmem:s1+$0xB0];
	[tilespmem:v10+s20+$0x0] =	vst.idx.msk @p0 $0xffff, v2;
	s30 =	smov.u32 @p0 s0  }
0x173: {  	v8 =	vmov s31;
	v1 =	vadd.s32 @p0 v17, v1;
	v10 =	vld [tilespmem:s30+$0xC0];
	[tilespmem:v6+s20+$0x0] =	vst.idx.msk @p0 $0xffff, v3  }
0x174: {  	v2 =	vshrl.u32 v8, $0x3;
	v14 =	vadd.s32 v29, v7;
	v3 =	vld [tilespmem:s30+$0xD0];
	[tilespmem:v11+s20+$0x0] =	vst.idx.msk @p0 $0xffff, v4  }
0x175: {  	v8 =	vadd.s32 $0x1987, v42;
	v2 =	vshll.u32 v2, v33;
	v6 =	vadd.s32 v21, v7;
	v4 =	vld [tilespmem:s30+$0xE0];
	[tilespmem:v12+s20+$0x0] =	vst.idx.msk @p0 $0xffff, v9  }
0x176: {  	s12 =	sadd.s32 $0x1, s31;
	v2 =	vbroadcast v2, $0x0;
	v11 =	vadd.s32 v22, v7;
	v12 =	vld [tilespmem:s30+$0xF0];
	[tilespmem:$0x1FC40] =	vst v8  }
0x177: {  	v7 =	vadd.s32 v8, v7;
	v9 =	vmov s12;
	[tilespmem:v5+s20+$0x0] =	vst.idx.msk @p0 $0xffff, v0  }
0x178: {  	v9 =	vshrl.u32 v9, $0x3;
	v0 =	vld [tilespmem:s30+$0xFFFFFF00];
	v5 =	vadd.s32 v42, v2;
	[tilespmem:v1+s20+$0x0] =	vst.idx.msk @p0 $0xffff, v13  }
0x179: {  	v9 =	vshll.u32 v9, v33;
	v1 =	vld [tilespmem:s30+$0xFFFFFF10];
	v13 =	vadd.s32 v51, v2;
	[tilespmem:v14+s20+$0x0] =	vst.idx.msk $0xffff, v10  }
0x17a: {  	s13 =	sadd.s32 $0x2, s31;
	v10 =	vld [tilespmem:s30+$0xFFFFFF20];
	v14 =	vadd.s32 v49, v2;
	v9 =	vbroadcast v9, $0x0;
	[tilespmem:v6+s20+$0x0] =	vst.idx.msk $0xffff, v3  }
0x17b: {  	v2 =	vadd.s32 v52, v2;
	v3 =	vld [tilespmem:s30+$0xFFFFFF30];
	v6 =	vmov s13;
	[tilespmem:v11+s20+$0x0] =	vst.idx.msk $0xffff, v4  }
0x17c: {  	v4 =	vld [tilespmem:s30+$0xFFFFFF40];
	v11 =	vadd.s32 v44, v9;
	v6 =	vshrl.u32 v6, $0x3;
	[tilespmem:v7+s20+$0x0] =	vst.idx.msk $0xffff, v12  }
0x17d: {  	v6 =	vshll.u32 v6, v33;
	[tilespmem:v5+s20+$0x0] =	vst.idx.msk $0xffff, v0;
	v0 =	vld [tilespmem:s30+$0xFFFFFF50];
	v5 =	vadd.s32 v50, v9  }
0x17e: {  	s1 =	sadd.s32 $0x3, s31;
	v7 =	vadd.s32 v37, v9;
	v6 =	vbroadcast v6, $0x0;
	[tilespmem:v13+s20+$0x0] =	vst.idx.msk $0xffff, v1;
	v1 =	vld [tilespmem:s30+$0xFFFFFF60]  }
0x17f: {  	v12 =	vmov s1;
	v9 =	vadd.s32 v40, v9;
	[tilespmem:v14+s20+$0x0] =	vst.idx.msk $0xffff, v10;
	v10 =	vld [tilespmem:s30+$0xFFFFFF70]  }
0x180: {  	v12 =	vshrl.u32 v12, $0x3;
	[tilespmem:v2+s20+$0x0] =	vst.idx.msk $0xffff, v3;
	v2 =	vld [tilespmem:s30+$0xFFFFFF80];
	v3 =	vadd.s32 v46, v6  }
0x181: {  	v12 =	vshll.u32 v12, v33;
	[tilespmem:v11+s20+$0x0] =	vst.idx.msk $0xffff, v4;
	v4 =	vld [tilespmem:s30+$0xFFFFFF90];
	v11 =	vadd.s32 v62, v6  }
0x182: {  	s11 =	sadd.s32 $0x4, s31;
	v12 =	vbroadcast v12, $0x0;
	[tilespmem:v5+s20+$0x0] =	vst.idx.msk $0xffff, v0;
	v0 =	vld [tilespmem:s30+$0xFFFFFFA0];
	v5 =	vadd.s32 v43, v6  }
0x183: {  	v6 =	vadd.s32 v45, v6;
	[tilespmem:v7+s20+$0x0] =	vst.idx.msk $0xffff, v1;
	v1 =	vld [tilespmem:s30+$0xFFFFFFB0];
	v7 =	vmov s11  }
0x184: {  	[tilespmem:v9+s20+$0x0] =	vst.idx.msk $0xffff, v10;
	v9 =	vld [tilespmem:s30+$0xFFFFFFC0];
	v10 =	vadd.s32 v47, v12;
	v7 =	vshrl.u32 v7, $0x3  }
0x185: {  	[tilespmem:v3+s20+$0x0] =	vst.idx.msk $0xffff, v2;
	v2 =	vld [tilespmem:s30+$0xFFFFFFD0];
	v3 =	vadd.s32 v63, v12;
	v7 =	vshll.u32 v7, v33  }
0x186: {  	s12 =	sadd.s32 $0x5, s31;
	[tilespmem:v11+s20+$0x0] =	vst.idx.msk $0xffff, v4;
	v4 =	vld [tilespmem:s30+$0xFFFFFFE0];
	v11 =	vadd.s32 v41, v12;
	v7 =	vbroadcast v7, $0x0  }
0x187: {  	[tilespmem:v5+s20+$0x0] =	vst.idx.msk $0xffff, v0;
	v0 =	vld [tilespmem:s30+$0xFFFFFFF0];
	v5 =	vadd.s32 v36, v12;
	v12 =	vmov s12  }
0x188: {  	[tilespmem:v6+s20+$0x0] =	vst.idx.msk $0xffff, v1;
	v1 =	vld [tilespmem:s30+$0x0];
	v6 =	vadd.s32 v48, v7;
	v12 =	vshrl.u32 v12, $0x3  }
0x189: {  	[tilespmem:v10+s20+$0x0] =	vst.idx.msk $0xffff, v9;
	v9 =	vld [tilespmem:s30+$0x10];
	v10 =	vadd.s32 v61, v7;
	v12 =	vshll.u32 v12, v33  }
0x18a: {  	s13 =	sadd.s32 $0x6, s31;
	[tilespmem:v3+s20+$0x0] =	vst.idx.msk $0xffff, v2;
	v2 =	vld [tilespmem:s30+$0x20];
	v3 =	vadd.s32 v54, v7;
	v12 =	vbroadcast v12, $0x0  }
0x18b: {  	v7 =	vadd.s32 v32, v7;
	[tilespmem:v11+s20+$0x0] =	vst.idx.msk $0xffff, v4;
	v4 =	vld [tilespmem:s30+$0x30];
	v11 =	vmov s13  }
0x18c: {  	[tilespmem:v5+s20+$0x0] =	vst.idx.msk $0xffff, v0;
	v0 =	vld [tilespmem:s30+$0x40];
	v5 =	vadd.s32 v34, v12;
	v11 =	vshrl.u32 v11, $0x3  }
0x18d: {  	[tilespmem:v6+s20+$0x0] =	vst.idx.msk $0xffff, v1;
	v1 =	vld [tilespmem:s30+$0x50];
	v6 =	vadd.s32 v35, v12;
	v11 =	vshll.u32 v11, v33  }
0x18e: {  	[tilespmem:v10+s20+$0x0] =	vst.idx.msk $0xffff, v9;
	v9 =	vld [tilespmem:s30+$0x60];
	v10 =	vadd.s32 v55, v12;
	v11 =	vbroadcast v11, $0x0  }
0x18f: {  	[tilespmem:v3+s20+$0x0] =	vst.idx.msk $0xffff, v2;
	v2 =	vld [tilespmem:s30+$0x70];
	v3 =	vadd.s32 v16, v12  }
0x190: {  	[tilespmem:v7+s20+$0x0] =	vst.idx.msk $0xffff, v4;
	v4 =	vld [tilespmem:s30+$0x80];
	v7 =	vadd.s32 v25, v11  }
0x191: {  	[tilespmem:v5+s20+$0x0] =	vst.idx.msk $0xffff, v0;
	v0 =	vld [tilespmem:s30+$0x90];
	v5 =	vadd.s32 v18, v11  }
0x192: {  	[tilespmem:v6+s20+$0x0] =	vst.idx.msk $0xffff, v1;
	v1 =	vld [tilespmem:s30+$0xA0];
	v6 =	vadd.s32 v20, v11  }
0x193: {  	[tilespmem:v10+s20+$0x0] =	vst.idx.msk $0xffff, v9;
	v9 =	vld [tilespmem:s30+$0xB0];
	v10 =	vadd.s32 v17, v11  }
0x194: {  	[tilespmem:v3+s20+$0x0] =	vst.idx.msk $0xffff, v2  }
0x195: {  	[tilespmem:v7+s20+$0x0] =	vst.idx.msk $0xffff, v4  }
0x196: {  	[tilespmem:v5+s20+$0x0] =	vst.idx.msk $0xffff, v0  }
0x197: {  	[tilespmem:v6+s20+$0x0] =	vst.idx.msk $0xffff, v1  }
0x198: {  	[tilespmem:v10+s20+$0x0] =	vst.idx.msk $0xffff, v9  }
0x199: {  	_ =	swait.ge [sflag:s19], $0x2000  }
0x19a: {  	[sflag:s19] =	ssyncset.done $0x0  }
0x19b: {  	s31 =	simm.s32 $0xE9F0;
	[sflag:s19] =	ssyncadd.s32 $0xFFFFE000  }
0x19c: {  	v19 =	vld [tilespmem:s31+$0xFFFFFE70]  }
0x19d: {  	v17 =	vld [tilespmem:s31+$0xFFFFFF00]  }
0x19e: {  	v15 =	vld [tilespmem:s31+$0xFFFFFF60]  }
0x19f: {  	v12 =	vld [tilespmem:s31+$0xFFFFFF80]  }
0x1a0: {  	v14 =	vld [tilespmem:s31+$0xFFFFFF70]  }
0x1a1: {  	v9 =	vld [tilespmem:s31+$0xFFFFFF40]  }
0x1a2: {  	v0 =	vld [tilespmem:s31+$0xFFFFFF50]  }
0x1a3: {  	v11 =	vld [tilespmem:s31+$0x0]  }
0x1a4: {  	v16 =	vld [tilespmem:s31+$0xFFFFFEB0]  }
0x1a5: {  	v30 =	vld [tilespmem:s31+$0xFFFFFE30]  }
0x1a6: {  	v24 =	vld [tilespmem:s31+$0xFFFFFE80]  }
0x1a7: {  	v10 =	vld [tilespmem:s31+$0xFFFFFFC0]  }
0x1a8: {  	v8 =	vmov v18;
	s1 =	simm.s32 $0x0;
	v18 =	vld [tilespmem:s31+$0xFFFFFFF0]  }
0x1a9: {  	v2 =	vmov s1;
	v13 =	vld [tilespmem:s31+$0xFFFFFFB0]  }
0x1aa: {  	v2 =	vshrl.u32 v2, $0x3;
	v3 =	vld [tilespmem:s31+$0xFFFFFE10]  }
0x1ab: {  	v57 =	vmov v21;
	v2 =	vshll.u32 v2, $0x3;
	v21 =	vld [tilespmem:s31+$0xFFFFFFE0]  }
0x1ac: {  	v56 =	vmov v20;
	v20 =	vbroadcast v2, $0x0;
	v22 =	vld [tilespmem:s31+$0xFFFFFFA0]  }
0x1ad: {  	v59 =	vld [tilespmem:s31+$0xFFFFFEE0]  }
0x1ae: {  	v2 =	vadd.s32 v42, v20;
	v23 =	vld [tilespmem:s31+$0xFFFFFE40]  }
0x1af: {  	v6 =	vadd.s32 v25, v20;
	v7 =	vld [tilespmem:s31+$0xFFFFFF90]  }
0x1b0: {  	v25 =	vadd.s32 v34, v20;
	v26 =	vld [tilespmem:s31+$0xFFFFFE20]  }
0x1b1: {  	v31 =	vadd.s32 v29, v20;
	v55 =	vld [tilespmem:s31+$0xFFFFFFD0]  }
0x1b2: {  	v58 =	vadd.s32 v44, v20;
	v53 =	vld [tilespmem:s31+$0xFFFFFE50]  }
0x1b3: {  	v60 =	vadd.s32 v47, v20;
	v1 =	vld [tilespmem:s31+$0xFFFFFED0];
	[tilespmem:v2+s21+$0x0] =	vst.idx.msk $0xffff, v3  }
0x1b4: {  	v27 =	vadd.s32 v51, v20;
	v5 =	vld [tilespmem:s31+$0xFFFFFF10];
	[tilespmem:v6+s21+$0x0] =	vst.idx.msk $0xffff, v7  }
0x1b5: {  	v28 =	vadd.s32 v49, v20;
	v4 =	vadd.s32 v63, v20;
	v34 =	vld [tilespmem:s31+$0xFFFFFF30];
	[tilespmem:v25+s21+$0x0] =	vst.idx.msk $0xffff, v0  }
0x1b6: {  	v29 =	vadd.s32 v46, v20;
	v32 =	vadd.s32 v37, v20;
	v3 =	vld [tilespmem:s31+$0xFFFFFE90];
	[tilespmem:v31+s21+$0x0] =	vst.idx.msk $0xffff, v55  }
0x1b7: {  	v36 =	vadd.s32 v61, v20;
	v35 =	vadd.s32 v54, v20;
	v7 =	vld [tilespmem:s31+$0xFFFFFE60];
	[tilespmem:v58+s21+$0x0] =	vst.idx.msk $0xffff, v53  }
0x1b8: {  	v0 =	vadd.s32 v48, v20;
	v25 =	vadd.s32 v8, v20;
	v6 =	vld [tilespmem:s31+$0xFFFFFEF0];
	[tilespmem:v60+s21+$0x0] =	vst.idx.msk $0xffff, v1  }
0x1b9: {  	v2 =	vadd.s32 v50, v20;
	v31 =	vadd.s32 v41, v20;
	v1 =	vld [tilespmem:s31+$0xFFFFFEC0];
	[tilespmem:v27+s21+$0x0] =	vst.idx.msk $0xffff, v26  }
0x1ba: {  	v58 =	vmov v56;
	v26 =	vadd.s32 v57, v20;
	v27 =	vadd.s32 v56, v20;
	[tilespmem:v4+s21+$0x0] =	vst.idx.msk $0xffff, v59;
	v4 =	vld [tilespmem:s31+$0xFFFFFEA0]  }
0x1bb: {  	s0 =	simm.s32 $0xEBF0;
	v8 =	vmovc v48;
	v57 =	vmov v41;
	v59 =	vmov v37;
	[tilespmem:v28+s21+$0x0] =	vst.idx.msk $0xffff, v30;
	v30 =	vld [tilespmem:s31+$0xFFFFFF20];
	v28 =	vadd.s32 v62, v20  }
.LBB2_10:
0x1bc: {  	v37 =	vld [tilespmem:s0+$0xFFFFFE70]  }
0x1bd: {  	v56 =	vld [tilespmem:s0+$0xFFFFFF80]  }
0x1be: {  	v38 =	vld [tilespmem:$0x1FFD0]  }
0x1bf: {  	v60 =	vld [tilespmem:$0x1FE20]  }
0x1c0: {  	v39 =	vld [tilespmem:s0+$0xFFFFFF70]  }
0x1c1: {  	[tilespmem:v0+s21+$0x0] =	vst.idx.msk $0xffff, v5;
	v5 =	vld [tilespmem:s0+$0xFFFFFF00]  }
0x1c2: {  	[tilespmem:v31+s21+$0x0] =	vst.idx.msk $0xffff, v6;
	v6 =	vld [tilespmem:$0x1FF90]  }
0x1c3: {  	[tilespmem:v2+s21+$0x0] =	vst.idx.msk $0xffff, v7;
	v2 =	vld [tilespmem:s0+$0xFFFFFF60]  }
0x1c4: {  	[tilespmem:v36+s21+$0x0] =	vst.idx.msk $0xffff, v30;
	v30 =	vld [tilespmem:$0x1FC40]  }
0x1c5: {  	s1 =	sadd.s32 $0x8, s1;
	v41 =	vadd.s32 v43, v20;
	v43 =	vld [tilespmem:s0+$0xFFFFFF50]  }
0x1c6: {  	v0 =	vmov s1;
	v7 =	vadd.s32 v40, v20;
	[tilespmem:v29+s21+$0x0] =	vst.idx.msk $0xffff, v3;
	v29 =	vld [tilespmem:$0x1FDD0]  }
0x1c7: {  	v0 =	vshrl.u32 v0, $0x3;
	v3 =	vadd.s32 v45, v20;
	v45 =	vld [tilespmem:s0+$0x0]  }
0x1c8: {  	v0 =	vshll.u32 v0, $0x3;
	[tilespmem:v32+s21+$0x0] =	vst.idx.msk $0xffff, v19;
	v19 =	vld [tilespmem:$0x1FFE0]  }
0x1c9: {  	v38 =	vadd.s32 v38, v20;
	[tilespmem:v35+s21+$0x0] =	vst.idx.msk $0xffff, v34;
	v35 =	vbroadcast v0, $0x0;
	v0 =	vld [tilespmem:$0x1FFC0]  }
0x1ca: {  	v40 =	vld [tilespmem:s0+$0xFFFFFF40]  }
0x1cb: {  	[tilespmem:v7+s21+$0x0] =	vst.idx.msk $0xffff, v24;
	v7 =	vld [tilespmem:s0+$0xFFFFFEB0]  }
0x1cc: {  	v24 =	vld [tilespmem:$0x1FE00]  }
0x1cd: {  	[tilespmem:v28+s21+$0x0] =	vst.idx.msk $0xffff, v4;
	v4 =	vld [tilespmem:s0+$0xFFFFFFC0]  }
0x1ce: {  	[tilespmem:v38+s21+$0x0] =	vst.idx.msk $0xffff, v17;
	v38 =	vld [tilespmem:s0+$0xFFFFFE30];
	v0 =	vadd.s32 v0, v20  }
0x1cf: {  	v31 =	vadd.s32 v19, v20;
	v17 =	vmov v5;
	v5 =	vld [tilespmem:$0x1FE10];
	[tilespmem:v41+s21+$0x0] =	vst.idx.msk $0xffff, v16  }
0x1d0: {  	v6 =	vadd.s32 v6, v20;
	[tilespmem:v3+s21+$0x0] =	vst.idx.msk $0xffff, v1;
	v1 =	vld [tilespmem:$0x1FFA0]  }
0x1d1: {  	v19 =	vmov v37;
	v37 =	vadd.s32 v44, v35;
	v3 =	vld [tilespmem:s0+$0xFFFFFFA0]  }
0x1d2: {  	v44 =	vadd.s32 v29, v35;
	v29 =	vadd.s32 v46, v35;
	v46 =	vadd.s32 v24, v35;
	v24 =	vld [tilespmem:s0+$0xFFFFFE80]  }
0x1d3: {  	[tilespmem:v0+s21+$0x0] =	vst.idx.msk $0xffff, v15;
	v15 =	vmov v2;
	v2 =	vld [tilespmem:$0x1FDE0]  }
0x1d4: {  	v16 =	vmov v7;
	v7 =	vld [tilespmem:s0+$0xFFFFFE10];
	[tilespmem:v31+s21+$0x0] =	vst.idx.msk $0xffff, v14  }
0x1d5: {  	v34 =	vadd.s32 v60, v20;
	[tilespmem:v6+s21+$0x0] =	vst.idx.msk $0xffff, v12;
	v6 =	vld [tilespmem:s0+$0xFFFFFFB0]  }
0x1d6: {  	v36 =	vadd.s32 v52, v20;
	v30 =	vadd.s32 v30, v20;
	v12 =	vmovc v56;
	v56 =	vmov v52;
	v52 =	vld [tilespmem:s0+$0xFFFFFEE0]  }
0x1d7: {  	[tilespmem:v25+s21+$0x0] =	vst.idx.msk $0xffff, v22;
	v22 =	vld [tilespmem:$0x1FF80]  }
0x1d8: {  	v5 =	vadd.s32 v5, v35;
	v48 =	vadd.s32 v2, v35;
	v2 =	vadd.s32 v50, v35;
	v50 =	vld [tilespmem:s0+$0xFFFFFFF0]  }
0x1d9: {  	v53 =	vmov v42;
	v42 =	vadd.s32 v42, v35;
	[tilespmem:v26+s21+$0x0] =	vst.idx.msk $0xffff, v21;
	v26 =	vmov v5;
	v5 =	vld [tilespmem:$0x1FFB0]  }
0x1da: {  	v21 =	vld [tilespmem:s0+$0xFFFFFFE0];
	[tilespmem:v34+s21+$0x0] =	vst.idx.msk $0xffff, v18  }
0x1db: {  	[tilespmem:v30+s21+$0x0] =	vst.idx.msk $0xffff, v11;
	v30 =	vld [tilespmem:s0+$0xFFFFFE40]  }
0x1dc: {  	v11 =	vmov v45;
	[tilespmem:v36+s21+$0x0] =	vst.idx.msk $0xffff, v23;
	v45 =	vld [tilespmem:s0+$0xFFFFFE50]  }
0x1dd: {  	v60 =	vmovc v47;
	v47 =	vadd.s32 v47, v35;
	v32 =	vadd.s32 v59, v35;
	v1 =	vadd.s32 v1, v20;
	v36 =	vld [tilespmem:s0+$0xFFFFFE20]  }
0x1de: {  	v28 =	vadd.s32 v62, v35;
	v41 =	vadd.s32 v51, v35;
	[tilespmem:v42+s21+$0x0] =	vst.idx.msk $0xffff, v7;
	v7 =	vld [tilespmem:s0+$0xFFFFFE60]  }
0x1df: {  	v55 =	vmovc v51;
	v0 =	vadd.s32 v8, v35;
	v14 =	vmovc v39;
	v39 =	vadd.s32 v49, v35;
	v18 =	vmov v50;
	v50 =	vld [tilespmem:$0x1FFF0]  }
0x1e0: {  	v49 =	vadd.s32 v63, v35;
	v31 =	vadd.s32 v57, v35;
	v51 =	vadd.s32 v5, v20;
	v20 =	vmovc v35;
	v35 =	vld [tilespmem:s0+$0xFFFFFF90]  }
0x1e1: {  	[tilespmem:v27+s21+$0x0] =	vst.idx.msk $0xffff, v13;
	v13 =	vmov v6;
	v6 =	vld [tilespmem:s0+$0xFFFFFEF0]  }
0x1e2: {  	[tilespmem:v1+s21+$0x0] =	vst.idx.msk $0xffff, v10;
	v1 =	vld [tilespmem:s0+$0xFFFFFFD0]  }
0x1e3: {  	v34 =	vadd.s32 v22, v20;
	v22 =	vmov v3;
	v3 =	vld [tilespmem:s0+$0xFFFFFE90]  }
0x1e4: {  	v5 =	vadd.s32 v58, v20;
	v10 =	vmov v4;
	v4 =	vld [tilespmem:s0+$0xFFFFFED0]  }
0x1e5: {  	v27 =	vmov v5;
	v5 =	vld [tilespmem:s0+$0xFFFFFF10]  }
0x1e6: {  	[tilespmem:v37+s21+$0x0] =	vst.idx.msk $0xffff, v45;
	v45 =	vld [tilespmem:$0x1FF30]  }
0x1e7: {  	[tilespmem:v51+s21+$0x0] =	vst.idx.msk $0xffff, v9;
	v9 =	vmov v40;
	v40 =	vld [tilespmem:$0x1FED0]  }
0x1e8: {  	[tilespmem:v44+s21+$0x0] =	vst.idx.msk $0xffff, v35;
	v44 =	vld [tilespmem:$0x1FF10]  }
0x1e9: {  	[tilespmem:v34+s21+$0x0] =	vst.idx.msk $0xffff, v43;
	v43 =	vld [tilespmem:$0x1FEF0]  }
0x1ea: {  	p0 =	slt.u32 s1, $0x78;
	v23 =	vmov v30;
	v30 =	vld [tilespmem:s0+$0xFFFFFF20]  }
.Ltmp6:
0x1eb: {  	[tilespmem:v46+s21+$0x0] =	vst.idx.msk $0xffff, v1;
	v46 =	vld [tilespmem:$0x1FF50];
	(pc) =	sbr.rel @p0 .LBB2_10-.Ltmp6, $4  }
0x1ec: {  	[tilespmem:v41+s21+$0x0] =	vst.idx.msk $0xffff, v36;
	v34 =	vld [tilespmem:s0+$0xFFFFFF30]  }
0x1ed: {  	[tilespmem:v39+s21+$0x0] =	vst.idx.msk $0xffff, v38;
	v1 =	vld [tilespmem:s0+$0xFFFFFEC0]  }
0x1ee: {  	v25 =	vmov v48;
	v42 =	vmov v53;
	v36 =	vadd.s32 v61, v20;
	[tilespmem:v47+s21+$0x0] =	vst.idx.msk $0xffff, v4;
	v4 =	vld [tilespmem:s0+$0xFFFFFEA0]  }
0x1ef: {  	v51 =	vmovc v55;
	v35 =	vadd.s32 v54, v20;
	v47 =	vmov v60;
	s0 =	sadd.s32 $0x200, s0;
	[tilespmem:v49+s21+$0x0] =	vst.idx.msk $0xffff, v52;
	v52 =	vmov v56;
	v49 =	vld [tilespmem:$0x1FF70]  }
0x1f0: {  	_ =	sdelay $0x3  }
0x1f1: {  	[tilespmem:v0+s21+$0x0] =	vst.idx.msk $0xffff, v5  }
0x1f2: {  	[tilespmem:v2+s21+$0x0] =	vst.idx.msk $0xffff, v7  }
0x1f3: {  	[tilespmem:v36+s21+$0x0] =	vst.idx.msk $0xffff, v30  }
0x1f4: {  	v30 =	vld [tilespmem:$0x1FFD0];
	[tilespmem:v35+s21+$0x0] =	vst.idx.msk $0xffff, v34  }
0x1f5: {  	[tilespmem:v29+s21+$0x0] =	vst.idx.msk $0xffff, v3  }
0x1f6: {  	v35 =	vld [tilespmem:$0x1FFC0];
	_ =	sdelay $0x2  }
0x1f7: {  	v37 =	vadd.s32 v40, v20  }
0x1f8: {  	[tilespmem:v31+s21+$0x0] =	vst.idx.msk $0xffff, v6;
	v38 =	vadd.s32 v30, v20  }
0x1f9: {  	[tilespmem:v32+s21+$0x0] =	vst.idx.msk $0xffff, v19;
	v39 =	vadd.s32 v35, v20  }
0x1fa: {  	v63 =	vld [tilespmem:$0x1FFE0]  }
0x1fb: {  	v7 =	vld [tilespmem:$0x1FF90];
	[tilespmem:v28+s21+$0x0] =	vst.idx.msk $0xffff, v4  }
0x1fc: {  	[tilespmem:v37+s21+$0x0] =	vst.idx.msk $0xffff, v24  }
0x1fd: {  	[tilespmem:v38+s21+$0x0] =	vst.idx.msk $0xffff, v17  }
0x1fe: {  	[tilespmem:v39+s21+$0x0] =	vst.idx.msk $0xffff, v15  }
0x1ff: {  	v41 =	vadd.s32 v63, v20;
	v15 =	vld [tilespmem:$0x1FE20]  }
0x200: {  	v6 =	vadd.s32 v7, v20  }
0x201: {  	v48 =	vadd.s32 v43, v20;
	_ =	sdelay $0x1  }
0x202: {  	v54 =	vadd.s32 v45, v20  }
0x203: {  	[tilespmem:v41+s21+$0x0] =	vst.idx.msk $0xffff, v14;
	v57 =	vadd.s32 v15, v20  }
0x204: {  	v5 =	vld [tilespmem:$0x1FC40];
	[tilespmem:v6+s21+$0x0] =	vst.idx.msk $0xffff, v12  }
0x205: {  	[tilespmem:v48+s21+$0x0] =	vst.idx.msk $0xffff, v16  }
0x206: {  	[tilespmem:v26+s21+$0x0] =	vst.idx.msk $0xffff, v21  }
0x207: {  	[tilespmem:v54+s21+$0x0] =	vst.idx.msk $0xffff, v1  }
0x208: {  	v19 =	vld [tilespmem:$0x1FFA0];
	[tilespmem:v57+s21+$0x0] =	vst.idx.msk $0xffff, v18  }
0x209: {  	v58 =	vadd.s32 v5, v20;
	v8 =	vld [tilespmem:$0x1FFB0];
	_ =	sdelay $0x1  }
0x20a: {  	v59 =	vadd.s32 v52, v20;
	_ =	sdelay $0x1  }
0x20b: {  	v61 =	vadd.s32 v19, v20  }
0x20c: {  	[tilespmem:v58+s21+$0x0] =	vst.idx.msk $0xffff, v11;
	v62 =	vadd.s32 v8, v20  }
0x20d: {  	[tilespmem:v25+s21+$0x0] =	vst.idx.msk $0xffff, v22  }
0x20e: {  	[tilespmem:v59+s21+$0x0] =	vst.idx.msk $0xffff, v23  }
0x20f: {  	s0 =	sshll.u32 s28, $0x11;
	[tilespmem:v27+s21+$0x0] =	vst.idx.msk $0xffff, v13  }
0x210: {  	s30 =	sor.u32 s6, s0;
	[tilespmem:v61+s21+$0x0] =	vst.idx.msk $0xffff, v10  }
0x211: {  	s12 =	simm.s32 $0x14800;
	s1 =	sadd.s32 s2, s30;
	[tilespmem:v62+s21+$0x0] =	vst.idx.msk $0xffff, v9  }
0x212: {  	[hbm4b:s1+s3] =	stream.linear.scatter [tilespmem:s12], [sflag:$0x2], $0x80, $0x38;
	[tilespmem:$0x1D000] =	vst v63  }
0x213: {  	s13 =	simm.s32 $0x14888;
	s11 =	sadd.s32 $0x10, s1  }
0x214: {  	[hbm4b:s11+s3] =	stream.linear.scatter [tilespmem:s13], [sflag:$0x2], $0x80, $0x38;
	[tilespmem:$0x1D000] =	vst v63  }
0x215: {  	s12 =	simm.s32 $0x14910;
	s13 =	sadd.s32 $0x20, s1  }
0x216: {  	[hbm4b:s13+s3] =	stream.linear.scatter [tilespmem:s12], [sflag:$0x2], $0x80, $0x38;
	[tilespmem:$0x1D000] =	vst v63  }
0x217: {  	s12 =	simm.s32 $0x14998;
	s13 =	sadd.s32 $0x30, s1  }
0x218: {  	[hbm4b:s13+s3] =	stream.linear.scatter [tilespmem:s12], [sflag:$0x2], $0x80, $0x38;
	[tilespmem:$0x1D000] =	vst v63  }
0x219: {  	s12 =	simm.s32 $0x14A20;
	s13 =	sadd.s32 $0x40, s1  }
0x21a: {  	[hbm4b:s13+s3] =	stream.linear.scatter [tilespmem:s12], [sflag:$0x2], $0x80, $0x38;
	[tilespmem:$0x1D000] =	vst v63  }
0x21b: {  	s31 =	simm.s32 $0x2200;
	s12 =	simm.s32 $0x14AA8;
	s13 =	sadd.s32 $0x50, s1  }
0x21c: {  	[hbm4b:s13+s3] =	stream.linear.scatter [tilespmem:s12], [sflag:$0x2], $0x80, $0x38;
	[tilespmem:$0x1D000] =	vst v63  }
0x21d: {  	s0 =	simm.s32 $0x440;
	s12 =	simm.s32 $0x14B30;
	s13 =	sadd.s32 $0x60, s1  }
0x21e: {  	[hbm4b:s13+s3] =	stream.linear.scatter [tilespmem:s12], [sflag:$0x2], $0x80, $0x38;
	[tilespmem:$0x1D000] =	vst v63  }
0x21f: {  	v29 =	vmovc v30;
	v17 =	vmov v7;
	v22 =	vmov v15;
	v23 =	vmov v5;
	s11 =	simm.s32 $0x14BB8;
	s12 =	sadd.s32 $0x70, s1;
	s1 =	sadd.s32 $0x1000, s1  }
.LBB2_12:
0x220: {  	[hbm4b:s12+s3] =	stream.linear.scatter [tilespmem:s11], [sflag:$0x2], $0x80, $0x38;
	[tilespmem:$0x1D000] =	vst v63  }
0x221: {  	s11 =	smov.u32 s0;
	s0 =	smov.u32 s31  }
0x222: {  	s13 =	sadd.s32 $0x1100, s31;
	s0 =	sshra.s32 s0, $0x2;
	s12 =	sadd.s32 $0x14800, s11  }
0x223: {  	[hbm4b:s1+s3] =	stream.linear.scatter [tilespmem:s12], [sflag:$0x2], $0x80, $0x38;
	[tilespmem:$0x1D000] =	vst v63  }
0x224: {  	p0 =	sne.s32 s31, $0xFF00;
	s31 =	sadd.s32 $0x10, s1;
	s12 =	sadd.s32 $0x14888, s11  }
0x225: {  	[hbm4b:s31+s3] =	stream.linear.scatter [tilespmem:s12], [sflag:$0x2], $0x80, $0x38;
	[tilespmem:$0x1D000] =	vst v63  }
0x226: {  	s12 =	sadd.s32 $0x14910, s11;
	s31 =	sadd.s32 $0x20, s1  }
0x227: {  	[hbm4b:s31+s3] =	stream.linear.scatter [tilespmem:s12], [sflag:$0x2], $0x80, $0x38;
	[tilespmem:$0x1D000] =	vst v63  }
0x228: {  	s12 =	sadd.s32 $0x14998, s11;
	s31 =	sadd.s32 $0x30, s1  }
0x229: {  	[hbm4b:s31+s3] =	stream.linear.scatter [tilespmem:s12], [sflag:$0x2], $0x80, $0x38;
	[tilespmem:$0x1D000] =	vst v63  }
0x22a: {  	s12 =	sadd.s32 $0x14A20, s11;
	s31 =	sadd.s32 $0x40, s1  }
0x22b: {  	[hbm4b:s31+s3] =	stream.linear.scatter [tilespmem:s12], [sflag:$0x2], $0x80, $0x38;
	[tilespmem:$0x1D000] =	vst v63  }
.Ltmp7:
0x22c: {  	s12 =	sadd.s32 $0x14AA8, s11;
	s31 =	sadd.s32 $0x50, s1;
	(pc) =	sbr.rel @p0 .LBB2_12-.Ltmp7, $4  }
0x22d: {  	[hbm4b:s31+s3] =	stream.linear.scatter [tilespmem:s12], [sflag:$0x2], $0x80, $0x38;
	[tilespmem:$0x1D000] =	vst v63  }
0x22e: {  	s12 =	sadd.s32 $0x14B30, s11;
	s31 =	sadd.s32 $0x60, s1;
	s11 =	sadd.s32 $0x14BB8, s11  }
0x22f: {  	[hbm4b:s31+s3] =	stream.linear.scatter [tilespmem:s12], [sflag:$0x2], $0x80, $0x38;
	[tilespmem:$0x1D000] =	vst v63  }
0x230: {  	s12 =	sadd.s32 $0x70, s1;
	s1 =	sadd.s32 $0x1000, s1;
	s31 =	smov.u32 s13  }
0x231: {  	[hbm4b:s12+s3] =	stream.linear.scatter [tilespmem:s11], [sflag:$0x2], $0x80, $0x38;
	[tilespmem:$0x1D000] =	vst v63  }
0x232: {  	s13 =	sadd.s32 $0x14800, s0  }
0x233: {  	[hbm4b:s1+s3] =	stream.linear.scatter [tilespmem:s13], [sflag:$0x2], $0x80, $0x38;
	[tilespmem:$0x1D000] =	vst v63  }
0x234: {  	s12 =	sadd.s32 $0x14888, s0;
	s13 =	sadd.s32 $0x10, s1  }
0x235: {  	[hbm4b:s13+s3] =	stream.linear.scatter [tilespmem:s12], [sflag:$0x2], $0x80, $0x38;
	[tilespmem:$0x1D000] =	vst v63  }
0x236: {  	s12 =	sadd.s32 $0x14910, s0;
	s13 =	sadd.s32 $0x20, s1  }
0x237: {  	[hbm4b:s13+s3] =	stream.linear.scatter [tilespmem:s12], [sflag:$0x2], $0x80, $0x38;
	[tilespmem:$0x1D000] =	vst v63  }
0x238: {  	s12 =	sadd.s32 $0x14998, s0;
	s13 =	sadd.s32 $0x30, s1  }
0x239: {  	[hbm4b:s13+s3] =	stream.linear.scatter [tilespmem:s12], [sflag:$0x2], $0x80, $0x38;
	[tilespmem:$0x1D000] =	vst v63  }
0x23a: {  	v39 =	vld [tilespmem:$0x1FEB0];
	s12 =	sadd.s32 $0x14A20, s0;
	s13 =	sadd.s32 $0x40, s1  }
0x23b: {  	v41 =	vld [tilespmem:$0x1FEC0];
	[hbm4b:s13+s3] =	stream.linear.scatter [tilespmem:s12], [sflag:$0x2], $0x80, $0x38  }
0x23c: {  	s11 =	sadd.s32 $0x14BB8, s0;
	v48 =	vld [tilespmem:$0x1FEE0];
	s12 =	sadd.s32 $0x14AA8, s0;
	s13 =	sadd.s32 $0x50, s1  }
0x23d: {  	v59 =	vld [tilespmem:$0x1FF00];
	[hbm4b:s13+s3] =	stream.linear.scatter [tilespmem:s12], [sflag:$0x2], $0x80, $0x38  }
0x23e: {  	p0 =	seq.s32 s28, $0x31;
	v57 =	vld [tilespmem:$0x1FF20];
	s12 =	sadd.s32 $0x14B30, s0;
	s13 =	sadd.s32 $0x60, s1  }
0x23f: {  	v62 =	vld [tilespmem:$0x1FF40];
	[hbm4b:s13+s3] =	stream.linear.scatter [tilespmem:s12], [sflag:$0x2], $0x80, $0x38  }
0x240: {  	v61 =	vld [tilespmem:$0x1FF60];
	p1 =	seq.s32 @!p0 s28, $0x0;
	s0 =	sshrl.u32 @!p0 s29, $0x2;
	s12 =	sadd.s32 $0x70, s1  }
0x241: {  	v30 =	vld [tilespmem:$0x1FF80];
	[hbm4b:s12+s3] =	stream.linear.scatter [tilespmem:s11], [sflag:$0x2], $0x80, $0x38  }
0x242: {  	v25 =	vld [tilespmem:$0x1FDD0];
	s1 =	sadd.s32 @!p0 $0x6600, s0;
	s11 =	simm.s32 @!p0 $0x80;
	s12 =	simm.s32 @!p0 $0xC800  }
0x243: {  	v18 =	vld [tilespmem:$0x1FDE0];
	[tilespmem:s12], [sflag:$0x1] =	stream.indirect.gather @!p0 [hbm4b:s4+s11], $0x40, s1, s11, $0xb8  }
0x244: {  	v20 =	vld [tilespmem:$0x1FDF0];
	p1 =	por p0, !p1;
	s0 =	sadd.s32 @!p0 $0x6680, s0;
	s1 =	simm.s32 @!p0 $0xE800  }
0x245: {  	v31 =	vld [tilespmem:$0x1FE00];
	[tilespmem:s1], [sflag:$0x1] =	stream.indirect.gather @!p0 [hbm4b:s4+s11], $0x40, s0, s11, $0xb8  }
0x246: {  	v21 =	vld [tilespmem:$0x1FE10];
	s13 =	simm.s32 $0x7;
	_ =	swait.ge @p1 [sflag:s24], $0x4000  }
0x247: {  	v0 =	vmov s13;
	[sflag:s24] =	ssyncset.done @p1 $0x0  }
0x248: {  	v0 =	vshrl.u32 v0, $0x3;
	s1 =	simm.s32 $0x0;
	[sflag:s24] =	ssyncadd.s32 @p1 $0xFFFFC000  }
0x249: {  	v0 =	vshll.u32 v0, v33;
	v1 =	vmov s1;
	_ =	swait.ge [sflag:s19], $0x2000  }
0x24a: {  	v0 =	vbroadcast v0, $0x0;
	v1 =	vshrl.u32 v1, $0x3;
	[sflag:s19] =	ssyncset.done $0x0  }
0x24b: {  	s31 =	simm.s32 $0x10900;
	v1 =	vshll.u32 v1, v33;
	[sflag:s19] =	ssyncadd.s32 $0xFFFFE000  }
0x24c: {  	v3 =	vadd.s32 v31, v0;
	v1 =	vbroadcast v1, $0x0;
	v2 =	vld [tilespmem:s31+$0xC0]  }
0x24d: {  	v5 =	vadd.s32 v21, v0;
	v4 =	vld [tilespmem:s31+$0xD0]  }
0x24e: {  	s11 =	simm.s32 $0x1;
	v12 =	vadd.s32 v42, v1;
	v11 =	vld [tilespmem:s31+$0xFFFFFF00]  }
0x24f: {  	v7 =	vadd.s32 v22, v0;
	v9 =	vmov s11;
	v6 =	vld [tilespmem:s31+$0xE0]  }
0x250: {  	v0 =	vadd.s32 v23, v0;
	v9 =	vshrl.u32 v9, $0x3;
	v10 =	vld [tilespmem:s31+$0xF0]  }
0x251: {  	v9 =	vshll.u32 v9, v33;
	v14 =	vadd.s32 v51, v1;
	v13 =	vld [tilespmem:s31+$0xFFFFFF10];
	[tilespmem:v3+s22+$0x0] =	vst.idx.msk $0xffff, v2  }
0x252: {  	s12 =	simm.s32 $0x2;
	v9 =	vbroadcast v9, $0x0;
	v2 =	vld [tilespmem:s31+$0xFFFFFF20];
	v3 =	vadd.s32 v49, v1;
	[tilespmem:v5+s22+$0x0] =	vst.idx.msk $0xffff, v4  }
0x253: {  	v1 =	vadd.s32 v52, v1;
	v4 =	vld [tilespmem:s31+$0xFFFFFF30];
	v5 =	vmov s12;
	[tilespmem:v12+s22+$0x0] =	vst.idx.msk $0xffff, v11  }
0x254: {  	[tilespmem:v7+s22+$0x0] =	vst.idx.msk $0xffff, v6;
	v6 =	vld [tilespmem:s31+$0xFFFFFF40];
	v7 =	vadd.s32 v44, v9;
	v5 =	vshrl.u32 v5, $0x3  }
0x255: {  	[tilespmem:v0+s22+$0x0] =	vst.idx.msk $0xffff, v10;
	v0 =	vld [tilespmem:s31+$0xFFFFFF50];
	v10 =	vadd.s32 v50, v9;
	v5 =	vshll.u32 v5, v33  }
0x256: {  	s13 =	simm.s32 $0x3;
	v11 =	vld [tilespmem:s31+$0xFFFFFF60];
	v12 =	vadd.s32 v39, v9;
	[tilespmem:v14+s22+$0x0] =	vst.idx.msk $0xffff, v13;
	v5 =	vbroadcast v5, $0x0  }
0x257: {  	[tilespmem:v3+s22+$0x0] =	vst.idx.msk $0xffff, v2;
	v2 =	vld [tilespmem:s31+$0xFFFFFF70];
	v3 =	vadd.s32 v40, v9;
	v9 =	vmov s13  }
0x258: {  	[tilespmem:v1+s22+$0x0] =	vst.idx.msk $0xffff, v4;
	v1 =	vld [tilespmem:s31+$0xFFFFFF80];
	v4 =	vadd.s32 v46, v5;
	v9 =	vshrl.u32 v9, $0x3  }
0x259: {  	[tilespmem:v7+s22+$0x0] =	vst.idx.msk $0xffff, v6;
	v6 =	vld [tilespmem:s31+$0xFFFFFF90];
	v7 =	vadd.s32 v41, v5;
	v9 =	vshll.u32 v9, v33  }
0x25a: {  	s1 =	simm.s32 $0x4;
	[tilespmem:v10+s22+$0x0] =	vst.idx.msk $0xffff, v0;
	v0 =	vld [tilespmem:s31+$0xFFFFFFA0];
	v10 =	vadd.s32 v43, v5;
	v9 =	vbroadcast v9, $0x0  }
0x25b: {  	v5 =	vadd.s32 v45, v5;
	[tilespmem:v12+s22+$0x0] =	vst.idx.msk $0xffff, v11;
	v11 =	vld [tilespmem:s31+$0xFFFFFFB0];
	v12 =	vmov s1  }
0x25c: {  	[tilespmem:v3+s22+$0x0] =	vst.idx.msk $0xffff, v2;
	v2 =	vld [tilespmem:s31+$0xFFFFFFC0];
	v3 =	vadd.s32 v47, v9;
	v12 =	vshrl.u32 v12, $0x3  }
0x25d: {  	[tilespmem:v4+s22+$0x0] =	vst.idx.msk $0xffff, v1;
	v1 =	vld [tilespmem:s31+$0xFFFFFFD0];
	v4 =	vadd.s32 v48, v9;
	v12 =	vshll.u32 v12, v33  }
0x25e: {  	s11 =	simm.s32 $0x5;
	[tilespmem:v7+s22+$0x0] =	vst.idx.msk $0xffff, v6;
	v6 =	vld [tilespmem:s31+$0xFFFFFFE0];
	v7 =	vadd.s32 v59, v9;
	v12 =	vbroadcast v12, $0x0  }
0x25f: {  	v9 =	vadd.s32 v29, v9;
	[tilespmem:v10+s22+$0x0] =	vst.idx.msk $0xffff, v0;
	v0 =	vld [tilespmem:s31+$0xFFFFFFF0];
	v10 =	vmov s11  }
0x260: {  	[tilespmem:v5+s22+$0x0] =	vst.idx.msk $0xffff, v11;
	v5 =	vld [tilespmem:s31+$0x0];
	v11 =	vadd.s32 v57, v12;
	v10 =	vshrl.u32 v10, $0x3  }
0x261: {  	v13 =	vadd.s32 v62, v12;
	[tilespmem:v3+s22+$0x0] =	vst.idx.msk $0xffff, v2;
	v2 =	vld [tilespmem:s31+$0x10];
	v3 =	vshll.u32 v10, v33  }
0x262: {  	s12 =	simm.s32 $0x6;
	v14 =	vadd.s32 v61, v12;
	[tilespmem:v4+s22+$0x0] =	vst.idx.msk $0xffff, v1;
	v1 =	vld [tilespmem:s31+$0x20];
	v15 =	vbroadcast v3, $0x0  }
0x263: {  	v12 =	vadd.s32 v8, v12;
	v3 =	vmov s12;
	[tilespmem:v7+s22+$0x0] =	vst.idx.msk $0xffff, v6;
	v6 =	vld [tilespmem:s31+$0x30]  }
0x264: {  	[tilespmem:v9+s22+$0x0] =	vst.idx.msk $0xffff, v0;
	v9 =	vld [tilespmem:s31+$0x40];
	v16 =	vadd.s32 v30, v15;
	v0 =	vshrl.u32 v3, $0x3  }
0x265: {  	v3 =	vld [tilespmem:s31+$0x50];
	[tilespmem:v11+s22+$0x0] =	vst.idx.msk $0xffff, v5;
	v0 =	vshll.u32 v0, v33;
	v11 =	vadd.s32 v35, v15  }
0x266: {  	s13 =	simm.s32 $0xF;
	v7 =	vld [tilespmem:s31+$0x60];
	v10 =	vadd.s32 v63, v15;
	[tilespmem:v13+s22+$0x0] =	vst.idx.msk $0xffff, v2;
	v4 =	vbroadcast v0, $0x0  }
0x267: {  	v5 =	vadd.s32 v17, v15;
	v2 =	vmov s13;
	v0 =	vld [tilespmem:s31+$0x70];
	[tilespmem:v14+s22+$0x0] =	vst.idx.msk $0xffff, v1  }
0x268: {  	v2 =	vshrl.u32 v2, $0x3;
	v1 =	vld [tilespmem:s31+$0x80];
	[tilespmem:v12+s22+$0x0] =	vst.idx.msk $0xffff, v6;
	v6 =	vadd.s32 v25, v4  }
0x269: {  	s0 =	simm.s32 $0x10;
	s1 =	simm.s32 $0x8;
	v12 =	vshll.u32 v2, v33;
	v2 =	vld [tilespmem:s31+$0x90];
	[tilespmem:v16+s22+$0x0] =	vst.idx.msk $0xffff, v9;
	v9 =	vadd.s32 v18, v4  }
.LBB2_14:
0x26a: {  	p1 =	slt.u32 s0, $0x78;
	v12 =	vbroadcast v12, $0x0;
	[tilespmem:v11+s22+$0x0] =	vst.idx.msk $0xffff, v3;
	v3 =	vld [tilespmem:s31+$0xA0];
	v11 =	vadd.s32 v20, v4  }
0x26b: {  	v13 =	vmov s1;
	v4 =	vadd.s32 v19, v4;
	[tilespmem:v10+s22+$0x0] =	vst.idx.msk $0xffff, v7;
	v7 =	vld [tilespmem:s31+$0xB0];
	s31 =	sadd.s32 $0x200, s31  }
0x26c: {  	v10 =	vshrl.u32 v13, $0x3;
	v13 =	vld [tilespmem:s31+$0xC0];
	v14 =	vadd.s32 v31, v12;
	[tilespmem:v5+s22+$0x0] =	vst.idx.msk $0xffff, v0  }
0x26d: {  	v0 =	vshll.u32 v10, v33;
	v10 =	vadd.s32 v21, v12;
	v5 =	vld [tilespmem:s31+$0xD0];
	[tilespmem:v6+s22+$0x0] =	vst.idx.msk $0xffff, v1  }
0x26e: {  	s11 =	sadd.s32 $0x1, s1;
	v0 =	vbroadcast v0, $0x0;
	v6 =	vadd.s32 v22, v12;
	v1 =	vld [tilespmem:s31+$0xE0];
	[tilespmem:v9+s22+$0x0] =	vst.idx.msk $0xffff, v2  }
0x26f: {  	v12 =	vadd.s32 v23, v12;
	v2 =	vmov s11;
	v9 =	vld [tilespmem:s31+$0xF0];
	[tilespmem:v11+s22+$0x0] =	vst.idx.msk $0xffff, v3  }
0x270: {  	v11 =	vadd.s32 v42, v0;
	v2 =	vshrl.u32 v2, $0x3;
	v3 =	vld [tilespmem:s31+$0xFFFFFF00];
	[tilespmem:v4+s22+$0x0] =	vst.idx.msk $0xffff, v7  }
0x271: {  	v7 =	vadd.s32 v51, v0;
	v2 =	vshll.u32 v2, v33;
	v4 =	vld [tilespmem:s31+$0xFFFFFF10];
	[tilespmem:v14+s22+$0x0] =	vst.idx.msk $0xffff, v13  }
0x272: {  	s11 =	sadd.s32 $0x2, s1;
	v14 =	vadd.s32 v49, v0;
	v2 =	vbroadcast v2, $0x0;
	v13 =	vld [tilespmem:s31+$0xFFFFFF20];
	[tilespmem:v10+s22+$0x0] =	vst.idx.msk $0xffff, v5  }
0x273: {  	v0 =	vadd.s32 v52, v0;
	v10 =	vmov s11;
	v5 =	vld [tilespmem:s31+$0xFFFFFF30];
	[tilespmem:v6+s22+$0x0] =	vst.idx.msk $0xffff, v1  }
0x274: {  	v6 =	vadd.s32 v44, v2;
	v10 =	vshrl.u32 v10, $0x3;
	v1 =	vld [tilespmem:s31+$0xFFFFFF40];
	[tilespmem:v12+s22+$0x0] =	vst.idx.msk $0xffff, v9  }
0x275: {  	v9 =	vadd.s32 v50, v2;
	v10 =	vshll.u32 v10, v33;
	[tilespmem:v11+s22+$0x0] =	vst.idx.msk $0xffff, v3;
	v3 =	vld [tilespmem:s31+$0xFFFFFF50]  }
0x276: {  	s11 =	sadd.s32 $0x3, s1;
	v10 =	vbroadcast v10, $0x0;
	[tilespmem:v7+s22+$0x0] =	vst.idx.msk $0xffff, v4;
	v4 =	vld [tilespmem:s31+$0xFFFFFF60];
	v7 =	vadd.s32 v39, v2  }
0x277: {  	v12 =	vmov s11;
	v2 =	vadd.s32 v40, v2;
	[tilespmem:v14+s22+$0x0] =	vst.idx.msk $0xffff, v13;
	v11 =	vld [tilespmem:s31+$0xFFFFFF70]  }
0x278: {  	v12 =	vshrl.u32 v12, $0x3;
	[tilespmem:v0+s22+$0x0] =	vst.idx.msk $0xffff, v5;
	v0 =	vld [tilespmem:s31+$0xFFFFFF80];
	v5 =	vadd.s32 v46, v10  }
0x279: {  	v12 =	vshll.u32 v12, v33;
	[tilespmem:v6+s22+$0x0] =	vst.idx.msk $0xffff, v1;
	v1 =	vld [tilespmem:s31+$0xFFFFFF90];
	v6 =	vadd.s32 v41, v10  }
0x27a: {  	s11 =	sadd.s32 $0x4, s1;
	v12 =	vbroadcast v12, $0x0;
	[tilespmem:v9+s22+$0x0] =	vst.idx.msk $0xffff, v3;
	v3 =	vld [tilespmem:s31+$0xFFFFFFA0];
	v9 =	vadd.s32 v43, v10  }
0x27b: {  	[tilespmem:v7+s22+$0x0] =	vst.idx.msk $0xffff, v4;
	v4 =	vld [tilespmem:s31+$0xFFFFFFB0];
	v7 =	vadd.s32 v45, v10;
	v10 =	vmov s11  }
0x27c: {  	[tilespmem:v2+s22+$0x0] =	vst.idx.msk $0xffff, v11;
	v2 =	vld [tilespmem:s31+$0xFFFFFFC0];
	v11 =	vadd.s32 v47, v12;
	v10 =	vshrl.u32 v10, $0x3  }
0x27d: {  	[tilespmem:v5+s22+$0x0] =	vst.idx.msk $0xffff, v0;
	v0 =	vld [tilespmem:s31+$0xFFFFFFD0];
	v5 =	vadd.s32 v48, v12;
	v10 =	vshll.u32 v10, v33  }
0x27e: {  	s11 =	sadd.s32 $0x5, s1;
	[tilespmem:v6+s22+$0x0] =	vst.idx.msk $0xffff, v1;
	v1 =	vld [tilespmem:s31+$0xFFFFFFE0];
	v6 =	vadd.s32 v59, v12;
	v10 =	vbroadcast v10, $0x0  }
0x27f: {  	[tilespmem:v9+s22+$0x0] =	vst.idx.msk $0xffff, v3;
	v3 =	vld [tilespmem:s31+$0xFFFFFFF0];
	v9 =	vadd.s32 v29, v12;
	v12 =	vmov s11  }
0x280: {  	[tilespmem:v7+s22+$0x0] =	vst.idx.msk $0xffff, v4;
	v4 =	vld [tilespmem:s31+$0x0];
	v7 =	vadd.s32 v57, v10;
	v12 =	vshrl.u32 v12, $0x3  }
0x281: {  	v13 =	vadd.s32 v62, v10;
	[tilespmem:v11+s22+$0x0] =	vst.idx.msk $0xffff, v2;
	v2 =	vld [tilespmem:s31+$0x10];
	v11 =	vshll.u32 v12, v33  }
0x282: {  	s11 =	sadd.s32 $0x6, s1;
	s1 =	smov.u32 s0;
	[tilespmem:v5+s22+$0x0] =	vst.idx.msk $0xffff, v0;
	v0 =	vld [tilespmem:s31+$0x20];
	v5 =	vadd.s32 v61, v10;
	v12 =	vbroadcast v11, $0x0  }
0x283: {  	[tilespmem:v6+s22+$0x0] =	vst.idx.msk $0xffff, v1;
	v1 =	vld [tilespmem:s31+$0x30];
	v6 =	vadd.s32 v8, v10;
	v10 =	vmov s11  }
0x284: {  	[tilespmem:v9+s22+$0x0] =	vst.idx.msk $0xffff, v3;
	v9 =	vld [tilespmem:s31+$0x40];
	v14 =	vadd.s32 v30, v12;
	v10 =	vshrl.u32 v10, $0x3  }
.Ltmp8:
0x285: {  	v11 =	vadd.s32 v35, v12;
	[tilespmem:v7+s22+$0x0] =	vst.idx.msk $0xffff, v4;
	v3 =	vld [tilespmem:s31+$0x50];
	v4 =	vshll.u32 v10, v33;
	(pc) =	sbr.rel @p1 .LBB2_14-.Ltmp8, $4  }
0x286: {  	s11 =	sadd.s32 $0x7, s0;
	v10 =	vadd.s32 v63, v12;
	[tilespmem:v13+s22+$0x0] =	vst.idx.msk $0xffff, v2;
	v7 =	vld [tilespmem:s31+$0x60];
	v4 =	vbroadcast v4, $0x0  }
0x287: {  	v2 =	vmov s11;
	[tilespmem:v5+s22+$0x0] =	vst.idx.msk $0xffff, v0;
	v0 =	vld [tilespmem:s31+$0x70];
	v5 =	vadd.s32 v17, v12  }
0x288: {  	v2 =	vshrl.u32 v2, $0x3;
	[tilespmem:v6+s22+$0x0] =	vst.idx.msk $0xffff, v1;
	v1 =	vld [tilespmem:s31+$0x80];
	v6 =	vadd.s32 v25, v4  }
0x289: {  	s0 =	sadd.s32 $0x8, s0;
	v12 =	vshll.u32 v2, v33;
	[tilespmem:v14+s22+$0x0] =	vst.idx.msk $0xffff, v9;
	v2 =	vld [tilespmem:s31+$0x90];
	v9 =	vadd.s32 v18, v4  }
0x28a: {  	_ =	sdelay $0x3  }
0x28b: {  	v12 =	vbroadcast v12, $0x0;
	[tilespmem:v11+s22+$0x0] =	vst.idx.msk $0xffff, v3;
	v3 =	vld [tilespmem:s31+$0xA0];
	v11 =	vadd.s32 v20, v4  }
0x28c: {  	v13 =	vmov s1;
	v4 =	vadd.s32 v19, v4;
	s0 =	sadd.s32 $0x200, s31;
	[tilespmem:v10+s22+$0x0] =	vst.idx.msk $0xffff, v7;
	v7 =	vld [tilespmem:s31+$0xB0]  }
0x28d: {  	v10 =	vshrl.u32 v13, $0x3;
	v13 =	vld [tilespmem:s0+$0xC0];
	v14 =	vadd.s32 v31, v12;
	[tilespmem:v5+s22+$0x0] =	vst.idx.msk $0xffff, v0  }
0x28e: {  	v0 =	vshll.u32 v10, v33;
	v5 =	vld [tilespmem:s0+$0xD0];
	v10 =	vadd.s32 v21, v12;
	[tilespmem:v6+s22+$0x0] =	vst.idx.msk $0xffff, v1  }
0x28f: {  	s11 =	sadd.s32 $0x1, s1;
	v0 =	vbroadcast v0, $0x0;
	v1 =	vld [tilespmem:s0+$0xE0];
	v6 =	vadd.s32 v22, v12;
	[tilespmem:v9+s22+$0x0] =	vst.idx.msk $0xffff, v2  }
0x290: {  	v12 =	vadd.s32 v23, v12;
	v2 =	vmov s11;
	v9 =	vld [tilespmem:s0+$0xF0];
	[tilespmem:v11+s22+$0x0] =	vst.idx.msk $0xffff, v3  }
0x291: {  	v3 =	vld [tilespmem:s0+$0xFFFFFF00];
	v11 =	vadd.s32 v42, v0;
	v2 =	vshrl.u32 v2, $0x3;
	[tilespmem:v4+s22+$0x0] =	vst.idx.msk $0xffff, v7  }
0x292: {  	v4 =	vld [tilespmem:s0+$0xFFFFFF10];
	v7 =	vadd.s32 v51, v0;
	v2 =	vshll.u32 v2, v33;
	[tilespmem:v14+s22+$0x0] =	vst.idx.msk $0xffff, v13  }
0x293: {  	s12 =	sadd.s32 $0x2, s1;
	v13 =	vld [tilespmem:s0+$0xFFFFFF20];
	v14 =	vadd.s32 v49, v0;
	v2 =	vbroadcast v2, $0x0;
	[tilespmem:v10+s22+$0x0] =	vst.idx.msk $0xffff, v5  }
0x294: {  	v0 =	vadd.s32 v52, v0;
	v5 =	vld [tilespmem:s0+$0xFFFFFF30];
	v10 =	vmov s12;
	[tilespmem:v6+s22+$0x0] =	vst.idx.msk $0xffff, v1  }
0x295: {  	v1 =	vld [tilespmem:s0+$0xFFFFFF40];
	v6 =	vadd.s32 v44, v2;
	v10 =	vshrl.u32 v10, $0x3;
	[tilespmem:v12+s22+$0x0] =	vst.idx.msk $0xffff, v9  }
0x296: {  	[tilespmem:v11+s22+$0x0] =	vst.idx.msk $0xffff, v3;
	v3 =	vld [tilespmem:s0+$0xFFFFFF50];
	v9 =	vadd.s32 v50, v2;
	v10 =	vshll.u32 v10, v33  }
0x297: {  	s13 =	sadd.s32 $0x3, s1;
	[tilespmem:v7+s22+$0x0] =	vst.idx.msk $0xffff, v4;
	v4 =	vld [tilespmem:s0+$0xFFFFFF60];
	v7 =	vadd.s32 v39, v2;
	v10 =	vbroadcast v10, $0x0  }
0x298: {  	v11 =	vld [tilespmem:s0+$0xFFFFFF70];
	v12 =	vmov s13;
	v2 =	vadd.s32 v40, v2;
	[tilespmem:v14+s22+$0x0] =	vst.idx.msk $0xffff, v13  }
0x299: {  	v12 =	vshrl.u32 v12, $0x3;
	[tilespmem:v0+s22+$0x0] =	vst.idx.msk $0xffff, v5;
	v0 =	vld [tilespmem:s0+$0xFFFFFF80];
	v5 =	vadd.s32 v46, v10  }
0x29a: {  	v12 =	vshll.u32 v12, v33;
	[tilespmem:v6+s22+$0x0] =	vst.idx.msk $0xffff, v1;
	v1 =	vld [tilespmem:s0+$0xFFFFFF90];
	v6 =	vadd.s32 v41, v10  }
0x29b: {  	s31 =	sadd.s32 $0x4, s1;
	v12 =	vbroadcast v12, $0x0;
	[tilespmem:v9+s22+$0x0] =	vst.idx.msk $0xffff, v3;
	v3 =	vld [tilespmem:s0+$0xFFFFFFA0];
	v9 =	vadd.s32 v43, v10  }
0x29c: {  	[tilespmem:v7+s22+$0x0] =	vst.idx.msk $0xffff, v4;
	v4 =	vld [tilespmem:s0+$0xFFFFFFB0];
	v7 =	vadd.s32 v45, v10;
	v10 =	vmov s31  }
0x29d: {  	[tilespmem:v2+s22+$0x0] =	vst.idx.msk $0xffff, v11;
	v2 =	vld [tilespmem:s0+$0xFFFFFFC0];
	v11 =	vadd.s32 v47, v12;
	v10 =	vshrl.u32 v10, $0x3  }
0x29e: {  	[tilespmem:v5+s22+$0x0] =	vst.idx.msk $0xffff, v0;
	v0 =	vld [tilespmem:s0+$0xFFFFFFD0];
	v5 =	vadd.s32 v48, v12;
	v10 =	vshll.u32 v10, v33  }
0x29f: {  	s12 =	sadd.s32 $0x5, s1;
	[tilespmem:v6+s22+$0x0] =	vst.idx.msk $0xffff, v1;
	v1 =	vld [tilespmem:s0+$0xFFFFFFE0];
	v6 =	vadd.s32 v59, v12;
	v10 =	vbroadcast v10, $0x0  }
0x2a0: {  	[tilespmem:v9+s22+$0x0] =	vst.idx.msk $0xffff, v3;
	v3 =	vld [tilespmem:s0+$0xFFFFFFF0];
	v9 =	vadd.s32 v29, v12;
	v12 =	vmov s12  }
0x2a1: {  	[tilespmem:v7+s22+$0x0] =	vst.idx.msk $0xffff, v4;
	v4 =	vld [tilespmem:s0+$0x0];
	v7 =	vadd.s32 v57, v10;
	v12 =	vshrl.u32 v12, $0x3  }
0x2a2: {  	[tilespmem:v11+s22+$0x0] =	vst.idx.msk $0xffff, v2;
	v2 =	vld [tilespmem:s0+$0x10];
	v11 =	vadd.s32 v62, v10;
	v12 =	vshll.u32 v12, v33  }
0x2a3: {  	s13 =	sadd.s32 $0x6, s1;
	[tilespmem:v5+s22+$0x0] =	vst.idx.msk $0xffff, v0;
	v0 =	vld [tilespmem:s0+$0x20];
	v5 =	vadd.s32 v61, v10;
	v12 =	vbroadcast v12, $0x0  }
0x2a4: {  	[tilespmem:v6+s22+$0x0] =	vst.idx.msk $0xffff, v1;
	v1 =	vld [tilespmem:s0+$0x30];
	v6 =	vadd.s32 v8, v10;
	v10 =	vmov s13  }
0x2a5: {  	[tilespmem:v9+s22+$0x0] =	vst.idx.msk $0xffff, v3;
	v3 =	vld [tilespmem:s0+$0x40];
	v9 =	vadd.s32 v30, v12;
	v10 =	vshrl.u32 v10, $0x3  }
0x2a6: {  	[tilespmem:v7+s22+$0x0] =	vst.idx.msk $0xffff, v4;
	v4 =	vld [tilespmem:s0+$0x50];
	v7 =	vadd.s32 v35, v12;
	v10 =	vshll.u32 v10, v33  }
0x2a7: {  	[tilespmem:v11+s22+$0x0] =	vst.idx.msk $0xffff, v2;
	v2 =	vld [tilespmem:s0+$0x60];
	v11 =	vadd.s32 v63, v12;
	v10 =	vbroadcast v10, $0x0  }
0x2a8: {  	[tilespmem:v5+s22+$0x0] =	vst.idx.msk $0xffff, v0;
	v0 =	vld [tilespmem:s0+$0x70];
	v5 =	vadd.s32 v17, v12  }
0x2a9: {  	[tilespmem:v6+s22+$0x0] =	vst.idx.msk $0xffff, v1;
	v1 =	vld [tilespmem:s0+$0x80];
	v6 =	vadd.s32 v25, v10  }
0x2aa: {  	[tilespmem:v9+s22+$0x0] =	vst.idx.msk $0xffff, v3;
	v3 =	vld [tilespmem:s0+$0x90];
	v9 =	vadd.s32 v18, v10  }
0x2ab: {  	[tilespmem:v7+s22+$0x0] =	vst.idx.msk $0xffff, v4;
	v4 =	vld [tilespmem:s0+$0xA0];
	v7 =	vadd.s32 v20, v10  }
0x2ac: {  	v10 =	vadd.s32 v19, v10;
	[tilespmem:v11+s22+$0x0] =	vst.idx.msk $0xffff, v2;
	v2 =	vld [tilespmem:s0+$0xB0]  }
0x2ad: {  	[tilespmem:v5+s22+$0x0] =	vst.idx.msk $0xffff, v0  }
0x2ae: {  	[tilespmem:v6+s22+$0x0] =	vst.idx.msk $0xffff, v1  }
0x2af: {  	[tilespmem:v9+s22+$0x0] =	vst.idx.msk $0xffff, v3  }
0x2b0: {  	[tilespmem:v7+s22+$0x0] =	vst.idx.msk $0xffff, v4  }
0x2b1: {  	[tilespmem:v10+s22+$0x0] =	vst.idx.msk $0xffff, v2  }
0x2b2: {  	_ =	swait.ge [sflag:s19], $0x2000  }
0x2b3: {  	[sflag:s19] =	ssyncset.done $0x0  }
0x2b4: {  	s31 =	simm.s32 $0x129F0;
	[sflag:s19] =	ssyncadd.s32 $0xFFFFE000  }
0x2b5: {  	v19 =	vld [tilespmem:s31+$0xFFFFFE70]  }
0x2b6: {  	v17 =	vld [tilespmem:s31+$0xFFFFFF00]  }
0x2b7: {  	v15 =	vld [tilespmem:s31+$0xFFFFFF60]  }
0x2b8: {  	v12 =	vld [tilespmem:s31+$0xFFFFFF80]  }
0x2b9: {  	v14 =	vld [tilespmem:s31+$0xFFFFFF70]  }
0x2ba: {  	v9 =	vld [tilespmem:s31+$0xFFFFFF40]  }
0x2bb: {  	v38 =	vld [tilespmem:s31+$0xFFFFFF50]  }
0x2bc: {  	v10 =	vld [tilespmem:s31+$0x0]  }
0x2bd: {  	v16 =	vld [tilespmem:s31+$0xFFFFFEB0]  }
0x2be: {  	v58 =	vld [tilespmem:s31+$0xFFFFFE30]  }
0x2bf: {  	v24 =	vld [tilespmem:s31+$0xFFFFFE80]  }
0x2c0: {  	v11 =	vld [tilespmem:s31+$0xFFFFFFC0]  }
0x2c1: {  	v54 =	vmov v18;
	s1 =	simm.s32 $0x0;
	v18 =	vld [tilespmem:s31+$0xFFFFFFF0]  }
0x2c2: {  	v2 =	vmov s1;
	v13 =	vld [tilespmem:s31+$0xFFFFFFB0]  }
0x2c3: {  	v2 =	vshrl.u32 v2, $0x3;
	v3 =	vld [tilespmem:s31+$0xFFFFFE10]  }
0x2c4: {  	v0 =	vmov v21;
	v2 =	vshll.u32 v2, $0x3;
	v21 =	vld [tilespmem:s31+$0xFFFFFFE0]  }
0x2c5: {  	v1 =	vmov v20;
	v20 =	vbroadcast v2, $0x0;
	v22 =	vld [tilespmem:s31+$0xFFFFFFA0]  }
0x2c6: {  	v4 =	vld [tilespmem:s31+$0xFFFFFEE0]  }
0x2c7: {  	v23 =	vld [tilespmem:s31+$0xFFFFFE40];
	v2 =	vadd.s32 v42, v20  }
0x2c8: {  	v7 =	vld [tilespmem:s31+$0xFFFFFF90];
	v6 =	vadd.s32 v25, v20  }
0x2c9: {  	v26 =	vld [tilespmem:s31+$0xFFFFFE20];
	v25 =	vadd.s32 v30, v20  }
0x2ca: {  	v34 =	vld [tilespmem:s31+$0xFFFFFFD0];
	v31 =	vadd.s32 v31, v20  }
0x2cb: {  	v32 =	vld [tilespmem:s31+$0xFFFFFE50];
	v42 =	vadd.s32 v44, v20  }
0x2cc: {  	v37 =	vld [tilespmem:s31+$0xFFFFFED0];
	v36 =	vadd.s32 v47, v20;
	[tilespmem:v2+s23+$0x0] =	vst.idx.msk $0xffff, v3  }
0x2cd: {  	v5 =	vld [tilespmem:s31+$0xFFFFFF10];
	v27 =	vadd.s32 v51, v20;
	v28 =	vadd.s32 v49, v20;
	[tilespmem:v6+s23+$0x0] =	vst.idx.msk $0xffff, v7  }
0x2ce: {  	v29 =	vadd.s32 v46, v20;
	v63 =	vadd.s32 v48, v20;
	v30 =	vld [tilespmem:s31+$0xFFFFFF20];
	[tilespmem:v25+s23+$0x0] =	vst.idx.msk $0xffff, v38  }
0x2cf: {  	v35 =	vadd.s32 v61, v20;
	v3 =	vld [tilespmem:s31+$0xFFFFFE90];
	v25 =	vadd.s32 v54, v20;
	[tilespmem:v31+s23+$0x0] =	vst.idx.msk $0xffff, v34  }
0x2d0: {  	v7 =	vld [tilespmem:s31+$0xFFFFFE60];
	v2 =	vadd.s32 v50, v20;
	v31 =	vadd.s32 v59, v20;
	[tilespmem:v42+s23+$0x0] =	vst.idx.msk $0xffff, v32  }
0x2d1: {  	v8 =	vmov v57;
	v6 =	vld [tilespmem:s31+$0xFFFFFEF0];
	v32 =	vadd.s32 v39, v20;
	[tilespmem:v36+s23+$0x0] =	vst.idx.msk $0xffff, v37;
	v36 =	vadd.s32 v62, v20  }
0x2d2: {  	v34 =	vld [tilespmem:s31+$0xFFFFFF30];
	v54 =	vmovc v61;
	v61 =	vmov v62;
	v62 =	vmov v41;
	[tilespmem:v27+s23+$0x0] =	vst.idx.msk $0xffff, v26;
	v26 =	vadd.s32 v0, v20  }
0x2d3: {  	v0 =	vadd.s32 v57, v20;
	v27 =	vadd.s32 v1, v20;
	[tilespmem:v63+s23+$0x0] =	vst.idx.msk $0xffff, v4;
	v4 =	vld [tilespmem:s31+$0xFFFFFEA0];
	v57 =	vmov v59  }
0x2d4: {  	s0 =	simm.s32 $0x12BF0;
	v59 =	vmovc v39;
	v63 =	vmov v48;
	[tilespmem:v28+s23+$0x0] =	vst.idx.msk $0xffff, v58;
	v28 =	vadd.s32 v41, v20;
	v58 =	vmov v1;
	v1 =	vld [tilespmem:s31+$0xFFFFFEC0]  }
.LBB2_16:
0x2d5: {  	v37 =	vld [tilespmem:s0+$0xFFFFFE70]  }
0x2d6: {  	v38 =	vld [tilespmem:$0x1FFD0]  }
0x2d7: {  	v48 =	vld [tilespmem:$0x1FE20]  }
0x2d8: {  	v39 =	vld [tilespmem:s0+$0xFFFFFF70]  }
0x2d9: {  	[tilespmem:v0+s23+$0x0] =	vst.idx.msk $0xffff, v5;
	v5 =	vld [tilespmem:s0+$0xFFFFFF00]  }
0x2da: {  	[tilespmem:v31+s23+$0x0] =	vst.idx.msk $0xffff, v6;
	v6 =	vld [tilespmem:$0x1FF90]  }
0x2db: {  	[tilespmem:v2+s23+$0x0] =	vst.idx.msk $0xffff, v7;
	v2 =	vld [tilespmem:s0+$0xFFFFFF60]  }
0x2dc: {  	[tilespmem:v36+s23+$0x0] =	vst.idx.msk $0xffff, v30;
	v30 =	vld [tilespmem:$0x1FC40]  }
0x2dd: {  	v36 =	vld [tilespmem:s0+$0xFFFFFF80]  }
0x2de: {  	s1 =	sadd.s32 $0x8, s1;
	v41 =	vadd.s32 v43, v20;
	v43 =	vld [tilespmem:s0+$0xFFFFFF50]  }
0x2df: {  	v0 =	vmov s1;
	v7 =	vadd.s32 v40, v20;
	[tilespmem:v29+s23+$0x0] =	vst.idx.msk $0xffff, v3;
	v29 =	vld [tilespmem:$0x1FDD0]  }
0x2e0: {  	v0 =	vshrl.u32 v0, $0x3;
	v3 =	vadd.s32 v45, v20;
	v45 =	vld [tilespmem:s0+$0x0]  }
0x2e1: {  	v0 =	vshll.u32 v0, $0x3;
	[tilespmem:v32+s23+$0x0] =	vst.idx.msk $0xffff, v19;
	v19 =	vld [tilespmem:$0x1FFE0]  }
0x2e2: {  	v38 =	vadd.s32 v38, v20;
	[tilespmem:v35+s23+$0x0] =	vst.idx.msk $0xffff, v34;
	v35 =	vbroadcast v0, $0x0;
	v0 =	vld [tilespmem:$0x1FFC0]  }
0x2e3: {  	v40 =	vld [tilespmem:s0+$0xFFFFFF40]  }
0x2e4: {  	[tilespmem:v7+s23+$0x0] =	vst.idx.msk $0xffff, v24;
	v7 =	vld [tilespmem:s0+$0xFFFFFEB0]  }
0x2e5: {  	v24 =	vld [tilespmem:$0x1FE00]  }
0x2e6: {  	[tilespmem:v28+s23+$0x0] =	vst.idx.msk $0xffff, v4;
	v4 =	vld [tilespmem:s0+$0xFFFFFFC0]  }
0x2e7: {  	[tilespmem:v38+s23+$0x0] =	vst.idx.msk $0xffff, v17;
	v38 =	vld [tilespmem:s0+$0xFFFFFE30];
	v0 =	vadd.s32 v0, v20  }
0x2e8: {  	v31 =	vadd.s32 v19, v20;
	v17 =	vmov v5;
	v5 =	vld [tilespmem:$0x1FE10];
	[tilespmem:v41+s23+$0x0] =	vst.idx.msk $0xffff, v16  }
0x2e9: {  	v6 =	vadd.s32 v6, v20;
	[tilespmem:v3+s23+$0x0] =	vst.idx.msk $0xffff, v1;
	v1 =	vld [tilespmem:$0x1FFA0]  }
0x2ea: {  	v19 =	vmov v37;
	v37 =	vadd.s32 v44, v35;
	v3 =	vld [tilespmem:s0+$0xFFFFFFA0]  }
0x2eb: {  	v44 =	vadd.s32 v29, v35;
	v29 =	vadd.s32 v46, v35;
	v46 =	vadd.s32 v24, v35;
	v24 =	vld [tilespmem:s0+$0xFFFFFE80]  }
0x2ec: {  	[tilespmem:v0+s23+$0x0] =	vst.idx.msk $0xffff, v15;
	v15 =	vmov v2;
	v2 =	vld [tilespmem:$0x1FDE0]  }
0x2ed: {  	v16 =	vmov v7;
	v7 =	vld [tilespmem:s0+$0xFFFFFE10];
	[tilespmem:v31+s23+$0x0] =	vst.idx.msk $0xffff, v14  }
0x2ee: {  	v34 =	vadd.s32 v48, v20;
	[tilespmem:v6+s23+$0x0] =	vst.idx.msk $0xffff, v12;
	v6 =	vld [tilespmem:s0+$0xFFFFFFB0]  }
0x2ef: {  	v30 =	vadd.s32 v30, v20;
	v12 =	vmov v36;
	v36 =	vadd.s32 v52, v20;
	v52 =	vld [tilespmem:s0+$0xFFFFFEE0]  }
0x2f0: {  	[tilespmem:v25+s23+$0x0] =	vst.idx.msk $0xffff, v22;
	v22 =	vld [tilespmem:$0x1FF80]  }
0x2f1: {  	v5 =	vadd.s32 v5, v35;
	v48 =	vadd.s32 v2, v35;
	v2 =	vadd.s32 v50, v35;
	v50 =	vld [tilespmem:s0+$0xFFFFFFF0]  }
0x2f2: {  	v42 =	vadd.s32 v53, v35;
	[tilespmem:v26+s23+$0x0] =	vst.idx.msk $0xffff, v21;
	v26 =	vmov v5;
	v5 =	vld [tilespmem:$0x1FFB0]  }
0x2f3: {  	v21 =	vld [tilespmem:s0+$0xFFFFFFE0];
	[tilespmem:v34+s23+$0x0] =	vst.idx.msk $0xffff, v18  }
0x2f4: {  	[tilespmem:v30+s23+$0x0] =	vst.idx.msk $0xffff, v10;
	v30 =	vld [tilespmem:s0+$0xFFFFFE40]  }
0x2f5: {  	v10 =	vmov v45;
	[tilespmem:v36+s23+$0x0] =	vst.idx.msk $0xffff, v23;
	v45 =	vld [tilespmem:s0+$0xFFFFFE50]  }
0x2f6: {  	v47 =	vadd.s32 v60, v35;
	v32 =	vadd.s32 v59, v35;
	v1 =	vadd.s32 v1, v20;
	v36 =	vld [tilespmem:s0+$0xFFFFFE20]  }
0x2f7: {  	v28 =	vadd.s32 v62, v35;
	v41 =	vadd.s32 v51, v35;
	[tilespmem:v42+s23+$0x0] =	vst.idx.msk $0xffff, v7;
	v7 =	vld [tilespmem:s0+$0xFFFFFE60]  }
0x2f8: {  	v0 =	vadd.s32 v8, v35;
	v14 =	vmovc v39;
	v39 =	vadd.s32 v49, v35;
	v18 =	vmov v50;
	v50 =	vld [tilespmem:$0x1FFF0]  }
0x2f9: {  	v49 =	vadd.s32 v63, v35;
	v31 =	vadd.s32 v57, v35;
	v51 =	vadd.s32 v5, v20;
	v20 =	vmovc v35;
	v35 =	vld [tilespmem:s0+$0xFFFFFF90]  }
0x2fa: {  	[tilespmem:v27+s23+$0x0] =	vst.idx.msk $0xffff, v13;
	v13 =	vmov v6;
	v6 =	vld [tilespmem:s0+$0xFFFFFEF0]  }
0x2fb: {  	[tilespmem:v1+s23+$0x0] =	vst.idx.msk $0xffff, v11;
	v1 =	vld [tilespmem:s0+$0xFFFFFFD0]  }
0x2fc: {  	v34 =	vadd.s32 v22, v20;
	v22 =	vmov v3;
	v3 =	vld [tilespmem:s0+$0xFFFFFE90]  }
0x2fd: {  	v5 =	vadd.s32 v58, v20;
	v11 =	vmov v4;
	v4 =	vld [tilespmem:s0+$0xFFFFFED0]  }
0x2fe: {  	v27 =	vmov v5;
	v5 =	vld [tilespmem:s0+$0xFFFFFF10]  }
0x2ff: {  	[tilespmem:v37+s23+$0x0] =	vst.idx.msk $0xffff, v45;
	v45 =	vld [tilespmem:$0x1FF30]  }
0x300: {  	[tilespmem:v51+s23+$0x0] =	vst.idx.msk $0xffff, v9;
	v9 =	vmov v40;
	v40 =	vld [tilespmem:$0x1FED0]  }
0x301: {  	[tilespmem:v44+s23+$0x0] =	vst.idx.msk $0xffff, v35;
	v44 =	vld [tilespmem:$0x1FF10]  }
0x302: {  	[tilespmem:v34+s23+$0x0] =	vst.idx.msk $0xffff, v43;
	v43 =	vld [tilespmem:$0x1FEF0]  }
0x303: {  	p1 =	slt.u32 s1, $0x78;
	v23 =	vmov v30;
	v30 =	vld [tilespmem:s0+$0xFFFFFF20]  }
.Ltmp9:
0x304: {  	[tilespmem:v46+s23+$0x0] =	vst.idx.msk $0xffff, v1;
	v46 =	vld [tilespmem:$0x1FF50];
	(pc) =	sbr.rel @p1 .LBB2_16-.Ltmp9, $4  }
0x305: {  	[tilespmem:v41+s23+$0x0] =	vst.idx.msk $0xffff, v36;
	v34 =	vld [tilespmem:s0+$0xFFFFFF30]  }
0x306: {  	[tilespmem:v39+s23+$0x0] =	vst.idx.msk $0xffff, v38;
	v1 =	vld [tilespmem:s0+$0xFFFFFEC0]  }
0x307: {  	v36 =	vadd.s32 v61, v20;
	[tilespmem:v47+s23+$0x0] =	vst.idx.msk $0xffff, v4;
	v4 =	vld [tilespmem:s0+$0xFFFFFEA0]  }
0x308: {  	v25 =	vmovc v48;
	v51 =	vmov v55;
	v35 =	vadd.s32 v54, v20;
	s0 =	sadd.s32 $0x200, s0;
	[tilespmem:v49+s23+$0x0] =	vst.idx.msk $0xffff, v52;
	v52 =	vmov v56;
	v49 =	vld [tilespmem:$0x1FF70]  }
0x309: {  	_ =	sdelay $0x3  }
0x30a: {  	[tilespmem:v0+s23+$0x0] =	vst.idx.msk $0xffff, v5  }
0x30b: {  	[tilespmem:v2+s23+$0x0] =	vst.idx.msk $0xffff, v7  }
0x30c: {  	[tilespmem:v36+s23+$0x0] =	vst.idx.msk $0xffff, v30  }
0x30d: {  	v36 =	vld [tilespmem:$0x1FFD0];
	[tilespmem:v35+s23+$0x0] =	vst.idx.msk $0xffff, v34  }
0x30e: {  	[tilespmem:v29+s23+$0x0] =	vst.idx.msk $0xffff, v3  }
0x30f: {  	v35 =	vld [tilespmem:$0x1FFC0];
	_ =	sdelay $0x2  }
0x310: {  	v63 =	vadd.s32 v40, v20  }
0x311: {  	[tilespmem:v31+s23+$0x0] =	vst.idx.msk $0xffff, v6;
	v41 =	vadd.s32 v36, v20  }
0x312: {  	[tilespmem:v32+s23+$0x0] =	vst.idx.msk $0xffff, v19;
	v48 =	vadd.s32 v35, v20  }
0x313: {  	v55 =	vld [tilespmem:$0x1FFE0]  }
0x314: {  	v7 =	vld [tilespmem:$0x1FF90];
	[tilespmem:v28+s23+$0x0] =	vst.idx.msk $0xffff, v4  }
0x315: {  	[tilespmem:v63+s23+$0x0] =	vst.idx.msk $0xffff, v24  }
0x316: {  	[tilespmem:v41+s23+$0x0] =	vst.idx.msk $0xffff, v17  }
0x317: {  	[tilespmem:v48+s23+$0x0] =	vst.idx.msk $0xffff, v15  }
0x318: {  	v57 =	vadd.s32 v55, v20;
	v3 =	vld [tilespmem:$0x1FE20]  }
0x319: {  	v58 =	vadd.s32 v7, v20  }
0x31a: {  	v59 =	vadd.s32 v43, v20;
	_ =	sdelay $0x1  }
0x31b: {  	v47 =	vmov v60;
	v60 =	vadd.s32 v45, v20  }
0x31c: {  	[tilespmem:v57+s23+$0x0] =	vst.idx.msk $0xffff, v14;
	v3 =	vadd.s32 v3, v20  }
0x31d: {  	v4 =	vld [tilespmem:$0x1FC40];
	[tilespmem:v58+s23+$0x0] =	vst.idx.msk $0xffff, v12  }
0x31e: {  	[tilespmem:v59+s23+$0x0] =	vst.idx.msk $0xffff, v16  }
0x31f: {  	[tilespmem:v26+s23+$0x0] =	vst.idx.msk $0xffff, v21  }
0x320: {  	[tilespmem:v60+s23+$0x0] =	vst.idx.msk $0xffff, v1  }
0x321: {  	v17 =	vld [tilespmem:$0x1FFA0];
	[tilespmem:v3+s23+$0x0] =	vst.idx.msk $0xffff, v18  }
0x322: {  	v4 =	vadd.s32 v4, v20;
	v32 =	vld [tilespmem:$0x1FFB0];
	_ =	sdelay $0x1  }
0x323: {  	v61 =	vadd.s32 v52, v20;
	_ =	sdelay $0x1  }
0x324: {  	v62 =	vadd.s32 v17, v20  }
0x325: {  	[tilespmem:v4+s23+$0x0] =	vst.idx.msk $0xffff, v10;
	v63 =	vadd.s32 v32, v20  }
0x326: {  	[tilespmem:v25+s23+$0x0] =	vst.idx.msk $0xffff, v22  }
0x327: {  	[tilespmem:v61+s23+$0x0] =	vst.idx.msk $0xffff, v23  }
0x328: {  	[tilespmem:v27+s23+$0x0] =	vst.idx.msk $0xffff, v13  }
0x329: {  	[tilespmem:v62+s23+$0x0] =	vst.idx.msk $0xffff, v11  }
0x32a: {  	s1 =	sadd.s32 s30, s7;
	s0 =	simm.s32 $0x18C00;
	[tilespmem:v63+s23+$0x0] =	vst.idx.msk $0xffff, v9  }
0x32b: {  	[hbm4b:s1+s3] =	stream.linear.scatter [tilespmem:s0], [sflag:$0x2], $0x80, $0x38;
	[tilespmem:$0x1D000] =	vst v63  }
0x32c: {  	s12 =	simm.s32 $0x18C88;
	s11 =	sadd.s32 $0x10, s1  }
0x32d: {  	[hbm4b:s11+s3] =	stream.linear.scatter [tilespmem:s12], [sflag:$0x2], $0x80, $0x38;
	[tilespmem:$0x1D000] =	vst v63  }
0x32e: {  	s13 =	simm.s32 $0x18D10;
	s30 =	simm.s32 $0x2200;
	s31 =	sadd.s32 $0x20, s1  }
0x32f: {  	[hbm4b:s31+s3] =	stream.linear.scatter [tilespmem:s13], [sflag:$0x2], $0x80, $0x38;
	[tilespmem:$0x1D000] =	vst v63  }
0x330: {  	s0 =	simm.s32 $0x440;
	s11 =	simm.s32 $0x18D98;
	s12 =	sadd.s32 $0x30, s1  }
0x331: {  	[hbm4b:s12+s3] =	stream.linear.scatter [tilespmem:s11], [sflag:$0x2], $0x80, $0x38;
	[tilespmem:$0x1D000] =	vst v63  }
0x332: {  	s13 =	simm.s32 $0x18E20;
	s31 =	sadd.s32 $0x40, s1;
	s11 =	simm.s32 $0x18EA8  }
0x333: {  	[hbm4b:s31+s3] =	stream.linear.scatter [tilespmem:s13], [sflag:$0x2], $0x80, $0x38;
	[tilespmem:$0x1D000] =	vst v63  }
0x334: {  	s12 =	sadd.s32 $0x50, s1;
	s13 =	simm.s32 $0x18F30;
	s31 =	sadd.s32 $0x60, s1  }
0x335: {  	[hbm4b:s12+s3] =	stream.linear.scatter [tilespmem:s11], [sflag:$0x2], $0x80, $0x38;
	[tilespmem:$0x1D000] =	vst v63  }
0x336: {  	s11 =	simm.s32 $0x18FB8;
	s12 =	sadd.s32 $0x70, s1;
	s1 =	sadd.s32 $0x1000, s1  }
0x337: {  	v42 =	vmov v53;
	v16 =	vmov v7;
	[hbm4b:s31+s3] =	stream.linear.scatter [tilespmem:s13], [sflag:$0x2], $0x80, $0x38;
	[tilespmem:$0x1D000] =	vst v63  }
.LBB2_18:
0x338: {  	[hbm4b:s12+s3] =	stream.linear.scatter [tilespmem:s11], [sflag:$0x2], $0x80, $0x38;
	[tilespmem:$0x1D000] =	vst v63  }
0x339: {  	s11 =	smov.u32 s0;
	s0 =	smov.u32 s30  }
0x33a: {  	s13 =	sadd.s32 $0x1100, s30;
	s0 =	sshra.s32 s0, $0x2;
	s12 =	sadd.s32 $0x18C00, s11  }
0x33b: {  	[hbm4b:s1+s3] =	stream.linear.scatter [tilespmem:s12], [sflag:$0x2], $0x80, $0x38;
	[tilespmem:$0x1D000] =	vst v63  }
0x33c: {  	p1 =	sne.s32 s30, $0xFF00;
	s30 =	sadd.s32 $0x10, s1;
	s12 =	sadd.s32 $0x18C88, s11  }
0x33d: {  	[hbm4b:s30+s3] =	stream.linear.scatter [tilespmem:s12], [sflag:$0x2], $0x80, $0x38;
	[tilespmem:$0x1D000] =	vst v63  }
0x33e: {  	s12 =	sadd.s32 $0x18D10, s11;
	s30 =	sadd.s32 $0x20, s1  }
0x33f: {  	[hbm4b:s30+s3] =	stream.linear.scatter [tilespmem:s12], [sflag:$0x2], $0x80, $0x38;
	[tilespmem:$0x1D000] =	vst v63  }
0x340: {  	s12 =	sadd.s32 $0x18D98, s11;
	s30 =	sadd.s32 $0x30, s1  }
0x341: {  	[hbm4b:s30+s3] =	stream.linear.scatter [tilespmem:s12], [sflag:$0x2], $0x80, $0x38;
	[tilespmem:$0x1D000] =	vst v63  }
0x342: {  	s12 =	sadd.s32 $0x18E20, s11;
	s30 =	sadd.s32 $0x40, s1  }
0x343: {  	[hbm4b:s30+s3] =	stream.linear.scatter [tilespmem:s12], [sflag:$0x2], $0x80, $0x38;
	[tilespmem:$0x1D000] =	vst v63  }
.Ltmp10:
0x344: {  	s12 =	sadd.s32 $0x18EA8, s11;
	s30 =	sadd.s32 $0x50, s1;
	(pc) =	sbr.rel @p1 .LBB2_18-.Ltmp10, $4  }
0x345: {  	[hbm4b:s30+s3] =	stream.linear.scatter [tilespmem:s12], [sflag:$0x2], $0x80, $0x38;
	[tilespmem:$0x1D000] =	vst v63  }
0x346: {  	s12 =	sadd.s32 $0x18F30, s11;
	s30 =	sadd.s32 $0x60, s1;
	s11 =	sadd.s32 $0x18FB8, s11  }
0x347: {  	[hbm4b:s30+s3] =	stream.linear.scatter [tilespmem:s12], [sflag:$0x2], $0x80, $0x38;
	[tilespmem:$0x1D000] =	vst v63  }
0x348: {  	s12 =	sadd.s32 $0x70, s1;
	s1 =	sadd.s32 $0x1000, s1;
	s30 =	smov.u32 s13  }
0x349: {  	[hbm4b:s12+s3] =	stream.linear.scatter [tilespmem:s11], [sflag:$0x2], $0x80, $0x38;
	[tilespmem:$0x1D000] =	vst v63  }
0x34a: {  	s13 =	sadd.s32 $0x18C00, s0  }
0x34b: {  	v24 =	vld [tilespmem:$0x1FE30];
	[hbm4b:s1+s3] =	stream.linear.scatter [tilespmem:s13], [sflag:$0x2], $0x80, $0x38  }
0x34c: {  	s30 =	sadd.s32 $0x18C88, s0;
	s31 =	sadd.s32 $0x10, s1;
	v25 =	vld [tilespmem:$0x1FE40]  }
0x34d: {  	v26 =	vld [tilespmem:$0x1FE50];
	[hbm4b:s31+s3] =	stream.linear.scatter [tilespmem:s30], [sflag:$0x2], $0x80, $0x38  }
0x34e: {  	s12 =	sadd.s32 $0x18D10, s0;
	v27 =	vld [tilespmem:$0x1FE60];
	s13 =	sadd.s32 $0x20, s1  }
0x34f: {  	v28 =	vld [tilespmem:$0x1FE70];
	[hbm4b:s13+s3] =	stream.linear.scatter [tilespmem:s12], [sflag:$0x2], $0x80, $0x38  }
0x350: {  	v29 =	vld [tilespmem:$0x1FE80];
	s30 =	sadd.s32 $0x18D98, s0;
	s31 =	sadd.s32 $0x30, s1  }
0x351: {  	v30 =	vld [tilespmem:$0x1FE90];
	[hbm4b:s31+s3] =	stream.linear.scatter [tilespmem:s30], [sflag:$0x2], $0x80, $0x38  }
0x352: {  	v31 =	vld [tilespmem:$0x1FEA0];
	s12 =	sadd.s32 $0x18E20, s0;
	s13 =	sadd.s32 $0x40, s1  }
0x353: {  	v37 =	vld [tilespmem:$0x1FEB0];
	[hbm4b:s13+s3] =	stream.linear.scatter [tilespmem:s12], [sflag:$0x2], $0x80, $0x38  }
0x354: {  	v62 =	vld [tilespmem:$0x1FEC0];
	s30 =	sadd.s32 $0x18EA8, s0;
	s31 =	sadd.s32 $0x50, s1  }
0x355: {  	v63 =	vld [tilespmem:$0x1FEE0];
	[hbm4b:s31+s3] =	stream.linear.scatter [tilespmem:s30], [sflag:$0x2], $0x80, $0x38  }
.Ltmp11:
0x356: {  	v41 =	vld [tilespmem:$0x1FF00];
	(pc) =	sbr.rel @p0 .LBB2_21-.Ltmp11, $4  }
0x357: {  	v48 =	vld [tilespmem:$0x1FF20];
	s12 =	sadd.s32 $0x18F30, s0;
	s13 =	sadd.s32 $0x60, s1  }
0x358: {  	v61 =	vld [tilespmem:$0x1FF40];
	[hbm4b:s13+s3] =	stream.linear.scatter [tilespmem:s12], [sflag:$0x2], $0x80, $0x38  }
0x359: {  	v54 =	vld [tilespmem:$0x1FF60];
	s30 =	sadd.s32 $0x18FB8, s0;
	s31 =	sadd.s32 $0x70, s1  }
0x35a: {  	v34 =	vld [tilespmem:$0x1FF80];
	[hbm4b:s31+s3] =	stream.linear.scatter [tilespmem:s30], [sflag:$0x2], $0x80, $0x38  }
.Ltmp12:
0x35b: {  	s0 =	sshrl.u32 s29, $0x2;
	(pc) =	sbr.rel .LBB2_4-.Ltmp12, $4  }
0x35c: {  	s1 =	sadd.s32 $0x6700, s0  }
0x35d: {  	[tilespmem:s16], [sflag:$0x1] =	stream.indirect.gather [hbm4b:s4+s10], $0x40, s1, s10, $0xb8;
	[tilespmem:$0x1D000] =	vst v63  }
0x35e: {  	s28 =	sadd.s32 $0x1, s28;
	s0 =	sadd.s32 $0x6780, s0  }
0x35f: {  	[tilespmem:s18], [sflag:$0x1] =	stream.indirect.gather [hbm4b:s4+s10], $0x40, s0, s10, $0xb8;
	[tilespmem:$0x1D000] =	vst v63  }
.LBB2_5:
.Ltmp13:
0x360: {  	(pc) =	sbr.rel .LBB2_9-.Ltmp13, $2  }
0x361: {  	_ =	sdelay $0x2  }
0x362: {  	s1 =	simm.s32 $0xC900;
	s31 =	simm.s32 $0x0  }
.LBB2_7:
.Ltmp14:
0x363: {  	(pc) =	sbr.rel .LBB2_9-.Ltmp14, $2  }
0x364: {  	_ =	sdelay $0x2  }
0x365: {  	s1 =	simm.s32 $0xC900  }
.LBB2_22:
0x366: {  	_ =	sfence.sel $0x180000  }
0x367: {  	[bflag:$0x0] =	sbarrier.arrive $0xFFFF  }
0x368: {  	_ =	strace $0x90000047  }
0x369: {  	s0 =	stileid.u32;
	[bflag:$0x2] =	sbarrier.arrive $0xFFFF  }
0x36a: {  	p0 =	sne.s32 s0, $0x0;
	s0 =	rddreg [dreg:$0x2]  }
0x36b: {  	s0 =	sadd.s32 @!p0 $0x100000, s0  }
0x36c: {  	[sflag:s0] =	ssyncadd.tile.s32 @!p0 $0x1;
	_ =	shalt  }
.Lfunc_end2:
_tile_overlayer_lowered:
.L_overlay_start_2:
0x36d: {  	(tag) =	ssettag $0x2  }
0x36e: {  	s0 =	rddreg [dreg:$0x0];
	s2 =	stileid.u32  }
0x36f: {  	s1 =	rddreg [dreg:$0x1];
	p0 =	sne.s32 s2, $0x0  }
0x370: {  	s3 =	rddreg [dreg:$0x2];
	[bflag:$0x3] =	sbarrier.arrive $0xFFFF;
	s2 =	simm.s32 @!p0 $0x1C03  }
0x371: {  	[timem:s3], [sflag:s2] =	dma.local @!p0 [hbm:s0], s1  }
0x372: {  	s0 =	simm.s32 @!p0 $0x3  }
0x373: {  	_ =	swait.ge @!p0 [sflag:s0], s1  }
0x374: {  	s1 =	ssub.s32 @!p0 $0x0, s1;
	[sflag:s0] =	ssyncset.done @!p0 $0x0  }
0x375: {  	[sflag:s0] =	ssyncadd.s32 @!p0 s1  }
0x376: {  	[bflag:$0x3] =	sbarrier.arrive $0xFFFF  }
0x377: {  	_ =	shalt  }

</sc_bundles>
